<compile_context>
chip_gen: v7x
topology: tpu7x:2x2x1
jax: 0.10.2.dev20260603
libtpu: 0.0.44.dev20260713+nightly
codegen_flags: <defaults>
</compile_context>

<pallas_src>
import functools

import jax
import jax.numpy as jnp
from jax import lax
from jax.experimental import pallas as pl
from jax.experimental.pallas import tpu as pltpu
from jax.experimental.pallas import tpu_sc as plsc

N = 10000
D = 128
H = 128
HID = 256
NUM_LABELS = 7
E = 320000

NC = 2
NS = 16
NW = NC * NS
CK = 128
NCHUNK = 79
NCHUNK_T = NCHUNK
EPT = CK * NCHUNK
E_REAL = EPT * NW
NDEG = 10240
DEG_PT = NDEG // NS
NROW = 10240
ROWS_PT = NROW // NS

_mesh = plsc.VectorSubcoreMesh(core_axis_name="c", subcore_axis_name="s")


def _zero_vmem_2d(ref, nrows):
    z = jnp.zeros((16,), jnp.float32)

    def body(i, _):
        for j in range(8):
            ref[i, pl.ds(j * 16, 16)] = z
        return 0

    lax.fori_loop(0, nrows, body, 0)


def _zero_vmem_1d(ref, n):
    z = jnp.zeros((16,), jnp.float32)

    def body(i, _):
        ref[pl.ds(i * 16, 16)] = z
        return 0

    lax.fori_loop(0, n // 16, body, 0)


@functools.partial(
    pl.kernel,
    out_type=jax.ShapeDtypeStruct((NC, NDEG), jnp.float32),
    mesh=_mesh,
    scratch_types=[
        pltpu.VMEM_SHARED((NDEG,), jnp.float32),
        pltpu.VMEM((CK,), jnp.int32),
        pltpu.VMEM((CK,), jnp.float32),
        pltpu.VMEM((DEG_PT,), jnp.float32),
    ],
)
def _deg_kernel(rf_hbm, wf_hbm, out, deg_sp, ridx, wbuf, zbuf):
    cid = lax.axis_index("c")
    sid = lax.axis_index("s")
    wid = sid * NC + cid

    _zero_vmem_1d(zbuf, DEG_PT)
    pltpu.sync_copy(zbuf, deg_sp.at[pl.ds(sid * DEG_PT, DEG_PT)])
    plsc.subcore_barrier()

    def chunk(k, _):
        base = (wid * NCHUNK_T + k) * CK
        pltpu.sync_copy(rf_hbm.at[pl.ds(base, CK)], ridx)
        pltpu.sync_copy(wf_hbm.at[pl.ds(base, CK)], wbuf)
        pltpu.sync_copy(wbuf, deg_sp.at[ridx], add=True)
        return 0

    lax.fori_loop(0, NCHUNK, chunk, 0)
    plsc.subcore_barrier()
    pltpu.sync_copy(
        deg_sp.at[pl.ds(sid * DEG_PT, DEG_PT)],
        out.at[cid, pl.ds(sid * DEG_PT, DEG_PT)],
    )


@functools.partial(
    pl.kernel,
    out_type=jax.ShapeDtypeStruct((NC, NROW, H), jnp.float32),
    mesh=_mesh,
    scratch_types=[
        pltpu.VMEM_SHARED((NROW, H), jnp.float32),
        pltpu.VMEM((CK,), jnp.int32),
        pltpu.VMEM((CK,), jnp.int32),
        pltpu.VMEM((CK + 16,), jnp.float32),
        pltpu.VMEM((2 * CK, H), jnp.float32),
        pltpu.SemaphoreType.DMA,
    ],
)
def _agg_kernel(hws_hbm, rf_hbm, cf_hbm, wf_hbm, out, acc_sp, cidx0,
                ridx, wch, rows, sem0):
    cid = lax.axis_index("c")
    sid = lax.axis_index("s")
    wid = sid * NC + cid

    _zero_vmem_2d(rows, 2 * CK)
    base_row = sid * ROWS_PT
    pltpu.sync_copy(rows.at[pl.ds(0, 2 * CK), :],
                    acc_sp.at[pl.ds(base_row, 2 * CK), :])
    pltpu.sync_copy(rows.at[pl.ds(0, 2 * CK), :],
                    acc_sp.at[pl.ds(base_row + 2 * CK, 2 * CK), :])
    pltpu.sync_copy(rows.at[pl.ds(0, ROWS_PT - 4 * CK), :],
                    acc_sp.at[pl.ds(base_row + 4 * CK, ROWS_PT - 4 * CK), :])
    plsc.subcore_barrier()

    tbase = wid * NCHUNK_T * CK

    def rows_at(b):
        return rows.at[pl.ds(b * CK, CK), :]

    def chunk(k, _):
        base = tbase + k * CK
        pltpu.sync_copy(cf_hbm.at[pl.ds(base, CK)], cidx0)
        pltpu.async_copy(hws_hbm.at[cidx0], rows_at(0), sem0)
        pltpu.sync_copy(rf_hbm.at[pl.ds(base, CK)], ridx)
        pltpu.sync_copy(wf_hbm.at[pl.ds(base, CK)], wch.at[pl.ds(0, CK)])
        pltpu.make_async_copy(hws_hbm.at[cidx0], rows_at(0), sem0).wait()

        def scale(e, _):
            ws = wch[pl.ds(e, 16)][0]
            for j in range(8):
                sl = pl.ds(j * 16, 16)
                rows[e, sl] = rows[e, sl] * ws
            return 0

        lax.fori_loop(0, CK, scale, 0)
        pltpu.sync_copy(rows_at(0), acc_sp.at[ridx], add=True)
        return 0

    lax.fori_loop(0, NCHUNK, chunk, 0)
    plsc.subcore_barrier()

    for j in range(5):
        pltpu.sync_copy(acc_sp.at[pl.ds(base_row + j * CK, CK), :],
                        out.at[cid, pl.ds(base_row + j * CK, CK), :])


RB = 400
GRID = N // RB


def _mm1_body(x_ref, w_ref, d0_ref, d1_ref, hws_ref, dinv_ref):
    dinv = lax.rsqrt(d0_ref[...] + d1_ref[...] + 1.0)
    hw = jnp.dot(x_ref[...], w_ref[...], preferred_element_type=jnp.float32)
    hws_ref[...] = dinv * hw
    dinv_ref[...] = dinv


def _mm1(x, W0, d0, d1):
    return pl.pallas_call(
        _mm1_body,
        grid=(GRID,),
        in_specs=[
            pl.BlockSpec((RB, D), lambda i: (i, 0)),
            pl.BlockSpec((D, H), lambda i: (0, 0)),
            pl.BlockSpec((RB, 1), lambda i: (i, 0)),
            pl.BlockSpec((RB, 1), lambda i: (i, 0)),
        ],
        out_specs=[
            pl.BlockSpec((RB, H), lambda i: (i, 0)),
            pl.BlockSpec((RB, 1), lambda i: (i, 0)),
        ],
        out_shape=[
            jax.ShapeDtypeStruct((N, H), jnp.float32),
            jax.ShapeDtypeStruct((N, 1), jnp.float32),
        ],
    )(x, W0, d0, d1)


def _combine_mm_body(p0_ref, p1_ref, hws_ref, dinv_ref, b_ref, w_ref, out_ref):
    dinv = dinv_ref[...]
    h = jax.nn.relu(dinv * (p0_ref[0] + p1_ref[0] + hws_ref[...])
                    + b_ref[...])
    out_ref[...] = dinv * jnp.dot(h, w_ref[...],
                                  preferred_element_type=jnp.float32)


def _combine_mm(p, hws, dinv, b, W):
    return pl.pallas_call(
        _combine_mm_body,
        grid=(GRID,),
        in_specs=[
            pl.BlockSpec((1, RB, H), lambda i: (0, i, 0)),
            pl.BlockSpec((1, RB, H), lambda i: (1, i, 0)),
            pl.BlockSpec((RB, H), lambda i: (i, 0)),
            pl.BlockSpec((RB, 1), lambda i: (i, 0)),
            pl.BlockSpec((1, H), lambda i: (0, 0)),
            pl.BlockSpec((H, H), lambda i: (0, 0)),
        ],
        out_specs=pl.BlockSpec((RB, H), lambda i: (i, 0)),
        out_shape=jax.ShapeDtypeStruct((N, H), jnp.float32),
    )(p, p, hws, dinv, b, W)


def _final_body(p0_ref, p1_ref, hws_ref, dinv_ref, b_ref, wd1_ref, bd1_ref,
                wd2_ref, bd2_ref, out_ref):
    dinv = dinv_ref[...]
    h = jax.nn.relu(dinv * (p0_ref[0] + p1_ref[0] + hws_ref[...])
                    + b_ref[...])
    t = jax.nn.relu(jnp.dot(h, wd1_ref[...],
                            preferred_element_type=jnp.float32) + bd1_ref[...])
    out_ref[...] = jnp.dot(t, wd2_ref[...],
                           preferred_element_type=jnp.float32) + bd2_ref[...]


def _final(p, hws, dinv, b, Wd1, bd1, Wd2p, bd2p):
    return pl.pallas_call(
        _final_body,
        grid=(GRID,),
        in_specs=[
            pl.BlockSpec((1, RB, H), lambda i: (0, i, 0)),
            pl.BlockSpec((1, RB, H), lambda i: (1, i, 0)),
            pl.BlockSpec((RB, H), lambda i: (i, 0)),
            pl.BlockSpec((RB, 1), lambda i: (i, 0)),
            pl.BlockSpec((1, H), lambda i: (0, 0)),
            pl.BlockSpec((H, HID), lambda i: (0, 0)),
            pl.BlockSpec((1, HID), lambda i: (0, 0)),
            pl.BlockSpec((HID, H), lambda i: (0, 0)),
            pl.BlockSpec((1, H), lambda i: (0, 0)),
        ],
        out_specs=pl.BlockSpec((RB, H), lambda i: (i, 0)),
        out_shape=jax.ShapeDtypeStruct((N, H), jnp.float32),
    )(p, p, hws, dinv, b, Wd1, bd1, Wd2p, bd2p)


@jax.jit
def kernel(x, edge_index, edge_weight, W0, b0, W1, b1, W2, b2, Wd1, bd1,
           Wd2, bd2):
    r = edge_index[0].astype(jnp.int32)
    c = edge_index[1].astype(jnp.int32)
    w = edge_weight.astype(jnp.float32)
    pad = E_REAL - E
    rf = jnp.pad(r, (0, pad))
    cf = jnp.pad(c, (0, pad))
    wf = jnp.pad(w, (0, pad))

    degp = _deg_kernel(rf, wf)
    d0 = degp[0, :N, None]
    d1 = degp[1, :N, None]

    hws, dinv = _mm1(x, W0, d0, d1)

    p = _agg_kernel(hws, rf, cf, wf)
    hws = _combine_mm(p, hws, dinv, b0.reshape(1, H), W1)

    p = _agg_kernel(hws, rf, cf, wf)
    hws = _combine_mm(p, hws, dinv, b1.reshape(1, H), W2)

    p = _agg_kernel(hws, rf, cf, wf)
    Wd2p = jnp.pad(Wd2, ((0, 0), (0, H - NUM_LABELS)))
    bd2p = jnp.pad(bd2, (0, H - NUM_LABELS)).reshape(1, H)
    out = _final(p, hws, dinv, b2.reshape(1, H), Wd1,
                 bd1.reshape(1, HID), Wd2p, bd2p)
    return out[:, :NUM_LABELS]

# --- scband reference (transcript-rebuilt; emitter-appended) ---
"""Pipeline reference for scband-gcnmodel-42528766165363 (READ-ONLY COPY).

The authoritative reference and input builder live on the scoring server;
editing this copy changes nothing except your own understanding.
"""

import jax, jax.numpy as jnp
import numpy as np

N = 10000
E = 320000
D = 128
H = 128
HID = 256
NUM_LABELS = 7


def setup_inputs(seed: int = 0) -> dict:
    key = jax.random.key(seed)
    ks = jax.random.split(key, 16)
    x = jax.random.normal(ks[0], (N, D), dtype=jnp.float32)
    edge_index = jax.random.randint(ks[1], (2, E), 0, N, dtype=jnp.int32).astype(jnp.int64)
    edge_weight = jax.random.uniform(ks[2], (E,), dtype=jnp.float32)
    W0 = jax.random.normal(ks[3], (D, H), dtype=jnp.float32) * 0.05
    b0 = jnp.zeros((H,), dtype=jnp.float32)
    W1 = jax.random.normal(ks[4], (H, H), dtype=jnp.float32) * 0.05
    b1 = jnp.zeros((H,), dtype=jnp.float32)
    W2 = jax.random.normal(ks[5], (H, H), dtype=jnp.float32) * 0.05
    b2 = jnp.zeros((H,), dtype=jnp.float32)
    Wd1 = jax.random.normal(ks[6], (H, HID), dtype=jnp.float32) * 0.05
    bd1 = jnp.zeros((HID,), dtype=jnp.float32)
    Wd2 = jax.random.normal(ks[7], (HID, NUM_LABELS), dtype=jnp.float32) * 0.05
    bd2 = jnp.zeros((NUM_LABELS,), dtype=jnp.float32)
    return {"x": x, "edge_index": edge_index, "edge_weight": edge_weight,
            "W0": W0, "b0": b0, "W1": W1, "b1": b1, "W2": W2, "b2": b2,
            "Wd1": Wd1, "bd1": bd1, "Wd2": Wd2, "bd2": bd2}


def _gcn_layer(h, edge_index, edge_weight, W, b):
    # tf_geometric GCN: renormalized D^{-1/2} (A + I) D^{-1/2} X W, relu activation
    row = edge_index[0]
    col = edge_index[1]
    loop = jnp.arange(N, dtype=row.dtype)
    r = jnp.concatenate([row, loop])
    c = jnp.concatenate([col, loop])
    w = jnp.concatenate([edge_weight, jnp.ones((N,), dtype=edge_weight.dtype)])
    deg = jax.ops.segment_sum(w, r, num_segments=N)
    dinv = jnp.where(deg > 0, jax.lax.rsqrt(deg), 0.0)
    norm = dinv[r] * w * dinv[c]
    hw = h @ W
    msg = jnp.take(hw, c, axis=0) * norm[:, None]
    agg = jax.ops.segment_sum(msg, r, num_segments=N)
    return jax.nn.relu(agg + b)


def reference(x, edge_index, edge_weight, W0, b0, W1, b1, W2, b2, Wd1, bd1, Wd2, bd2):
    h = _gcn_layer(x, edge_index, edge_weight, W0, b0)
    h = _gcn_layer(h, edge_index, edge_weight, W1, b1)
    h = _gcn_layer(h, edge_index, edge_weight, W2, b2)
    # MLP head: Flatten (per-node features already flat), Dense(256, relu), Dense(num_labels)
    h = jax.nn.relu(h @ Wd1 + bd1)
    out = h @ Wd2 + bd2
    return out

if __name__ == "__main__":
    import jax
    _d = setup_inputs()
    print(jax.jit(kernel)(*tuple(_d.values())))

</pallas_src>

<mosaic_0001>
#map = affine_map<(d0, d1) -> (0, 0)>
#map1 = affine_map<(d0, d1) -> (0)>
#map2 = affine_map<(d0, d1) -> (0, 0, 0)>
module attributes {stable_mosaic.version = 14 : i64} {
  func.func @_agg_kernel(%arg0: i32, %arg1: i32, %arg2: memref<10000x128xf32, #tpu.memory_space<hbm>>, %arg3: memref<323584xi32, #tpu.memory_space<hbm>>, %arg4: memref<323584xi32, #tpu.memory_space<hbm>>, %arg5: memref<323584xf32, #tpu.memory_space<hbm>>, %arg6: memref<2x10240x128xf32, #tpu.memory_space<hbm>>, %arg7: memref<10240x128xf32, #tpu.memory_space<vmem_shared>>, %arg8: memref<128xi32, #tpu.memory_space<vmem>>, %arg9: memref<128xi32, #tpu.memory_space<vmem>>, %arg10: memref<144xf32, #tpu.memory_space<vmem>>, %arg11: memref<256x128xf32, #tpu.memory_space<vmem>>, %arg12: memref<!tpu.dma_semaphore, #tpu.memory_space<semaphore_mem>>) attributes {dimension_semantics = [#tpu.dimension_semantics<core_parallel>, #tpu.dimension_semantics<subcore_parallel>], iteration_bounds = array<i64: 2, 16>, scalar_prefetch = 0 : i64, scratch_operands = 6 : i64, tpu.core_type = #tpu.core_type<sc_vector_subcore>, window_params = [{transform_indices = #map}, {transform_indices = #map1}, {transform_indices = #map1}, {transform_indices = #map1}, {transform_indices = #map2}]} {
    %mul3A = arith.constant 2 : i32
    %mul3A_0 = arith.muli %arg1, %mul3A : i32
    %add3A = arith.addi %mul3A_0, %arg0 : i32
    %broadcast_in_dim3A = arith.constant 0.000000e+00 : f32
    %broadcast_in_dim3A_1 = vector.broadcast %broadcast_in_dim3A : f32 to vector<16xf32>
    %scan3A = arith.constant 0 : i32
    %scan3A_2 = arith.constant 0 : i32
    %scan3A_3 = arith.constant 256 : i32
    %scan3A_4 = arith.addi %scan3A_2, %scan3A_3 : i32
    %scan3A_5 = arith.constant 1 : i32
    %scan3A_6 = scf.for %scan3A_46 = %scan3A_2 to %scan3A_4 step %scan3A_5 iter_args(%scan3A_47 = %scan3A) -> (i32)  : i32 {
      %swap3A = arith.index_cast %scan3A_46 : i32 to index
      %swap3A_48 = arith.constant 0 : index
      %swap3A_49 = tpu.vector_load %arg11[%swap3A, %swap3A_48] {strides = array<i32>} : memref<256x128xf32, #tpu.memory_space<vmem>>, vector<1x16xf32>,
      %swap3A_50 = vector.shape_cast %swap3A_49 : vector<1x16xf32> to vector<16xf32>
      %swap3A_51 = vector.shape_cast %broadcast_in_dim3A_1 : vector<16xf32> to vector<1x16xf32>
      tpu.vector_store %arg11[%swap3A, %swap3A_48], %swap3A_51 {strides = array<i32>} : memref<256x128xf32, #tpu.memory_space<vmem>>, vector<1x16xf32>,
      %swap3A_52 = arith.index_cast %scan3A_46 : i32 to index
      %swap3A_53 = arith.constant 16 : index
      %swap3A_54 = tpu.vector_load %arg11[%swap3A_52, %swap3A_53] {strides = array<i32>} : memref<256x128xf32, #tpu.memory_space<vmem>>, vector<1x16xf32>,
      %swap3A_55 = vector.shape_cast %swap3A_54 : vector<1x16xf32> to vector<16xf32>
      %swap3A_56 = vector.shape_cast %broadcast_in_dim3A_1 : vector<16xf32> to vector<1x16xf32>
      tpu.vector_store %arg11[%swap3A_52, %swap3A_53], %swap3A_56 {strides = array<i32>} : memref<256x128xf32, #tpu.memory_space<vmem>>, vector<1x16xf32>,
      %swap3A_57 = arith.index_cast %scan3A_46 : i32 to index
      %swap3A_58 = arith.constant 32 : index
      %swap3A_59 = tpu.vector_load %arg11[%swap3A_57, %swap3A_58] {strides = array<i32>} : memref<256x128xf32, #tpu.memory_space<vmem>>, vector<1x16xf32>,
      %swap3A_60 = vector.shape_cast %swap3A_59 : vector<1x16xf32> to vector<16xf32>
      %swap3A_61 = vector.shape_cast %broadcast_in_dim3A_1 : vector<16xf32> to vector<1x16xf32>
      tpu.vector_store %arg11[%swap3A_57, %swap3A_58], %swap3A_61 {strides = array<i32>} : memref<256x128xf32, #tpu.memory_space<vmem>>, vector<1x16xf32>,
      %swap3A_62 = arith.index_cast %scan3A_46 : i32 to index
      %swap3A_63 = arith.constant 48 : index
      %swap3A_64 = tpu.vector_load %arg11[%swap3A_62, %swap3A_63] {strides = array<i32>} : memref<256x128xf32, #tpu.memory_space<vmem>>, vector<1x16xf32>,
      %swap3A_65 = vector.shape_cast %swap3A_64 : vector<1x16xf32> to vector<16xf32>
      %swap3A_66 = vector.shape_cast %broadcast_in_dim3A_1 : vector<16xf32> to vector<1x16xf32>
      tpu.vector_store %arg11[%swap3A_62, %swap3A_63], %swap3A_66 {strides = array<i32>} : memref<256x128xf32, #tpu.memory_space<vmem>>, vector<1x16xf32>,
      %swap3A_67 = arith.index_cast %scan3A_46 : i32 to index
      %swap3A_68 = arith.constant 64 : index
      %swap3A_69 = tpu.vector_load %arg11[%swap3A_67, %swap3A_68] {strides = array<i32>} : memref<256x128xf32, #tpu.memory_space<vmem>>, vector<1x16xf32>,
      %swap3A_70 = vector.shape_cast %swap3A_69 : vector<1x16xf32> to vector<16xf32>
      %swap3A_71 = vector.shape_cast %broadcast_in_dim3A_1 : vector<16xf32> to vector<1x16xf32>
      tpu.vector_store %arg11[%swap3A_67, %swap3A_68], %swap3A_71 {strides = array<i32>} : memref<256x128xf32, #tpu.memory_space<vmem>>, vector<1x16xf32>,
      %swap3A_72 = arith.index_cast %scan3A_46 : i32 to index
      %swap3A_73 = arith.constant 80 : index
      %swap3A_74 = tpu.vector_load %arg11[%swap3A_72, %swap3A_73] {strides = array<i32>} : memref<256x128xf32, #tpu.memory_space<vmem>>, vector<1x16xf32>,
      %swap3A_75 = vector.shape_cast %swap3A_74 : vector<1x16xf32> to vector<16xf32>
      %swap3A_76 = vector.shape_cast %broadcast_in_dim3A_1 : vector<16xf32> to vector<1x16xf32>
      tpu.vector_store %arg11[%swap3A_72, %swap3A_73], %swap3A_76 {strides = array<i32>} : memref<256x128xf32, #tpu.memory_space<vmem>>, vector<1x16xf32>,
      %swap3A_77 = arith.index_cast %scan3A_46 : i32 to index
      %swap3A_78 = arith.constant 96 : index
      %swap3A_79 = tpu.vector_load %arg11[%swap3A_77, %swap3A_78] {strides = array<i32>} : memref<256x128xf32, #tpu.memory_space<vmem>>, vector<1x16xf32>,
      %swap3A_80 = vector.shape_cast %swap3A_79 : vector<1x16xf32> to vector<16xf32>
      %swap3A_81 = vector.shape_cast %broadcast_in_dim3A_1 : vector<16xf32> to vector<1x16xf32>
      tpu.vector_store %arg11[%swap3A_77, %swap3A_78], %swap3A_81 {strides = array<i32>} : memref<256x128xf32, #tpu.memory_space<vmem>>, vector<1x16xf32>,
      %swap3A_82 = arith.index_cast %scan3A_46 : i32 to index
      %swap3A_83 = arith.constant 112 : index
      %swap3A_84 = tpu.vector_load %arg11[%swap3A_82, %swap3A_83] {strides = array<i32>} : memref<256x128xf32, #tpu.memory_space<vmem>>, vector<1x16xf32>,
      %swap3A_85 = vector.shape_cast %swap3A_84 : vector<1x16xf32> to vector<16xf32>
      %swap3A_86 = vector.shape_cast %broadcast_in_dim3A_1 : vector<16xf32> to vector<1x16xf32>
      tpu.vector_store %arg11[%swap3A_82, %swap3A_83], %swap3A_86 {strides = array<i32>} : memref<256x128xf32, #tpu.memory_space<vmem>>, vector<1x16xf32>,
      %scan3A_87 = arith.constant 0 : i32
      scf.yield %scan3A_87 : i32
    }
    %scan3A_7 = arith.constant 256 : i32
    %mul3A_8 = arith.constant 640 : i32
    %mul3A_9 = arith.muli %arg1, %mul3A_8 : i32
    "tpu.region"() ({
      %run_scoped3A = tpu.sem_alloc : memref<!tpu.dma_semaphore, #tpu.memory_space<semaphore_mem>>
      %dma_start3A = arith.constant 0 : i32
      %dma_start3A_46 = arith.constant 0 : i32
      %dma_start3A_47 = tpu.memref_slice %arg11[%dma_start3A, %dma_start3A_46] : memref<256x128xf32, #tpu.memory_space<vmem>> -> memref<256x128xf32, #tpu.memory_space<vmem>>
      %dma_start3A_48 = arith.constant 0 : i32
      %dma_start3A_49 = tpu.memref_slice %arg7[%mul3A_9, %dma_start3A_48] : memref<10240x128xf32, #tpu.memory_space<vmem_shared>> -> memref<256x128xf32, #tpu.memory_space<vmem_shared>>
      %dma_start3A_50 = arith.constant 0 : i32
      %dma_start3A_51 = tpu.memref_slice %arg7[%mul3A_9, %dma_start3A_50] : memref<10240x128xf32, #tpu.memory_space<vmem_shared>> -> memref<256x128xf32, #tpu.memory_space<vmem_shared>>
      %dma_start3A_52 = arith.constant 0 : i32
      %dma_start3A_53 = arith.constant 0 : i32
      %dma_start3A_54 = tpu.memref_slice %arg11[%dma_start3A_52, %dma_start3A_53] : memref<256x128xf32, #tpu.memory_space<vmem>> -> memref<256x128xf32, #tpu.memory_space<vmem>>
      tpu.enqueue_dma source(%dma_start3A_54 : memref<256x128xf32, #tpu.memory_space<vmem>>) target(%dma_start3A_51 : memref<256x128xf32, #tpu.memory_space<vmem_shared>>) target_semaphore(%run_scoped3A : memref<!tpu.dma_semaphore, #tpu.memory_space<semaphore_mem>>)
      %dma_wait3A = arith.constant 0 : i32
      %dma_wait3A_55 = arith.constant 0 : i32
      %dma_wait3A_56 = tpu.memref_slice %arg11[%dma_wait3A, %dma_wait3A_55] : memref<256x128xf32, #tpu.memory_space<vmem>> -> memref<256x128xf32, #tpu.memory_space<vmem>>
      %dma_wait3A_57 = arith.constant 0 : i32
      %dma_wait3A_58 = tpu.memref_slice %arg7[%mul3A_9, %dma_wait3A_57] : memref<10240x128xf32, #tpu.memory_space<vmem_shared>> -> memref<256x128xf32, #tpu.memory_space<vmem_shared>>
      %dma_wait3A_59 = arith.constant 0 : i32
      %dma_wait3A_60 = tpu.memref_slice %arg7[%mul3A_9, %dma_wait3A_59] : memref<10240x128xf32, #tpu.memory_space<vmem_shared>> -> memref<256x128xf32, #tpu.memory_space<vmem_shared>>
      %dma_wait3A_61 = arith.constant 0 : i32
      %dma_wait3A_62 = arith.constant 0 : i32
      %dma_wait3A_63 = tpu.memref_slice %arg11[%dma_wait3A_61, %dma_wait3A_62] : memref<256x128xf32, #tpu.memory_space<vmem>> -> memref<256x128xf32, #tpu.memory_space<vmem>>
      tpu.wait_dma2 semaphore(%run_scoped3A : memref<!tpu.dma_semaphore, #tpu.memory_space<semaphore_mem>>) src(%dma_wait3A_63 : memref<256x128xf32, #tpu.memory_space<vmem>>) dst(%dma_wait3A_60 : memref<256x128xf32, #tpu.memory_space<vmem_shared>>)
      tpu.yield
    }) : () -> ()
    %add3A_10 = arith.constant 256 : i32
    %add3A_11 = arith.addi %mul3A_9, %add3A_10 : i32
    "tpu.region"() ({
      %run_scoped3A = tpu.sem_alloc : memref<!tpu.dma_semaphore, #tpu.memory_space<semaphore_mem>>
      %dma_start3A = arith.constant 0 : i32
      %dma_start3A_46 = arith.constant 0 : i32
      %dma_start3A_47 = tpu.memref_slice %arg11[%dma_start3A, %dma_start3A_46] : memref<256x128xf32, #tpu.memory_space<vmem>> -> memref<256x128xf32, #tpu.memory_space<vmem>>
      %dma_start3A_48 = arith.constant 0 : i32
      %dma_start3A_49 = tpu.memref_slice %arg7[%add3A_11, %dma_start3A_48] : memref<10240x128xf32, #tpu.memory_space<vmem_shared>> -> memref<256x128xf32, #tpu.memory_space<vmem_shared>>
      %dma_start3A_50 = arith.constant 0 : i32
      %dma_start3A_51 = tpu.memref_slice %arg7[%add3A_11, %dma_start3A_50] : memref<10240x128xf32, #tpu.memory_space<vmem_shared>> -> memref<256x128xf32, #tpu.memory_space<vmem_shared>>
      %dma_start3A_52 = arith.constant 0 : i32
      %dma_start3A_53 = arith.constant 0 : i32
      %dma_start3A_54 = tpu.memref_slice %arg11[%dma_start3A_52, %dma_start3A_53] : memref<256x128xf32, #tpu.memory_space<vmem>> -> memref<256x128xf32, #tpu.memory_space<vmem>>
      tpu.enqueue_dma source(%dma_start3A_54 : memref<256x128xf32, #tpu.memory_space<vmem>>) target(%dma_start3A_51 : memref<256x128xf32, #tpu.memory_space<vmem_shared>>) target_semaphore(%run_scoped3A : memref<!tpu.dma_semaphore, #tpu.memory_space<semaphore_mem>>)
      %dma_wait3A = arith.constant 0 : i32
      %dma_wait3A_55 = arith.constant 0 : i32
      %dma_wait3A_56 = tpu.memref_slice %arg11[%dma_wait3A, %dma_wait3A_55] : memref<256x128xf32, #tpu.memory_space<vmem>> -> memref<256x128xf32, #tpu.memory_space<vmem>>
      %dma_wait3A_57 = arith.constant 0 : i32
      %dma_wait3A_58 = tpu.memref_slice %arg7[%add3A_11, %dma_wait3A_57] : memref<10240x128xf32, #tpu.memory_space<vmem_shared>> -> memref<256x128xf32, #tpu.memory_space<vmem_shared>>
      %dma_wait3A_59 = arith.constant 0 : i32
      %dma_wait3A_60 = tpu.memref_slice %arg7[%add3A_11, %dma_wait3A_59] : memref<10240x128xf32, #tpu.memory_space<vmem_shared>> -> memref<256x128xf32, #tpu.memory_space<vmem_shared>>
      %dma_wait3A_61 = arith.constant 0 : i32
      %dma_wait3A_62 = arith.constant 0 : i32
      %dma_wait3A_63 = tpu.memref_slice %arg11[%dma_wait3A_61, %dma_wait3A_62] : memref<256x128xf32, #tpu.memory_space<vmem>> -> memref<256x128xf32, #tpu.memory_space<vmem>>
      tpu.wait_dma2 semaphore(%run_scoped3A : memref<!tpu.dma_semaphore, #tpu.memory_space<semaphore_mem>>) src(%dma_wait3A_63 : memref<256x128xf32, #tpu.memory_space<vmem>>) dst(%dma_wait3A_60 : memref<256x128xf32, #tpu.memory_space<vmem_shared>>)
      tpu.yield
    }) : () -> ()
    %add3A_12 = arith.constant 512 : i32
    %add3A_13 = arith.addi %mul3A_9, %add3A_12 : i32
    "tpu.region"() ({
      %run_scoped3A = tpu.sem_alloc : memref<!tpu.dma_semaphore, #tpu.memory_space<semaphore_mem>>
      %dma_start3A = arith.constant 0 : i32
      %dma_start3A_46 = arith.constant 0 : i32
      %dma_start3A_47 = tpu.memref_slice %arg11[%dma_start3A, %dma_start3A_46] : memref<256x128xf32, #tpu.memory_space<vmem>> -> memref<128x128xf32, #tpu.memory_space<vmem>>
      %dma_start3A_48 = arith.constant 0 : i32
      %dma_start3A_49 = tpu.memref_slice %arg7[%add3A_13, %dma_start3A_48] : memref<10240x128xf32, #tpu.memory_space<vmem_shared>> -> memref<128x128xf32, #tpu.memory_space<vmem_shared>>
      %dma_start3A_50 = arith.constant 0 : i32
      %dma_start3A_51 = tpu.memref_slice %arg7[%add3A_13, %dma_start3A_50] : memref<10240x128xf32, #tpu.memory_space<vmem_shared>> -> memref<128x128xf32, #tpu.memory_space<vmem_shared>>
      %dma_start3A_52 = arith.constant 0 : i32
      %dma_start3A_53 = arith.constant 0 : i32
      %dma_start3A_54 = tpu.memref_slice %arg11[%dma_start3A_52, %dma_start3A_53] : memref<256x128xf32, #tpu.memory_space<vmem>> -> memref<128x128xf32, #tpu.memory_space<vmem>>
      tpu.enqueue_dma source(%dma_start3A_54 : memref<128x128xf32, #tpu.memory_space<vmem>>) target(%dma_start3A_51 : memref<128x128xf32, #tpu.memory_space<vmem_shared>>) target_semaphore(%run_scoped3A : memref<!tpu.dma_semaphore, #tpu.memory_space<semaphore_mem>>)
      %dma_wait3A = arith.constant 0 : i32
      %dma_wait3A_55 = arith.constant 0 : i32
      %dma_wait3A_56 = tpu.memref_slice %arg11[%dma_wait3A, %dma_wait3A_55] : memref<256x128xf32, #tpu.memory_space<vmem>> -> memref<128x128xf32, #tpu.memory_space<vmem>>
      %dma_wait3A_57 = arith.constant 0 : i32
      %dma_wait3A_58 = tpu.memref_slice %arg7[%add3A_13, %dma_wait3A_57] : memref<10240x128xf32, #tpu.memory_space<vmem_shared>> -> memref<128x128xf32, #tpu.memory_space<vmem_shared>>
      %dma_wait3A_59 = arith.constant 0 : i32
      %dma_wait3A_60 = tpu.memref_slice %arg7[%add3A_13, %dma_wait3A_59] : memref<10240x128xf32, #tpu.memory_space<vmem_shared>> -> memref<128x128xf32, #tpu.memory_space<vmem_shared>>
      %dma_wait3A_61 = arith.constant 0 : i32
      %dma_wait3A_62 = arith.constant 0 : i32
      %dma_wait3A_63 = tpu.memref_slice %arg11[%dma_wait3A_61, %dma_wait3A_62] : memref<256x128xf32, #tpu.memory_space<vmem>> -> memref<128x128xf32, #tpu.memory_space<vmem>>
      tpu.wait_dma2 semaphore(%run_scoped3A : memref<!tpu.dma_semaphore, #tpu.memory_space<semaphore_mem>>) src(%dma_wait3A_63 : memref<128x128xf32, #tpu.memory_space<vmem>>) dst(%dma_wait3A_60 : memref<128x128xf32, #tpu.memory_space<vmem_shared>>)
      tpu.yield
    }) : () -> ()
    %barrier3A = arith.constant 0 : index
    tpu.barrier barrier_id(%barrier3A)
    %mul3A_14 = arith.constant 79 : i32
    %mul3A_15 = arith.muli %add3A, %mul3A_14 : i32
    %mul3A_16 = arith.constant 128 : i32
    %mul3A_17 = arith.muli %mul3A_15, %mul3A_16 : i32
    %scan3A_18 = arith.constant 0 : i32
    %scan3A_19 = arith.constant 0 : i32
    %scan3A_20 = arith.constant 79 : i32
    %scan3A_21 = arith.addi %scan3A_19, %scan3A_20 : i32
    %scan3A_22 = arith.constant 1 : i32
    %scan3A_23 = scf.for %scan3A_46 = %scan3A_19 to %scan3A_21 step %scan3A_22 iter_args(%scan3A_47 = %scan3A_18) -> (i32)  : i32 {
      %mul3A_48 = arith.constant 128 : i32
      %mul3A_49 = arith.muli %scan3A_46, %mul3A_48 : i32
      %add3A_50 = arith.addi %mul3A_17, %mul3A_49 : i32
      "tpu.region"() ({
        %run_scoped3A = tpu.sem_alloc : memref<!tpu.dma_semaphore, #tpu.memory_space<semaphore_mem>>
        %dma_start3A_69 = tpu.memref_slice %arg4[%add3A_50] : memref<323584xi32, #tpu.memory_space<hbm>> -> memref<128xi32, #tpu.memory_space<hbm>>
        %dma_start3A_70 = tpu.memref_slice %arg4[%add3A_50] : memref<323584xi32, #tpu.memory_space<hbm>> -> memref<128xi32, #tpu.memory_space<hbm>>
        tpu.enqueue_dma source(%dma_start3A_70 : memref<128xi32, #tpu.memory_space<hbm>>) target(%arg8 : memref<128xi32, #tpu.memory_space<vmem>>) target_semaphore(%run_scoped3A : memref<!tpu.dma_semaphore, #tpu.memory_space<semaphore_mem>>)
        %dma_wait3A_71 = tpu.memref_slice %arg4[%add3A_50] : memref<323584xi32, #tpu.memory_space<hbm>> -> memref<128xi32, #tpu.memory_space<hbm>>
        %dma_wait3A_72 = tpu.memref_slice %arg4[%add3A_50] : memref<323584xi32, #tpu.memory_space<hbm>> -> memref<128xi32, #tpu.memory_space<hbm>>
        tpu.wait_dma2 semaphore(%run_scoped3A : memref<!tpu.dma_semaphore, #tpu.memory_space<semaphore_mem>>) src(%dma_wait3A_72 : memref<128xi32, #tpu.memory_space<hbm>>) dst(%arg8 : memref<128xi32, #tpu.memory_space<vmem>>)
        tpu.yield
      }) : () -> ()
      %dma_start3A = arith.constant 0 : i32
      %dma_start3A_51 = arith.constant 0 : i32
      %dma_start3A_52 = tpu.memref_slice %arg11[%dma_start3A, %dma_start3A_51] : memref<256x128xf32, #tpu.memory_space<vmem>> -> memref<128x128xf32, #tpu.memory_space<vmem>>
      %dma_start3A_53 = arith.constant 0 : i32
      %dma_start3A_54 = arith.constant 0 : i32
      %dma_start3A_55 = tpu.memref_slice %arg2[%dma_start3A_53, %dma_start3A_54] : memref<10000x128xf32, #tpu.memory_space<hbm>> -> memref<10000x128xf32, #tpu.memory_space<hbm>>
      tpu.enqueue_indirect_dma source(%dma_start3A_55 : memref<10000x128xf32, #tpu.memory_space<hbm>>) target(%dma_start3A_52 : memref<128x128xf32, #tpu.memory_space<vmem>>) offsets(%arg8 : memref<128xi32, #tpu.memory_space<vmem>>) semaphore(%arg12 : memref<!tpu.dma_semaphore, #tpu.memory_space<semaphore_mem>>)
      "tpu.region"() ({
        %run_scoped3A = tpu.sem_alloc : memref<!tpu.dma_semaphore, #tpu.memory_space<semaphore_mem>>
        %dma_start3A_69 = tpu.memref_slice %arg3[%add3A_50] : memref<323584xi32, #tpu.memory_space<hbm>> -> memref<128xi32, #tpu.memory_space<hbm>>
        %dma_start3A_70 = tpu.memref_slice %arg3[%add3A_50] : memref<323584xi32, #tpu.memory_space<hbm>> -> memref<128xi32, #tpu.memory_space<hbm>>
        tpu.enqueue_dma source(%dma_start3A_70 : memref<128xi32, #tpu.memory_space<hbm>>) target(%arg9 : memref<128xi32, #tpu.memory_space<vmem>>) target_semaphore(%run_scoped3A : memref<!tpu.dma_semaphore, #tpu.memory_space<semaphore_mem>>)
        %dma_wait3A_71 = tpu.memref_slice %arg3[%add3A_50] : memref<323584xi32, #tpu.memory_space<hbm>> -> memref<128xi32, #tpu.memory_space<hbm>>
        %dma_wait3A_72 = tpu.memref_slice %arg3[%add3A_50] : memref<323584xi32, #tpu.memory_space<hbm>> -> memref<128xi32, #tpu.memory_space<hbm>>
        tpu.wait_dma2 semaphore(%run_scoped3A : memref<!tpu.dma_semaphore, #tpu.memory_space<semaphore_mem>>) src(%dma_wait3A_72 : memref<128xi32, #tpu.memory_space<hbm>>) dst(%arg9 : memref<128xi32, #tpu.memory_space<vmem>>)
        tpu.yield
      }) : () -> ()
      "tpu.region"() ({
        %run_scoped3A = tpu.sem_alloc : memref<!tpu.dma_semaphore, #tpu.memory_space<semaphore_mem>>
        %dma_start3A_69 = arith.constant 0 : i32
        %dma_start3A_70 = tpu.memref_slice %arg10[%dma_start3A_69] : memref<144xf32, #tpu.memory_space<vmem>> -> memref<128xf32, #tpu.memory_space<vmem>>
        %dma_start3A_71 = tpu.memref_slice %arg5[%add3A_50] : memref<323584xf32, #tpu.memory_space<hbm>> -> memref<128xf32, #tpu.memory_space<hbm>>
        %dma_start3A_72 = arith.constant 0 : i32
        %dma_start3A_73 = tpu.memref_slice %arg10[%dma_start3A_72] : memref<144xf32, #tpu.memory_space<vmem>> -> memref<128xf32, #tpu.memory_space<vmem>>
        %dma_start3A_74 = tpu.memref_slice %arg5[%add3A_50] : memref<323584xf32, #tpu.memory_space<hbm>> -> memref<128xf32, #tpu.memory_space<hbm>>
        tpu.enqueue_dma source(%dma_start3A_74 : memref<128xf32, #tpu.memory_space<hbm>>) target(%dma_start3A_73 : memref<128xf32, #tpu.memory_space<vmem>>) target_semaphore(%run_scoped3A : memref<!tpu.dma_semaphore, #tpu.memory_space<semaphore_mem>>)
        %dma_wait3A_75 = arith.constant 0 : i32
        %dma_wait3A_76 = tpu.memref_slice %arg10[%dma_wait3A_75] : memref<144xf32, #tpu.memory_space<vmem>> -> memref<128xf32, #tpu.memory_space<vmem>>
        %dma_wait3A_77 = tpu.memref_slice %arg5[%add3A_50] : memref<323584xf32, #tpu.memory_space<hbm>> -> memref<128xf32, #tpu.memory_space<hbm>>
        %dma_wait3A_78 = arith.constant 0 : i32
        %dma_wait3A_79 = tpu.memref_slice %arg10[%dma_wait3A_78] : memref<144xf32, #tpu.memory_space<vmem>> -> memref<128xf32, #tpu.memory_space<vmem>>
        %dma_wait3A_80 = tpu.memref_slice %arg5[%add3A_50] : memref<323584xf32, #tpu.memory_space<hbm>> -> memref<128xf32, #tpu.memory_space<hbm>>
        tpu.wait_dma2 semaphore(%run_scoped3A : memref<!tpu.dma_semaphore, #tpu.memory_space<semaphore_mem>>) src(%dma_wait3A_80 : memref<128xf32, #tpu.memory_space<hbm>>) dst(%dma_wait3A_79 : memref<128xf32, #tpu.memory_space<vmem>>)
        tpu.yield
      }) : () -> ()
      %dma_wait3A = arith.constant 0 : i32
      %dma_wait3A_56 = arith.constant 0 : i32
      %dma_wait3A_57 = tpu.memref_slice %arg11[%dma_wait3A, %dma_wait3A_56] : memref<256x128xf32, #tpu.memory_space<vmem>> -> memref<128x128xf32, #tpu.memory_space<vmem>>
      %dma_wait3A_58 = arith.constant 0 : i32
      %dma_wait3A_59 = arith.constant 0 : i32
      %dma_wait3A_60 = tpu.memref_slice %arg2[%dma_wait3A_58, %dma_wait3A_59] : memref<10000x128xf32, #tpu.memory_space<hbm>> -> memref<10000x128xf32, #tpu.memory_space<hbm>>
      tpu.wait_indirect_dma semaphore(%arg12 : memref<!tpu.dma_semaphore, #tpu.memory_space<semaphore_mem>>) src(%dma_wait3A_60 : memref<10000x128xf32, #tpu.memory_space<hbm>>) dst(%dma_wait3A_57 : memref<128x128xf32, #tpu.memory_space<vmem>>)
      %scan3A_61 = arith.constant 0 : i32
      %scan3A_62 = arith.constant 0 : i32
      %scan3A_63 = arith.constant 128 : i32
      %scan3A_64 = arith.addi %scan3A_62, %scan3A_63 : i32
      %scan3A_65 = arith.constant 1 : i32
      %scan3A_66 = scf.for %scan3A_69 = %scan3A_62 to %scan3A_64 step %scan3A_65 iter_args(%scan3A_70 = %scan3A_61) -> (i32)  : i32 {
        %get3A = arith.index_cast %scan3A_69 : i32 to index
        %get3A_71 = tpu.vector_load %arg10[%get3A] {strides = array<i32>} : memref<144xf32, #tpu.memory_space<vmem>>, vector<16xf32>,
        %get3A_72 = vector.shape_cast %get3A_71 : vector<16xf32> to vector<16xf32>
        %slice3A = vector.extract_strided_slice %get3A_72 {offsets = [0], sizes = [1], strides = [1]} : vector<16xf32> to vector<1xf32>
        %squeeze3A = vector.extract %slice3A[0] : f32 from vector<1xf32>
        %get3A_73 = arith.index_cast %scan3A_69 : i32 to index
        %get3A_74 = arith.constant 0 : index
        %get3A_75 = tpu.vector_load %arg11[%get3A_73, %get3A_74] {strides = array<i32>} : memref<256x128xf32, #tpu.memory_space<vmem>>, vector<1x16xf32>,
        %get3A_76 = vector.shape_cast %get3A_75 : vector<1x16xf32> to vector<16xf32>
        %mul3A_77 = vector.broadcast %squeeze3A : f32 to vector<16xf32>
        %mul3A_78 = arith.mulf %get3A_76, %mul3A_77 : vector<16xf32>
        %swap3A = arith.index_cast %scan3A_69 : i32 to index
        %swap3A_79 = arith.constant 0 : index
        %swap3A_80 = tpu.vector_load %arg11[%swap3A, %swap3A_79] {strides = array<i32>} : memref<256x128xf32, #tpu.memory_space<vmem>>, vector<1x16xf32>,
        %swap3A_81 = vector.shape_cast %swap3A_80 : vector<1x16xf32> to vector<16xf32>
        %swap3A_82 = vector.shape_cast %mul3A_78 : vector<16xf32> to vector<1x16xf32>
        tpu.vector_store %arg11[%swap3A, %swap3A_79], %swap3A_82 {strides = array<i32>} : memref<256x128xf32, #tpu.memory_space<vmem>>, vector<1x16xf32>,
        %get3A_83 = arith.index_cast %scan3A_69 : i32 to index
        %get3A_84 = arith.constant 16 : index
        %get3A_85 = tpu.vector_load %arg11[%get3A_83, %get3A_84] {strides = array<i32>} : memref<256x128xf32, #tpu.memory_space<vmem>>, vector<1x16xf32>,
        %get3A_86 = vector.shape_cast %get3A_85 : vector<1x16xf32> to vector<16xf32>
        %mul3A_87 = vector.broadcast %squeeze3A : f32 to vector<16xf32>
        %mul3A_88 = arith.mulf %get3A_86, %mul3A_87 : vector<16xf32>
        %swap3A_89 = arith.index_cast %scan3A_69 : i32 to index
        %swap3A_90 = arith.constant 16 : index
        %swap3A_91 = tpu.vector_load %arg11[%swap3A_89, %swap3A_90] {strides = array<i32>} : memref<256x128xf32, #tpu.memory_space<vmem>>, vector<1x16xf32>,
        %swap3A_92 = vector.shape_cast %swap3A_91 : vector<1x16xf32> to vector<16xf32>
        %swap3A_93 = vector.shape_cast %mul3A_88 : vector<16xf32> to vector<1x16xf32>
        tpu.vector_store %arg11[%swap3A_89, %swap3A_90], %swap3A_93 {strides = array<i32>} : memref<256x128xf32, #tpu.memory_space<vmem>>, vector<1x16xf32>,
        %get3A_94 = arith.index_cast %scan3A_69 : i32 to index
        %get3A_95 = arith.constant 32 : index
        %get3A_96 = tpu.vector_load %arg11[%get3A_94, %get3A_95] {strides = array<i32>} : memref<256x128xf32, #tpu.memory_space<vmem>>, vector<1x16xf32>,
        %get3A_97 = vector.shape_cast %get3A_96 : vector<1x16xf32> to vector<16xf32>
        %mul3A_98 = vector.broadcast %squeeze3A : f32 to vector<16xf32>
        %mul3A_99 = arith.mulf %get3A_97, %mul3A_98 : vector<16xf32>
        %swap3A_100 = arith.index_cast %scan3A_69 : i32 to index
        %swap3A_101 = arith.constant 32 : index
        %swap3A_102 = tpu.vector_load %arg11[%swap3A_100, %swap3A_101] {strides = array<i32>} : memref<256x128xf32, #tpu.memory_space<vmem>>, vector<1x16xf32>,
        %swap3A_103 = vector.shape_cast %swap3A_102 : vector<1x16xf32> to vector<16xf32>
        %swap3A_104 = vector.shape_cast %mul3A_99 : vector<16xf32> to vector<1x16xf32>
        tpu.vector_store %arg11[%swap3A_100, %swap3A_101], %swap3A_104 {strides = array<i32>} : memref<256x128xf32, #tpu.memory_space<vmem>>, vector<1x16xf32>,
        %get3A_105 = arith.index_cast %scan3A_69 : i32 to index
        %get3A_106 = arith.constant 48 : index
        %get3A_107 = tpu.vector_load %arg11[%get3A_105, %get3A_106] {strides = array<i32>} : memref<256x128xf32, #tpu.memory_space<vmem>>, vector<1x16xf32>,
        %get3A_108 = vector.shape_cast %get3A_107 : vector<1x16xf32> to vector<16xf32>
        %mul3A_109 = vector.broadcast %squeeze3A : f32 to vector<16xf32>
        %mul3A_110 = arith.mulf %get3A_108, %mul3A_109 : vector<16xf32>
        %swap3A_111 = arith.index_cast %scan3A_69 : i32 to index
        %swap3A_112 = arith.constant 48 : index
        %swap3A_113 = tpu.vector_load %arg11[%swap3A_111, %swap3A_112] {strides = array<i32>} : memref<256x128xf32, #tpu.memory_space<vmem>>, vector<1x16xf32>,
        %swap3A_114 = vector.shape_cast %swap3A_113 : vector<1x16xf32> to vector<16xf32>
        %swap3A_115 = vector.shape_cast %mul3A_110 : vector<16xf32> to vector<1x16xf32>
        tpu.vector_store %arg11[%swap3A_111, %swap3A_112], %swap3A_115 {strides = array<i32>} : memref<256x128xf32, #tpu.memory_space<vmem>>, vector<1x16xf32>,
        %get3A_116 = arith.index_cast %scan3A_69 : i32 to index
        %get3A_117 = arith.constant 64 : index
        %get3A_118 = tpu.vector_load %arg11[%get3A_116, %get3A_117] {strides = array<i32>} : memref<256x128xf32, #tpu.memory_space<vmem>>, vector<1x16xf32>,
        %get3A_119 = vector.shape_cast %get3A_118 : vector<1x16xf32> to vector<16xf32>
        %mul3A_120 = vector.broadcast %squeeze3A : f32 to vector<16xf32>
        %mul3A_121 = arith.mulf %get3A_119, %mul3A_120 : vector<16xf32>
        %swap3A_122 = arith.index_cast %scan3A_69 : i32 to index
        %swap3A_123 = arith.constant 64 : index
        %swap3A_124 = tpu.vector_load %arg11[%swap3A_122, %swap3A_123] {strides = array<i32>} : memref<256x128xf32, #tpu.memory_space<vmem>>, vector<1x16xf32>,
        %swap3A_125 = vector.shape_cast %swap3A_124 : vector<1x16xf32> to vector<16xf32>
        %swap3A_126 = vector.shape_cast %mul3A_121 : vector<16xf32> to vector<1x16xf32>
        tpu.vector_store %arg11[%swap3A_122, %swap3A_123], %swap3A_126 {strides = array<i32>} : memref<256x128xf32, #tpu.memory_space<vmem>>, vector<1x16xf32>,
        %get3A_127 = arith.index_cast %scan3A_69 : i32 to index
        %get3A_128 = arith.constant 80 : index
        %get3A_129 = tpu.vector_load %arg11[%get3A_127, %get3A_128] {strides = array<i32>} : memref<256x128xf32, #tpu.memory_space<vmem>>, vector<1x16xf32>,
        %get3A_130 = vector.shape_cast %get3A_129 : vector<1x16xf32> to vector<16xf32>
        %mul3A_131 = vector.broadcast %squeeze3A : f32 to vector<16xf32>
        %mul3A_132 = arith.mulf %get3A_130, %mul3A_131 : vector<16xf32>
        %swap3A_133 = arith.index_cast %scan3A_69 : i32 to index
        %swap3A_134 = arith.constant 80 : index
        %swap3A_135 = tpu.vector_load %arg11[%swap3A_133, %swap3A_134] {strides = array<i32>} : memref<256x128xf32, #tpu.memory_space<vmem>>, vector<1x16xf32>,
        %swap3A_136 = vector.shape_cast %swap3A_135 : vector<1x16xf32> to vector<16xf32>
        %swap3A_137 = vector.shape_cast %mul3A_132 : vector<16xf32> to vector<1x16xf32>
        tpu.vector_store %arg11[%swap3A_133, %swap3A_134], %swap3A_137 {strides = array<i32>} : memref<256x128xf32, #tpu.memory_space<vmem>>, vector<1x16xf32>,
        %get3A_138 = arith.index_cast %scan3A_69 : i32 to index
        %get3A_139 = arith.constant 96 : index
        %get3A_140 = tpu.vector_load %arg11[%get3A_138, %get3A_139] {strides = array<i32>} : memref<256x128xf32, #tpu.memory_space<vmem>>, vector<1x16xf32>,
        %get3A_141 = vector.shape_cast %get3A_140 : vector<1x16xf32> to vector<16xf32>
        %mul3A_142 = vector.broadcast %squeeze3A : f32 to vector<16xf32>
        %mul3A_143 = arith.mulf %get3A_141, %mul3A_142 : vector<16xf32>
        %swap3A_144 = arith.index_cast %scan3A_69 : i32 to index
        %swap3A_145 = arith.constant 96 : index
        %swap3A_146 = tpu.vector_load %arg11[%swap3A_144, %swap3A_145] {strides = array<i32>} : memref<256x128xf32, #tpu.memory_space<vmem>>, vector<1x16xf32>,
        %swap3A_147 = vector.shape_cast %swap3A_146 : vector<1x16xf32> to vector<16xf32>
        %swap3A_148 = vector.shape_cast %mul3A_143 : vector<16xf32> to vector<1x16xf32>
        tpu.vector_store %arg11[%swap3A_144, %swap3A_145], %swap3A_148 {strides = array<i32>} : memref<256x128xf32, #tpu.memory_space<vmem>>, vector<1x16xf32>,
        %get3A_149 = arith.index_cast %scan3A_69 : i32 to index
        %get3A_150 = arith.constant 112 : index
        %get3A_151 = tpu.vector_load %arg11[%get3A_149, %get3A_150] {strides = array<i32>} : memref<256x128xf32, #tpu.memory_space<vmem>>, vector<1x16xf32>,
        %get3A_152 = vector.shape_cast %get3A_151 : vector<1x16xf32> to vector<16xf32>
        %mul3A_153 = vector.broadcast %squeeze3A : f32 to vector<16xf32>
        %mul3A_154 = arith.mulf %get3A_152, %mul3A_153 : vector<16xf32>
        %swap3A_155 = arith.index_cast %scan3A_69 : i32 to index
        %swap3A_156 = arith.constant 112 : index
        %swap3A_157 = tpu.vector_load %arg11[%swap3A_155, %swap3A_156] {strides = array<i32>} : memref<256x128xf32, #tpu.memory_space<vmem>>, vector<1x16xf32>,
        %swap3A_158 = vector.shape_cast %swap3A_157 : vector<1x16xf32> to vector<16xf32>
        %swap3A_159 = vector.shape_cast %mul3A_154 : vector<16xf32> to vector<1x16xf32>
        tpu.vector_store %arg11[%swap3A_155, %swap3A_156], %swap3A_159 {strides = array<i32>} : memref<256x128xf32, #tpu.memory_space<vmem>>, vector<1x16xf32>,
        %scan3A_160 = arith.constant 0 : i32
        scf.yield %scan3A_160 : i32
      }
      %scan3A_67 = arith.constant 128 : i32
      "tpu.region"() ({
        %run_scoped3A = tpu.sem_alloc : memref<!tpu.dma_semaphore, #tpu.memory_space<semaphore_mem>>
        %dma_start3A_69 = arith.constant 0 : i32
        %dma_start3A_70 = arith.constant 0 : i32
        %dma_start3A_71 = tpu.memref_slice %arg11[%dma_start3A_69, %dma_start3A_70] : memref<256x128xf32, #tpu.memory_space<vmem>> -> memref<128x128xf32, #tpu.memory_space<vmem>>
        %dma_start3A_72 = arith.constant 0 : i32
        %dma_start3A_73 = arith.constant 0 : i32
        %dma_start3A_74 = tpu.memref_slice %arg7[%dma_start3A_72, %dma_start3A_73] : memref<10240x128xf32, #tpu.memory_space<vmem_shared>> -> memref<10240x128xf32, #tpu.memory_space<vmem_shared>>
        tpu.enqueue_indirect_dma source(%dma_start3A_71 : memref<128x128xf32, #tpu.memory_space<vmem>>) target(%dma_start3A_74 : memref<10240x128xf32, #tpu.memory_space<vmem_shared>>) offsets(%arg9 : memref<128xi32, #tpu.memory_space<vmem>>) semaphore(%run_scoped3A : memref<!tpu.dma_semaphore, #tpu.memory_space<semaphore_mem>>) {add = true}
        %dma_wait3A_75 = arith.constant 0 : i32
        %dma_wait3A_76 = arith.constant 0 : i32
        %dma_wait3A_77 = tpu.memref_slice %arg11[%dma_wait3A_75, %dma_wait3A_76] : memref<256x128xf32, #tpu.memory_space<vmem>> -> memref<128x128xf32, #tpu.memory_space<vmem>>
        %dma_wait3A_78 = arith.constant 0 : i32
        %dma_wait3A_79 = arith.constant 0 : i32
        %dma_wait3A_80 = tpu.memref_slice %arg7[%dma_wait3A_78, %dma_wait3A_79] : memref<10240x128xf32, #tpu.memory_space<vmem_shared>> -> memref<10240x128xf32, #tpu.memory_space<vmem_shared>>
        tpu.wait_indirect_dma semaphore(%run_scoped3A : memref<!tpu.dma_semaphore, #tpu.memory_space<semaphore_mem>>) src(%dma_wait3A_77 : memref<128x128xf32, #tpu.memory_space<vmem>>) dst(%dma_wait3A_80 : memref<10240x128xf32, #tpu.memory_space<vmem_shared>>)
        tpu.yield
      }) : () -> ()
      %scan3A_68 = arith.constant 0 : i32
      scf.yield %scan3A_68 : i32
    }
    %scan3A_24 = arith.constant 79 : i32
    %barrier3A_25 = arith.constant 0 : index
    tpu.barrier barrier_id(%barrier3A_25)
    %add3A_26 = arith.constant 0 : i32
    %add3A_27 = arith.addi %mul3A_9, %add3A_26 : i32
    %add3A_28 = arith.constant 0 : i32
    %add3A_29 = arith.addi %mul3A_9, %add3A_28 : i32
    "tpu.region"() ({
      %run_scoped3A = tpu.sem_alloc : memref<!tpu.dma_semaphore, #tpu.memory_space<semaphore_mem>>
      %dma_start3A = arith.constant 0 : i32
      %dma_start3A_46 = tpu.memref_slice %arg6[%arg0, %add3A_29, %dma_start3A] : memref<2x10240x128xf32, #tpu.memory_space<hbm>> -> memref<1x128x128xf32, #tpu.memory_space<hbm>>
      %dma_start3A_47 = tpu.memref_squeeze %dma_start3A_46 : memref<1x128x128xf32, #tpu.memory_space<hbm>> -> memref<128x128xf32, #tpu.memory_space<hbm>>
      %dma_start3A_48 = arith.constant 0 : i32
      %dma_start3A_49 = tpu.memref_slice %arg7[%add3A_27, %dma_start3A_48] : memref<10240x128xf32, #tpu.memory_space<vmem_shared>> -> memref<128x128xf32, #tpu.memory_space<vmem_shared>>
      tpu.enqueue_dma source(%dma_start3A_49 : memref<128x128xf32, #tpu.memory_space<vmem_shared>>) target(%dma_start3A_47 : memref<128x128xf32, #tpu.memory_space<hbm>>) target_semaphore(%run_scoped3A : memref<!tpu.dma_semaphore, #tpu.memory_space<semaphore_mem>>)
      %dma_wait3A = arith.constant 0 : i32
      %dma_wait3A_50 = tpu.memref_slice %arg6[%arg0, %add3A_29, %dma_wait3A] : memref<2x10240x128xf32, #tpu.memory_space<hbm>> -> memref<1x128x128xf32, #tpu.memory_space<hbm>>
      %dma_wait3A_51 = tpu.memref_squeeze %dma_wait3A_50 : memref<1x128x128xf32, #tpu.memory_space<hbm>> -> memref<128x128xf32, #tpu.memory_space<hbm>>
      %dma_wait3A_52 = arith.constant 0 : i32
      %dma_wait3A_53 = tpu.memref_slice %arg7[%add3A_27, %dma_wait3A_52] : memref<10240x128xf32, #tpu.memory_space<vmem_shared>> -> memref<128x128xf32, #tpu.memory_space<vmem_shared>>
      tpu.wait_dma2 semaphore(%run_scoped3A : memref<!tpu.dma_semaphore, #tpu.memory_space<semaphore_mem>>) src(%dma_wait3A_53 : memref<128x128xf32, #tpu.memory_space<vmem_shared>>) dst(%dma_wait3A_51 : memref<128x128xf32, #tpu.memory_space<hbm>>)
      tpu.yield
    }) : () -> ()
    %add3A_30 = arith.constant 128 : i32
    %add3A_31 = arith.addi %mul3A_9, %add3A_30 : i32
    %add3A_32 = arith.constant 128 : i32
    %add3A_33 = arith.addi %mul3A_9, %add3A_32 : i32
    "tpu.region"() ({
      %run_scoped3A = tpu.sem_alloc : memref<!tpu.dma_semaphore, #tpu.memory_space<semaphore_mem>>
      %dma_start3A = arith.constant 0 : i32
      %dma_start3A_46 = tpu.memref_slice %arg6[%arg0, %add3A_33, %dma_start3A] : memref<2x10240x128xf32, #tpu.memory_space<hbm>> -> memref<1x128x128xf32, #tpu.memory_space<hbm>>
      %dma_start3A_47 = tpu.memref_squeeze %dma_start3A_46 : memref<1x128x128xf32, #tpu.memory_space<hbm>> -> memref<128x128xf32, #tpu.memory_space<hbm>>
      %dma_start3A_48 = arith.constant 0 : i32
      %dma_start3A_49 = tpu.memref_slice %arg7[%add3A_31, %dma_start3A_48] : memref<10240x128xf32, #tpu.memory_space<vmem_shared>> -> memref<128x128xf32, #tpu.memory_space<vmem_shared>>
      tpu.enqueue_dma source(%dma_start3A_49 : memref<128x128xf32, #tpu.memory_space<vmem_shared>>) target(%dma_start3A_47 : memref<128x128xf32, #tpu.memory_space<hbm>>) target_semaphore(%run_scoped3A : memref<!tpu.dma_semaphore, #tpu.memory_space<semaphore_mem>>)
      %dma_wait3A = arith.constant 0 : i32
      %dma_wait3A_50 = tpu.memref_slice %arg6[%arg0, %add3A_33, %dma_wait3A] : memref<2x10240x128xf32, #tpu.memory_space<hbm>> -> memref<1x128x128xf32, #tpu.memory_space<hbm>>
      %dma_wait3A_51 = tpu.memref_squeeze %dma_wait3A_50 : memref<1x128x128xf32, #tpu.memory_space<hbm>> -> memref<128x128xf32, #tpu.memory_space<hbm>>
      %dma_wait3A_52 = arith.constant 0 : i32
      %dma_wait3A_53 = tpu.memref_slice %arg7[%add3A_31, %dma_wait3A_52] : memref<10240x128xf32, #tpu.memory_space<vmem_shared>> -> memref<128x128xf32, #tpu.memory_space<vmem_shared>>
      tpu.wait_dma2 semaphore(%run_scoped3A : memref<!tpu.dma_semaphore, #tpu.memory_space<semaphore_mem>>) src(%dma_wait3A_53 : memref<128x128xf32, #tpu.memory_space<vmem_shared>>) dst(%dma_wait3A_51 : memref<128x128xf32, #tpu.memory_space<hbm>>)
      tpu.yield
    }) : () -> ()
    %add3A_34 = arith.constant 256 : i32
    %add3A_35 = arith.addi %mul3A_9, %add3A_34 : i32
    %add3A_36 = arith.constant 256 : i32
    %add3A_37 = arith.addi %mul3A_9, %add3A_36 : i32
    "tpu.region"() ({
      %run_scoped3A = tpu.sem_alloc : memref<!tpu.dma_semaphore, #tpu.memory_space<semaphore_mem>>
      %dma_start3A = arith.constant 0 : i32
      %dma_start3A_46 = tpu.memref_slice %arg6[%arg0, %add3A_37, %dma_start3A] : memref<2x10240x128xf32, #tpu.memory_space<hbm>> -> memref<1x128x128xf32, #tpu.memory_space<hbm>>
      %dma_start3A_47 = tpu.memref_squeeze %dma_start3A_46 : memref<1x128x128xf32, #tpu.memory_space<hbm>> -> memref<128x128xf32, #tpu.memory_space<hbm>>
      %dma_start3A_48 = arith.constant 0 : i32
      %dma_start3A_49 = tpu.memref_slice %arg7[%add3A_35, %dma_start3A_48] : memref<10240x128xf32, #tpu.memory_space<vmem_shared>> -> memref<128x128xf32, #tpu.memory_space<vmem_shared>>
      tpu.enqueue_dma source(%dma_start3A_49 : memref<128x128xf32, #tpu.memory_space<vmem_shared>>) target(%dma_start3A_47 : memref<128x128xf32, #tpu.memory_space<hbm>>) target_semaphore(%run_scoped3A : memref<!tpu.dma_semaphore, #tpu.memory_space<semaphore_mem>>)
      %dma_wait3A = arith.constant 0 : i32
      %dma_wait3A_50 = tpu.memref_slice %arg6[%arg0, %add3A_37, %dma_wait3A] : memref<2x10240x128xf32, #tpu.memory_space<hbm>> -> memref<1x128x128xf32, #tpu.memory_space<hbm>>
      %dma_wait3A_51 = tpu.memref_squeeze %dma_wait3A_50 : memref<1x128x128xf32, #tpu.memory_space<hbm>> -> memref<128x128xf32, #tpu.memory_space<hbm>>
      %dma_wait3A_52 = arith.constant 0 : i32
      %dma_wait3A_53 = tpu.memref_slice %arg7[%add3A_35, %dma_wait3A_52] : memref<10240x128xf32, #tpu.memory_space<vmem_shared>> -> memref<128x128xf32, #tpu.memory_space<vmem_shared>>
      tpu.wait_dma2 semaphore(%run_scoped3A : memref<!tpu.dma_semaphore, #tpu.memory_space<semaphore_mem>>) src(%dma_wait3A_53 : memref<128x128xf32, #tpu.memory_space<vmem_shared>>) dst(%dma_wait3A_51 : memref<128x128xf32, #tpu.memory_space<hbm>>)
      tpu.yield
    }) : () -> ()
    %add3A_38 = arith.constant 384 : i32
    %add3A_39 = arith.addi %mul3A_9, %add3A_38 : i32
    %add3A_40 = arith.constant 384 : i32
    %add3A_41 = arith.addi %mul3A_9, %add3A_40 : i32
    "tpu.region"() ({
      %run_scoped3A = tpu.sem_alloc : memref<!tpu.dma_semaphore, #tpu.memory_space<semaphore_mem>>
      %dma_start3A = arith.constant 0 : i32
      %dma_start3A_46 = tpu.memref_slice %arg6[%arg0, %add3A_41, %dma_start3A] : memref<2x10240x128xf32, #tpu.memory_space<hbm>> -> memref<1x128x128xf32, #tpu.memory_space<hbm>>
      %dma_start3A_47 = tpu.memref_squeeze %dma_start3A_46 : memref<1x128x128xf32, #tpu.memory_space<hbm>> -> memref<128x128xf32, #tpu.memory_space<hbm>>
      %dma_start3A_48 = arith.constant 0 : i32
      %dma_start3A_49 = tpu.memref_slice %arg7[%add3A_39, %dma_start3A_48] : memref<10240x128xf32, #tpu.memory_space<vmem_shared>> -> memref<128x128xf32, #tpu.memory_space<vmem_shared>>
      tpu.enqueue_dma source(%dma_start3A_49 : memref<128x128xf32, #tpu.memory_space<vmem_shared>>) target(%dma_start3A_47 : memref<128x128xf32, #tpu.memory_space<hbm>>) target_semaphore(%run_scoped3A : memref<!tpu.dma_semaphore, #tpu.memory_space<semaphore_mem>>)
      %dma_wait3A = arith.constant 0 : i32
      %dma_wait3A_50 = tpu.memref_slice %arg6[%arg0, %add3A_41, %dma_wait3A] : memref<2x10240x128xf32, #tpu.memory_space<hbm>> -> memref<1x128x128xf32, #tpu.memory_space<hbm>>
      %dma_wait3A_51 = tpu.memref_squeeze %dma_wait3A_50 : memref<1x128x128xf32, #tpu.memory_space<hbm>> -> memref<128x128xf32, #tpu.memory_space<hbm>>
      %dma_wait3A_52 = arith.constant 0 : i32
      %dma_wait3A_53 = tpu.memref_slice %arg7[%add3A_39, %dma_wait3A_52] : memref<10240x128xf32, #tpu.memory_space<vmem_shared>> -> memref<128x128xf32, #tpu.memory_space<vmem_shared>>
      tpu.wait_dma2 semaphore(%run_scoped3A : memref<!tpu.dma_semaphore, #tpu.memory_space<semaphore_mem>>) src(%dma_wait3A_53 : memref<128x128xf32, #tpu.memory_space<vmem_shared>>) dst(%dma_wait3A_51 : memref<128x128xf32, #tpu.memory_space<hbm>>)
      tpu.yield
    }) : () -> ()
    %add3A_42 = arith.constant 512 : i32
    %add3A_43 = arith.addi %mul3A_9, %add3A_42 : i32
    %add3A_44 = arith.constant 512 : i32
    %add3A_45 = arith.addi %mul3A_9, %add3A_44 : i32
    "tpu.region"() ({
      %run_scoped3A = tpu.sem_alloc : memref<!tpu.dma_semaphore, #tpu.memory_space<semaphore_mem>>
      %dma_start3A = arith.constant 0 : i32
      %dma_start3A_46 = tpu.memref_slice %arg6[%arg0, %add3A_45, %dma_start3A] : memref<2x10240x128xf32, #tpu.memory_space<hbm>> -> memref<1x128x128xf32, #tpu.memory_space<hbm>>
      %dma_start3A_47 = tpu.memref_squeeze %dma_start3A_46 : memref<1x128x128xf32, #tpu.memory_space<hbm>> -> memref<128x128xf32, #tpu.memory_space<hbm>>
      %dma_start3A_48 = arith.constant 0 : i32
      %dma_start3A_49 = tpu.memref_slice %arg7[%add3A_43, %dma_start3A_48] : memref<10240x128xf32, #tpu.memory_space<vmem_shared>> -> memref<128x128xf32, #tpu.memory_space<vmem_shared>>
      tpu.enqueue_dma source(%dma_start3A_49 : memref<128x128xf32, #tpu.memory_space<vmem_shared>>) target(%dma_start3A_47 : memref<128x128xf32, #tpu.memory_space<hbm>>) target_semaphore(%run_scoped3A : memref<!tpu.dma_semaphore, #tpu.memory_space<semaphore_mem>>)
      %dma_wait3A = arith.constant 0 : i32
      %dma_wait3A_50 = tpu.memref_slice %arg6[%arg0, %add3A_45, %dma_wait3A] : memref<2x10240x128xf32, #tpu.memory_space<hbm>> -> memref<1x128x128xf32, #tpu.memory_space<hbm>>
      %dma_wait3A_51 = tpu.memref_squeeze %dma_wait3A_50 : memref<1x128x128xf32, #tpu.memory_space<hbm>> -> memref<128x128xf32, #tpu.memory_space<hbm>>
      %dma_wait3A_52 = arith.constant 0 : i32
      %dma_wait3A_53 = tpu.memref_slice %arg7[%add3A_43, %dma_wait3A_52] : memref<10240x128xf32, #tpu.memory_space<vmem_shared>> -> memref<128x128xf32, #tpu.memory_space<vmem_shared>>
      tpu.wait_dma2 semaphore(%run_scoped3A : memref<!tpu.dma_semaphore, #tpu.memory_space<semaphore_mem>>) src(%dma_wait3A_53 : memref<128x128xf32, #tpu.memory_space<vmem_shared>>) dst(%dma_wait3A_51 : memref<128x128xf32, #tpu.memory_space<hbm>>)
      tpu.yield
    }) : () -> ()
    return
  }
}

#map = affine_map<(d0, d1) -> (0)>
#map1 = affine_map<(d0, d1) -> (0, 0)>
module attributes {stable_mosaic.version = 14 : i64} {
  func.func @_deg_kernel(%arg0: i32, %arg1: i32, %arg2: memref<323584xi32, #tpu.memory_space<hbm>>, %arg3: memref<323584xf32, #tpu.memory_space<hbm>>, %arg4: memref<2x10240xf32, #tpu.memory_space<hbm>>, %arg5: memref<10240xf32, #tpu.memory_space<vmem_shared>>, %arg6: memref<128xi32, #tpu.memory_space<vmem>>, %arg7: memref<128xf32, #tpu.memory_space<vmem>>, %arg8: memref<640xf32, #tpu.memory_space<vmem>>) attributes {dimension_semantics = [#tpu.dimension_semantics<core_parallel>, #tpu.dimension_semantics<subcore_parallel>], iteration_bounds = array<i64: 2, 16>, scalar_prefetch = 0 : i64, scratch_operands = 4 : i64, tpu.core_type = #tpu.core_type<sc_vector_subcore>, window_params = [{transform_indices = #map}, {transform_indices = #map}, {transform_indices = #map1}]} {
    %mul3A = arith.constant 2 : i32
    %mul3A_0 = arith.muli %arg1, %mul3A : i32
    %add3A = arith.addi %mul3A_0, %arg0 : i32
    %broadcast_in_dim3A = arith.constant 0.000000e+00 : f32
    %broadcast_in_dim3A_1 = vector.broadcast %broadcast_in_dim3A : f32 to vector<16xf32>
    %scan3A = arith.constant 0 : i32
    %scan3A_2 = arith.constant 0 : i32
    %scan3A_3 = arith.constant 40 : i32
    %scan3A_4 = arith.addi %scan3A_2, %scan3A_3 : i32
    %scan3A_5 = arith.constant 1 : i32
    %scan3A_6 = scf.for %scan3A_22 = %scan3A_2 to %scan3A_4 step %scan3A_5 iter_args(%scan3A_23 = %scan3A) -> (i32)  : i32 {
      %mul3A_24 = arith.constant 16 : i32
      %mul3A_25 = arith.muli %scan3A_22, %mul3A_24 : i32
      %swap3A = arith.index_cast %mul3A_25 : i32 to index
      %swap3A_26 = tpu.vector_load %arg8[%swap3A] {strides = array<i32>} : memref<640xf32, #tpu.memory_space<vmem>>, vector<16xf32>,
      %swap3A_27 = vector.shape_cast %swap3A_26 : vector<16xf32> to vector<16xf32>
      %swap3A_28 = vector.shape_cast %broadcast_in_dim3A_1 : vector<16xf32> to vector<16xf32>
      tpu.vector_store %arg8[%swap3A], %swap3A_28 {strides = array<i32>} : memref<640xf32, #tpu.memory_space<vmem>>, vector<16xf32>,
      %scan3A_29 = arith.constant 0 : i32
      scf.yield %scan3A_29 : i32
    }
    %scan3A_7 = arith.constant 40 : i32
    %mul3A_8 = arith.constant 640 : i32
    %mul3A_9 = arith.muli %arg1, %mul3A_8 : i32
    "tpu.region"() ({
      %run_scoped3A = tpu.sem_alloc : memref<!tpu.dma_semaphore, #tpu.memory_space<semaphore_mem>>
      %dma_start3A = tpu.memref_slice %arg5[%mul3A_9] : memref<10240xf32, #tpu.memory_space<vmem_shared>> -> memref<640xf32, #tpu.memory_space<vmem_shared>>
      %dma_start3A_22 = tpu.memref_slice %arg5[%mul3A_9] : memref<10240xf32, #tpu.memory_space<vmem_shared>> -> memref<640xf32, #tpu.memory_space<vmem_shared>>
      tpu.enqueue_dma source(%arg8 : memref<640xf32, #tpu.memory_space<vmem>>) target(%dma_start3A_22 : memref<640xf32, #tpu.memory_space<vmem_shared>>) target_semaphore(%run_scoped3A : memref<!tpu.dma_semaphore, #tpu.memory_space<semaphore_mem>>)
      %dma_wait3A = tpu.memref_slice %arg5[%mul3A_9] : memref<10240xf32, #tpu.memory_space<vmem_shared>> -> memref<640xf32, #tpu.memory_space<vmem_shared>>
      %dma_wait3A_23 = tpu.memref_slice %arg5[%mul3A_9] : memref<10240xf32, #tpu.memory_space<vmem_shared>> -> memref<640xf32, #tpu.memory_space<vmem_shared>>
      tpu.wait_dma2 semaphore(%run_scoped3A : memref<!tpu.dma_semaphore, #tpu.memory_space<semaphore_mem>>) src(%arg8 : memref<640xf32, #tpu.memory_space<vmem>>) dst(%dma_wait3A_23 : memref<640xf32, #tpu.memory_space<vmem_shared>>)
      tpu.yield
    }) : () -> ()
    %barrier3A = arith.constant 0 : index
    tpu.barrier barrier_id(%barrier3A)
    %scan3A_10 = arith.constant 0 : i32
    %scan3A_11 = arith.constant 0 : i32
    %scan3A_12 = arith.constant 79 : i32
    %scan3A_13 = arith.addi %scan3A_11, %scan3A_12 : i32
    %scan3A_14 = arith.constant 1 : i32
    %scan3A_15 = scf.for %scan3A_22 = %scan3A_11 to %scan3A_13 step %scan3A_14 iter_args(%scan3A_23 = %scan3A_10) -> (i32)  : i32 {
      %mul3A_24 = arith.constant 79 : i32
      %mul3A_25 = arith.muli %add3A, %mul3A_24 : i32
      %add3A_26 = arith.addi %mul3A_25, %scan3A_22 : i32
      %mul3A_27 = arith.constant 128 : i32
      %mul3A_28 = arith.muli %add3A_26, %mul3A_27 : i32
      "tpu.region"() ({
        %run_scoped3A = tpu.sem_alloc : memref<!tpu.dma_semaphore, #tpu.memory_space<semaphore_mem>>
        %dma_start3A = tpu.memref_slice %arg2[%mul3A_28] : memref<323584xi32, #tpu.memory_space<hbm>> -> memref<128xi32, #tpu.memory_space<hbm>>
        %dma_start3A_30 = tpu.memref_slice %arg2[%mul3A_28] : memref<323584xi32, #tpu.memory_space<hbm>> -> memref<128xi32, #tpu.memory_space<hbm>>
        tpu.enqueue_dma source(%dma_start3A_30 : memref<128xi32, #tpu.memory_space<hbm>>) target(%arg6 : memref<128xi32, #tpu.memory_space<vmem>>) target_semaphore(%run_scoped3A : memref<!tpu.dma_semaphore, #tpu.memory_space<semaphore_mem>>)
        %dma_wait3A = tpu.memref_slice %arg2[%mul3A_28] : memref<323584xi32, #tpu.memory_space<hbm>> -> memref<128xi32, #tpu.memory_space<hbm>>
        %dma_wait3A_31 = tpu.memref_slice %arg2[%mul3A_28] : memref<323584xi32, #tpu.memory_space<hbm>> -> memref<128xi32, #tpu.memory_space<hbm>>
        tpu.wait_dma2 semaphore(%run_scoped3A : memref<!tpu.dma_semaphore, #tpu.memory_space<semaphore_mem>>) src(%dma_wait3A_31 : memref<128xi32, #tpu.memory_space<hbm>>) dst(%arg6 : memref<128xi32, #tpu.memory_space<vmem>>)
        tpu.yield
      }) : () -> ()
      "tpu.region"() ({
        %run_scoped3A = tpu.sem_alloc : memref<!tpu.dma_semaphore, #tpu.memory_space<semaphore_mem>>
        %dma_start3A = tpu.memref_slice %arg3[%mul3A_28] : memref<323584xf32, #tpu.memory_space<hbm>> -> memref<128xf32, #tpu.memory_space<hbm>>
        %dma_start3A_30 = tpu.memref_slice %arg3[%mul3A_28] : memref<323584xf32, #tpu.memory_space<hbm>> -> memref<128xf32, #tpu.memory_space<hbm>>
        tpu.enqueue_dma source(%dma_start3A_30 : memref<128xf32, #tpu.memory_space<hbm>>) target(%arg7 : memref<128xf32, #tpu.memory_space<vmem>>) target_semaphore(%run_scoped3A : memref<!tpu.dma_semaphore, #tpu.memory_space<semaphore_mem>>)
        %dma_wait3A = tpu.memref_slice %arg3[%mul3A_28] : memref<323584xf32, #tpu.memory_space<hbm>> -> memref<128xf32, #tpu.memory_space<hbm>>
        %dma_wait3A_31 = tpu.memref_slice %arg3[%mul3A_28] : memref<323584xf32, #tpu.memory_space<hbm>> -> memref<128xf32, #tpu.memory_space<hbm>>
        tpu.wait_dma2 semaphore(%run_scoped3A : memref<!tpu.dma_semaphore, #tpu.memory_space<semaphore_mem>>) src(%dma_wait3A_31 : memref<128xf32, #tpu.memory_space<hbm>>) dst(%arg7 : memref<128xf32, #tpu.memory_space<vmem>>)
        tpu.yield
      }) : () -> ()
      "tpu.region"() ({
        %run_scoped3A = tpu.sem_alloc : memref<!tpu.dma_semaphore, #tpu.memory_space<semaphore_mem>>
        %dma_start3A = arith.constant 0 : i32
        %dma_start3A_30 = tpu.memref_slice %arg5[%dma_start3A] : memref<10240xf32, #tpu.memory_space<vmem_shared>> -> memref<10240xf32, #tpu.memory_space<vmem_shared>>
        tpu.enqueue_indirect_dma source(%arg7 : memref<128xf32, #tpu.memory_space<vmem>>) target(%dma_start3A_30 : memref<10240xf32, #tpu.memory_space<vmem_shared>>) offsets(%arg6 : memref<128xi32, #tpu.memory_space<vmem>>) semaphore(%run_scoped3A : memref<!tpu.dma_semaphore, #tpu.memory_space<semaphore_mem>>) {add = true}
        %dma_wait3A = arith.constant 0 : i32
        %dma_wait3A_31 = tpu.memref_slice %arg5[%dma_wait3A] : memref<10240xf32, #tpu.memory_space<vmem_shared>> -> memref<10240xf32, #tpu.memory_space<vmem_shared>>
        tpu.wait_indirect_dma semaphore(%run_scoped3A : memref<!tpu.dma_semaphore, #tpu.memory_space<semaphore_mem>>) src(%arg7 : memref<128xf32, #tpu.memory_space<vmem>>) dst(%dma_wait3A_31 : memref<10240xf32, #tpu.memory_space<vmem_shared>>)
        tpu.yield
      }) : () -> ()
      %scan3A_29 = arith.constant 0 : i32
      scf.yield %scan3A_29 : i32
    }
    %scan3A_16 = arith.constant 79 : i32
    %barrier3A_17 = arith.constant 0 : index
    tpu.barrier barrier_id(%barrier3A_17)
    %mul3A_18 = arith.constant 640 : i32
    %mul3A_19 = arith.muli %arg1, %mul3A_18 : i32
    %mul3A_20 = arith.constant 640 : i32
    %mul3A_21 = arith.muli %arg1, %mul3A_20 : i32
    "tpu.region"() ({
      %run_scoped3A = tpu.sem_alloc : memref<!tpu.dma_semaphore, #tpu.memory_space<semaphore_mem>>
      %dma_start3A = tpu.memref_slice %arg4[%arg0, %mul3A_21] : memref<2x10240xf32, #tpu.memory_space<hbm>> -> memref<1x640xf32, #tpu.memory_space<hbm>>
      %dma_start3A_22 = tpu.memref_squeeze %dma_start3A : memref<1x640xf32, #tpu.memory_space<hbm>> -> memref<640xf32, #tpu.memory_space<hbm>>
      %dma_start3A_23 = tpu.memref_slice %arg5[%mul3A_19] : memref<10240xf32, #tpu.memory_space<vmem_shared>> -> memref<640xf32, #tpu.memory_space<vmem_shared>>
      tpu.enqueue_dma source(%dma_start3A_23 : memref<640xf32, #tpu.memory_space<vmem_shared>>) target(%dma_start3A_22 : memref<640xf32, #tpu.memory_space<hbm>>) target_semaphore(%run_scoped3A : memref<!tpu.dma_semaphore, #tpu.memory_space<semaphore_mem>>)
      %dma_wait3A = tpu.memref_slice %arg4[%arg0, %mul3A_21] : memref<2x10240xf32, #tpu.memory_space<hbm>> -> memref<1x640xf32, #tpu.memory_space<hbm>>
      %dma_wait3A_24 = tpu.memref_squeeze %dma_wait3A : memref<1x640xf32, #tpu.memory_space<hbm>> -> memref<640xf32, #tpu.memory_space<hbm>>
      %dma_wait3A_25 = tpu.memref_slice %arg5[%mul3A_19] : memref<10240xf32, #tpu.memory_space<vmem_shared>> -> memref<640xf32, #tpu.memory_space<vmem_shared>>
      tpu.wait_dma2 semaphore(%run_scoped3A : memref<!tpu.dma_semaphore, #tpu.memory_space<semaphore_mem>>) src(%dma_wait3A_25 : memref<640xf32, #tpu.memory_space<vmem_shared>>) dst(%dma_wait3A_24 : memref<640xf32, #tpu.memory_space<hbm>>)
      tpu.yield
    }) : () -> ()
    return
  }
}

#map = affine_map<(d0, d1) -> (0, 0)>
#map1 = affine_map<(d0, d1) -> (0)>
#map2 = affine_map<(d0, d1) -> (0, 0, 0)>
module attributes {stable_mosaic.version = 14 : i64} {
  func.func @_agg_kernel(%arg0: i32, %arg1: i32, %arg2: memref<10000x128xf32, #tpu.memory_space<hbm>>, %arg3: memref<323584xi32, #tpu.memory_space<hbm>>, %arg4: memref<323584xi32, #tpu.memory_space<hbm>>, %arg5: memref<323584xf32, #tpu.memory_space<hbm>>, %arg6: memref<2x10240x128xf32, #tpu.memory_space<hbm>>, %arg7: memref<10240x128xf32, #tpu.memory_space<vmem_shared>>, %arg8: memref<128xi32, #tpu.memory_space<vmem>>, %arg9: memref<128xi32, #tpu.memory_space<vmem>>, %arg10: memref<144xf32, #tpu.memory_space<vmem>>, %arg11: memref<256x128xf32, #tpu.memory_space<vmem>>, %arg12: memref<!tpu.dma_semaphore, #tpu.memory_space<semaphore_mem>>) attributes {dimension_semantics = [#tpu.dimension_semantics<core_parallel>, #tpu.dimension_semantics<subcore_parallel>], iteration_bounds = array<i64: 2, 16>, scalar_prefetch = 0 : i64, scratch_operands = 6 : i64, tpu.core_type = #tpu.core_type<sc_vector_subcore>, window_params = [{transform_indices = #map}, {transform_indices = #map1}, {transform_indices = #map1}, {transform_indices = #map1}, {transform_indices = #map2}]} {
    %mul3A = arith.constant 2 : i32
    %mul3A_0 = arith.muli %arg1, %mul3A : i32
    %add3A = arith.addi %mul3A_0, %arg0 : i32
    %broadcast_in_dim3A = arith.constant 0.000000e+00 : f32
    %broadcast_in_dim3A_1 = vector.broadcast %broadcast_in_dim3A : f32 to vector<16xf32>
    %scan3A = arith.constant 0 : i32
    %scan3A_2 = arith.constant 0 : i32
    %scan3A_3 = arith.constant 256 : i32
    %scan3A_4 = arith.addi %scan3A_2, %scan3A_3 : i32
    %scan3A_5 = arith.constant 1 : i32
    %scan3A_6 = scf.for %scan3A_46 = %scan3A_2 to %scan3A_4 step %scan3A_5 iter_args(%scan3A_47 = %scan3A) -> (i32)  : i32 {
      %swap3A = arith.index_cast %scan3A_46 : i32 to index
      %swap3A_48 = arith.constant 0 : index
      %swap3A_49 = tpu.vector_load %arg11[%swap3A, %swap3A_48] {strides = array<i32>} : memref<256x128xf32, #tpu.memory_space<vmem>>, vector<1x16xf32>,
      %swap3A_50 = vector.shape_cast %swap3A_49 : vector<1x16xf32> to vector<16xf32>
      %swap3A_51 = vector.shape_cast %broadcast_in_dim3A_1 : vector<16xf32> to vector<1x16xf32>
      tpu.vector_store %arg11[%swap3A, %swap3A_48], %swap3A_51 {strides = array<i32>} : memref<256x128xf32, #tpu.memory_space<vmem>>, vector<1x16xf32>,
      %swap3A_52 = arith.index_cast %scan3A_46 : i32 to index
      %swap3A_53 = arith.constant 16 : index
      %swap3A_54 = tpu.vector_load %arg11[%swap3A_52, %swap3A_53] {strides = array<i32>} : memref<256x128xf32, #tpu.memory_space<vmem>>, vector<1x16xf32>,
      %swap3A_55 = vector.shape_cast %swap3A_54 : vector<1x16xf32> to vector<16xf32>
      %swap3A_56 = vector.shape_cast %broadcast_in_dim3A_1 : vector<16xf32> to vector<1x16xf32>
      tpu.vector_store %arg11[%swap3A_52, %swap3A_53], %swap3A_56 {strides = array<i32>} : memref<256x128xf32, #tpu.memory_space<vmem>>, vector<1x16xf32>,
      %swap3A_57 = arith.index_cast %scan3A_46 : i32 to index
      %swap3A_58 = arith.constant 32 : index
      %swap3A_59 = tpu.vector_load %arg11[%swap3A_57, %swap3A_58] {strides = array<i32>} : memref<256x128xf32, #tpu.memory_space<vmem>>, vector<1x16xf32>,
      %swap3A_60 = vector.shape_cast %swap3A_59 : vector<1x16xf32> to vector<16xf32>
      %swap3A_61 = vector.shape_cast %broadcast_in_dim3A_1 : vector<16xf32> to vector<1x16xf32>
      tpu.vector_store %arg11[%swap3A_57, %swap3A_58], %swap3A_61 {strides = array<i32>} : memref<256x128xf32, #tpu.memory_space<vmem>>, vector<1x16xf32>,
      %swap3A_62 = arith.index_cast %scan3A_46 : i32 to index
      %swap3A_63 = arith.constant 48 : index
      %swap3A_64 = tpu.vector_load %arg11[%swap3A_62, %swap3A_63] {strides = array<i32>} : memref<256x128xf32, #tpu.memory_space<vmem>>, vector<1x16xf32>,
      %swap3A_65 = vector.shape_cast %swap3A_64 : vector<1x16xf32> to vector<16xf32>
      %swap3A_66 = vector.shape_cast %broadcast_in_dim3A_1 : vector<16xf32> to vector<1x16xf32>
      tpu.vector_store %arg11[%swap3A_62, %swap3A_63], %swap3A_66 {strides = array<i32>} : memref<256x128xf32, #tpu.memory_space<vmem>>, vector<1x16xf32>,
      %swap3A_67 = arith.index_cast %scan3A_46 : i32 to index
      %swap3A_68 = arith.constant 64 : index
      %swap3A_69 = tpu.vector_load %arg11[%swap3A_67, %swap3A_68] {strides = array<i32>} : memref<256x128xf32, #tpu.memory_space<vmem>>, vector<1x16xf32>,
      %swap3A_70 = vector.shape_cast %swap3A_69 : vector<1x16xf32> to vector<16xf32>
      %swap3A_71 = vector.shape_cast %broadcast_in_dim3A_1 : vector<16xf32> to vector<1x16xf32>
      tpu.vector_store %arg11[%swap3A_67, %swap3A_68], %swap3A_71 {strides = array<i32>} : memref<256x128xf32, #tpu.memory_space<vmem>>, vector<1x16xf32>,
      %swap3A_72 = arith.index_cast %scan3A_46 : i32 to index
      %swap3A_73 = arith.constant 80 : index
      %swap3A_74 = tpu.vector_load %arg11[%swap3A_72, %swap3A_73] {strides = array<i32>} : memref<256x128xf32, #tpu.memory_space<vmem>>, vector<1x16xf32>,
      %swap3A_75 = vector.shape_cast %swap3A_74 : vector<1x16xf32> to vector<16xf32>
      %swap3A_76 = vector.shape_cast %broadcast_in_dim3A_1 : vector<16xf32> to vector<1x16xf32>
      tpu.vector_store %arg11[%swap3A_72, %swap3A_73], %swap3A_76 {strides = array<i32>} : memref<256x128xf32, #tpu.memory_space<vmem>>, vector<1x16xf32>,
      %swap3A_77 = arith.index_cast %scan3A_46 : i32 to index
      %swap3A_78 = arith.constant 96 : index
      %swap3A_79 = tpu.vector_load %arg11[%swap3A_77, %swap3A_78] {strides = array<i32>} : memref<256x128xf32, #tpu.memory_space<vmem>>, vector<1x16xf32>,
      %swap3A_80 = vector.shape_cast %swap3A_79 : vector<1x16xf32> to vector<16xf32>
      %swap3A_81 = vector.shape_cast %broadcast_in_dim3A_1 : vector<16xf32> to vector<1x16xf32>
      tpu.vector_store %arg11[%swap3A_77, %swap3A_78], %swap3A_81 {strides = array<i32>} : memref<256x128xf32, #tpu.memory_space<vmem>>, vector<1x16xf32>,
      %swap3A_82 = arith.index_cast %scan3A_46 : i32 to index
      %swap3A_83 = arith.constant 112 : index
      %swap3A_84 = tpu.vector_load %arg11[%swap3A_82, %swap3A_83] {strides = array<i32>} : memref<256x128xf32, #tpu.memory_space<vmem>>, vector<1x16xf32>,
      %swap3A_85 = vector.shape_cast %swap3A_84 : vector<1x16xf32> to vector<16xf32>
      %swap3A_86 = vector.shape_cast %broadcast_in_dim3A_1 : vector<16xf32> to vector<1x16xf32>
      tpu.vector_store %arg11[%swap3A_82, %swap3A_83], %swap3A_86 {strides = array<i32>} : memref<256x128xf32, #tpu.memory_space<vmem>>, vector<1x16xf32>,
      %scan3A_87 = arith.constant 0 : i32
      scf.yield %scan3A_87 : i32
    }
    %scan3A_7 = arith.constant 256 : i32
    %mul3A_8 = arith.constant 640 : i32
    %mul3A_9 = arith.muli %arg1, %mul3A_8 : i32
    "tpu.region"() ({
      %run_scoped3A = tpu.sem_alloc : memref<!tpu.dma_semaphore, #tpu.memory_space<semaphore_mem>>
      %dma_start3A = arith.constant 0 : i32
      %dma_start3A_46 = arith.constant 0 : i32
      %dma_start3A_47 = tpu.memref_slice %arg11[%dma_start3A, %dma_start3A_46] : memref<256x128xf32, #tpu.memory_space<vmem>> -> memref<256x128xf32, #tpu.memory_space<vmem>>
      %dma_start3A_48 = arith.constant 0 : i32
      %dma_start3A_49 = tpu.memref_slice %arg7[%mul3A_9, %dma_start3A_48] : memref<10240x128xf32, #tpu.memory_space<vmem_shared>> -> memref<256x128xf32, #tpu.memory_space<vmem_shared>>
      %dma_start3A_50 = arith.constant 0 : i32
      %dma_start3A_51 = tpu.memref_slice %arg7[%mul3A_9, %dma_start3A_50] : memref<10240x128xf32, #tpu.memory_space<vmem_shared>> -> memref<256x128xf32, #tpu.memory_space<vmem_shared>>
      %dma_start3A_52 = arith.constant 0 : i32
      %dma_start3A_53 = arith.constant 0 : i32
      %dma_start3A_54 = tpu.memref_slice %arg11[%dma_start3A_52, %dma_start3A_53] : memref<256x128xf32, #tpu.memory_space<vmem>> -> memref<256x128xf32, #tpu.memory_space<vmem>>
      tpu.enqueue_dma source(%dma_start3A_54 : memref<256x128xf32, #tpu.memory_space<vmem>>) target(%dma_start3A_51 : memref<256x128xf32, #tpu.memory_space<vmem_shared>>) target_semaphore(%run_scoped3A : memref<!tpu.dma_semaphore, #tpu.memory_space<semaphore_mem>>)
      %dma_wait3A = arith.constant 0 : i32
      %dma_wait3A_55 = arith.constant 0 : i32
      %dma_wait3A_56 = tpu.memref_slice %arg11[%dma_wait3A, %dma_wait3A_55] : memref<256x128xf32, #tpu.memory_space<vmem>> -> memref<256x128xf32, #tpu.memory_space<vmem>>
      %dma_wait3A_57 = arith.constant 0 : i32
      %dma_wait3A_58 = tpu.memref_slice %arg7[%mul3A_9, %dma_wait3A_57] : memref<10240x128xf32, #tpu.memory_space<vmem_shared>> -> memref<256x128xf32, #tpu.memory_space<vmem_shared>>
      %dma_wait3A_59 = arith.constant 0 : i32
      %dma_wait3A_60 = tpu.memref_slice %arg7[%mul3A_9, %dma_wait3A_59] : memref<10240x128xf32, #tpu.memory_space<vmem_shared>> -> memref<256x128xf32, #tpu.memory_space<vmem_shared>>
      %dma_wait3A_61 = arith.constant 0 : i32
      %dma_wait3A_62 = arith.constant 0 : i32
      %dma_wait3A_63 = tpu.memref_slice %arg11[%dma_wait3A_61, %dma_wait3A_62] : memref<256x128xf32, #tpu.memory_space<vmem>> -> memref<256x128xf32, #tpu.memory_space<vmem>>
      tpu.wait_dma2 semaphore(%run_scoped3A : memref<!tpu.dma_semaphore, #tpu.memory_space<semaphore_mem>>) src(%dma_wait3A_63 : memref<256x128xf32, #tpu.memory_space<vmem>>) dst(%dma_wait3A_60 : memref<256x128xf32, #tpu.memory_space<vmem_shared>>)
      tpu.yield
    }) : () -> ()
    %add3A_10 = arith.constant 256 : i32
    %add3A_11 = arith.addi %mul3A_9, %add3A_10 : i32
    "tpu.region"() ({
      %run_scoped3A = tpu.sem_alloc : memref<!tpu.dma_semaphore, #tpu.memory_space<semaphore_mem>>
      %dma_start3A = arith.constant 0 : i32
      %dma_start3A_46 = arith.constant 0 : i32
      %dma_start3A_47 = tpu.memref_slice %arg11[%dma_start3A, %dma_start3A_46] : memref<256x128xf32, #tpu.memory_space<vmem>> -> memref<256x128xf32, #tpu.memory_space<vmem>>
      %dma_start3A_48 = arith.constant 0 : i32
      %dma_start3A_49 = tpu.memref_slice %arg7[%add3A_11, %dma_start3A_48] : memref<10240x128xf32, #tpu.memory_space<vmem_shared>> -> memref<256x128xf32, #tpu.memory_space<vmem_shared>>
      %dma_start3A_50 = arith.constant 0 : i32
      %dma_start3A_51 = tpu.memref_slice %arg7[%add3A_11, %dma_start3A_50] : memref<10240x128xf32, #tpu.memory_space<vmem_shared>> -> memref<256x128xf32, #tpu.memory_space<vmem_shared>>
      %dma_start3A_52 = arith.constant 0 : i32
      %dma_start3A_53 = arith.constant 0 : i32
      %dma_start3A_54 = tpu.memref_slice %arg11[%dma_start3A_52, %dma_start3A_53] : memref<256x128xf32, #tpu.memory_space<vmem>> -> memref<256x128xf32, #tpu.memory_space<vmem>>
      tpu.enqueue_dma source(%dma_start3A_54 : memref<256x128xf32, #tpu.memory_space<vmem>>) target(%dma_start3A_51 : memref<256x128xf32, #tpu.memory_space<vmem_shared>>) target_semaphore(%run_scoped3A : memref<!tpu.dma_semaphore, #tpu.memory_space<semaphore_mem>>)
      %dma_wait3A = arith.constant 0 : i32
      %dma_wait3A_55 = arith.constant 0 : i32
      %dma_wait3A_56 = tpu.memref_slice %arg11[%dma_wait3A, %dma_wait3A_55] : memref<256x128xf32, #tpu.memory_space<vmem>> -> memref<256x128xf32, #tpu.memory_space<vmem>>
      %dma_wait3A_57 = arith.constant 0 : i32
      %dma_wait3A_58 = tpu.memref_slice %arg7[%add3A_11, %dma_wait3A_57] : memref<10240x128xf32, #tpu.memory_space<vmem_shared>> -> memref<256x128xf32, #tpu.memory_space<vmem_shared>>
      %dma_wait3A_59 = arith.constant 0 : i32
      %dma_wait3A_60 = tpu.memref_slice %arg7[%add3A_11, %dma_wait3A_59] : memref<10240x128xf32, #tpu.memory_space<vmem_shared>> -> memref<256x128xf32, #tpu.memory_space<vmem_shared>>
      %dma_wait3A_61 = arith.constant 0 : i32
      %dma_wait3A_62 = arith.constant 0 : i32
      %dma_wait3A_63 = tpu.memref_slice %arg11[%dma_wait3A_61, %dma_wait3A_62] : memref<256x128xf32, #tpu.memory_space<vmem>> -> memref<256x128xf32, #tpu.memory_space<vmem>>
      tpu.wait_dma2 semaphore(%run_scoped3A : memref<!tpu.dma_semaphore, #tpu.memory_space<semaphore_mem>>) src(%dma_wait3A_63 : memref<256x128xf32, #tpu.memory_space<vmem>>) dst(%dma_wait3A_60 : memref<256x128xf32, #tpu.memory_space<vmem_shared>>)
      tpu.yield
    }) : () -> ()
    %add3A_12 = arith.constant 512 : i32
    %add3A_13 = arith.addi %mul3A_9, %add3A_12 : i32
    "tpu.region"() ({
      %run_scoped3A = tpu.sem_alloc : memref<!tpu.dma_semaphore, #tpu.memory_space<semaphore_mem>>
      %dma_start3A = arith.constant 0 : i32
      %dma_start3A_46 = arith.constant 0 : i32
      %dma_start3A_47 = tpu.memref_slice %arg11[%dma_start3A, %dma_start3A_46] : memref<256x128xf32, #tpu.memory_space<vmem>> -> memref<128x128xf32, #tpu.memory_space<vmem>>
      %dma_start3A_48 = arith.constant 0 : i32
      %dma_start3A_49 = tpu.memref_slice %arg7[%add3A_13, %dma_start3A_48] : memref<10240x128xf32, #tpu.memory_space<vmem_shared>> -> memref<128x128xf32, #tpu.memory_space<vmem_shared>>
      %dma_start3A_50 = arith.constant 0 : i32
      %dma_start3A_51 = tpu.memref_slice %arg7[%add3A_13, %dma_start3A_50] : memref<10240x128xf32, #tpu.memory_space<vmem_shared>> -> memref<128x128xf32, #tpu.memory_space<vmem_shared>>
      %dma_start3A_52 = arith.constant 0 : i32
      %dma_start3A_53 = arith.constant 0 : i32
      %dma_start3A_54 = tpu.memref_slice %arg11[%dma_start3A_52, %dma_start3A_53] : memref<256x128xf32, #tpu.memory_space<vmem>> -> memref<128x128xf32, #tpu.memory_space<vmem>>
      tpu.enqueue_dma source(%dma_start3A_54 : memref<128x128xf32, #tpu.memory_space<vmem>>) target(%dma_start3A_51 : memref<128x128xf32, #tpu.memory_space<vmem_shared>>) target_semaphore(%run_scoped3A : memref<!tpu.dma_semaphore, #tpu.memory_space<semaphore_mem>>)
      %dma_wait3A = arith.constant 0 : i32
      %dma_wait3A_55 = arith.constant 0 : i32
      %dma_wait3A_56 = tpu.memref_slice %arg11[%dma_wait3A, %dma_wait3A_55] : memref<256x128xf32, #tpu.memory_space<vmem>> -> memref<128x128xf32, #tpu.memory_space<vmem>>
      %dma_wait3A_57 = arith.constant 0 : i32
      %dma_wait3A_58 = tpu.memref_slice %arg7[%add3A_13, %dma_wait3A_57] : memref<10240x128xf32, #tpu.memory_space<vmem_shared>> -> memref<128x128xf32, #tpu.memory_space<vmem_shared>>
      %dma_wait3A_59 = arith.constant 0 : i32
      %dma_wait3A_60 = tpu.memref_slice %arg7[%add3A_13, %dma_wait3A_59] : memref<10240x128xf32, #tpu.memory_space<vmem_shared>> -> memref<128x128xf32, #tpu.memory_space<vmem_shared>>
      %dma_wait3A_61 = arith.constant 0 : i32
      %dma_wait3A_62 = arith.constant 0 : i32
      %dma_wait3A_63 = tpu.memref_slice %arg11[%dma_wait3A_61, %dma_wait3A_62] : memref<256x128xf32, #tpu.memory_space<vmem>> -> memref<128x128xf32, #tpu.memory_space<vmem>>
      tpu.wait_dma2 semaphore(%run_scoped3A : memref<!tpu.dma_semaphore, #tpu.memory_space<semaphore_mem>>) src(%dma_wait3A_63 : memref<128x128xf32, #tpu.memory_space<vmem>>) dst(%dma_wait3A_60 : memref<128x128xf32, #tpu.memory_space<vmem_shared>>)
      tpu.yield
    }) : () -> ()
    %barrier3A = arith.constant 0 : index
    tpu.barrier barrier_id(%barrier3A)
    %mul3A_14 = arith.constant 79 : i32
    %mul3A_15 = arith.muli %add3A, %mul3A_14 : i32
    %mul3A_16 = arith.constant 128 : i32
    %mul3A_17 = arith.muli %mul3A_15, %mul3A_16 : i32
    %scan3A_18 = arith.constant 0 : i32
    %scan3A_19 = arith.constant 0 : i32
    %scan3A_20 = arith.constant 79 : i32
    %scan3A_21 = arith.addi %scan3A_19, %scan3A_20 : i32
    %scan3A_22 = arith.constant 1 : i32
    %scan3A_23 = scf.for %scan3A_46 = %scan3A_19 to %scan3A_21 step %scan3A_22 iter_args(%scan3A_47 = %scan3A_18) -> (i32)  : i32 {
      %mul3A_48 = arith.constant 128 : i32
      %mul3A_49 = arith.muli %scan3A_46, %mul3A_48 : i32
      %add3A_50 = arith.addi %mul3A_17, %mul3A_49 : i32
      "tpu.region"() ({
        %run_scoped3A = tpu.sem_alloc : memref<!tpu.dma_semaphore, #tpu.memory_space<semaphore_mem>>
        %dma_start3A_69 = tpu.memref_slice %arg4[%add3A_50] : memref<323584xi32, #tpu.memory_space<hbm>> -> memref<128xi32, #tpu.memory_space<hbm>>
        %dma_start3A_70 = tpu.memref_slice %arg4[%add3A_50] : memref<323584xi32, #tpu.memory_space<hbm>> -> memref<128xi32, #tpu.memory_space<hbm>>
        tpu.enqueue_dma source(%dma_start3A_70 : memref<128xi32, #tpu.memory_space<hbm>>) target(%arg8 : memref<128xi32, #tpu.memory_space<vmem>>) target_semaphore(%run_scoped3A : memref<!tpu.dma_semaphore, #tpu.memory_space<semaphore_mem>>)
        %dma_wait3A_71 = tpu.memref_slice %arg4[%add3A_50] : memref<323584xi32, #tpu.memory_space<hbm>> -> memref<128xi32, #tpu.memory_space<hbm>>
        %dma_wait3A_72 = tpu.memref_slice %arg4[%add3A_50] : memref<323584xi32, #tpu.memory_space<hbm>> -> memref<128xi32, #tpu.memory_space<hbm>>
        tpu.wait_dma2 semaphore(%run_scoped3A : memref<!tpu.dma_semaphore, #tpu.memory_space<semaphore_mem>>) src(%dma_wait3A_72 : memref<128xi32, #tpu.memory_space<hbm>>) dst(%arg8 : memref<128xi32, #tpu.memory_space<vmem>>)
        tpu.yield
      }) : () -> ()
      %dma_start3A = arith.constant 0 : i32
      %dma_start3A_51 = arith.constant 0 : i32
      %dma_start3A_52 = tpu.memref_slice %arg11[%dma_start3A, %dma_start3A_51] : memref<256x128xf32, #tpu.memory_space<vmem>> -> memref<128x128xf32, #tpu.memory_space<vmem>>
      %dma_start3A_53 = arith.constant 0 : i32
      %dma_start3A_54 = arith.constant 0 : i32
      %dma_start3A_55 = tpu.memref_slice %arg2[%dma_start3A_53, %dma_start3A_54] : memref<10000x128xf32, #tpu.memory_space<hbm>> -> memref<10000x128xf32, #tpu.memory_space<hbm>>
      tpu.enqueue_indirect_dma source(%dma_start3A_55 : memref<10000x128xf32, #tpu.memory_space<hbm>>) target(%dma_start3A_52 : memref<128x128xf32, #tpu.memory_space<vmem>>) offsets(%arg8 : memref<128xi32, #tpu.memory_space<vmem>>) semaphore(%arg12 : memref<!tpu.dma_semaphore, #tpu.memory_space<semaphore_mem>>)
      "tpu.region"() ({
        %run_scoped3A = tpu.sem_alloc : memref<!tpu.dma_semaphore, #tpu.memory_space<semaphore_mem>>
        %dma_start3A_69 = tpu.memref_slice %arg3[%add3A_50] : memref<323584xi32, #tpu.memory_space<hbm>> -> memref<128xi32, #tpu.memory_space<hbm>>
        %dma_start3A_70 = tpu.memref_slice %arg3[%add3A_50] : memref<323584xi32, #tpu.memory_space<hbm>> -> memref<128xi32, #tpu.memory_space<hbm>>
        tpu.enqueue_dma source(%dma_start3A_70 : memref<128xi32, #tpu.memory_space<hbm>>) target(%arg9 : memref<128xi32, #tpu.memory_space<vmem>>) target_semaphore(%run_scoped3A : memref<!tpu.dma_semaphore, #tpu.memory_space<semaphore_mem>>)
        %dma_wait3A_71 = tpu.memref_slice %arg3[%add3A_50] : memref<323584xi32, #tpu.memory_space<hbm>> -> memref<128xi32, #tpu.memory_space<hbm>>
        %dma_wait3A_72 = tpu.memref_slice %arg3[%add3A_50] : memref<323584xi32, #tpu.memory_space<hbm>> -> memref<128xi32, #tpu.memory_space<hbm>>
        tpu.wait_dma2 semaphore(%run_scoped3A : memref<!tpu.dma_semaphore, #tpu.memory_space<semaphore_mem>>) src(%dma_wait3A_72 : memref<128xi32, #tpu.memory_space<hbm>>) dst(%arg9 : memref<128xi32, #tpu.memory_space<vmem>>)
        tpu.yield
      }) : () -> ()
      "tpu.region"() ({
        %run_scoped3A = tpu.sem_alloc : memref<!tpu.dma_semaphore, #tpu.memory_space<semaphore_mem>>
        %dma_start3A_69 = arith.constant 0 : i32
        %dma_start3A_70 = tpu.memref_slice %arg10[%dma_start3A_69] : memref<144xf32, #tpu.memory_space<vmem>> -> memref<128xf32, #tpu.memory_space<vmem>>
        %dma_start3A_71 = tpu.memref_slice %arg5[%add3A_50] : memref<323584xf32, #tpu.memory_space<hbm>> -> memref<128xf32, #tpu.memory_space<hbm>>
        %dma_start3A_72 = arith.constant 0 : i32
        %dma_start3A_73 = tpu.memref_slice %arg10[%dma_start3A_72] : memref<144xf32, #tpu.memory_space<vmem>> -> memref<128xf32, #tpu.memory_space<vmem>>
        %dma_start3A_74 = tpu.memref_slice %arg5[%add3A_50] : memref<323584xf32, #tpu.memory_space<hbm>> -> memref<128xf32, #tpu.memory_space<hbm>>
        tpu.enqueue_dma source(%dma_start3A_74 : memref<128xf32, #tpu.memory_space<hbm>>) target(%dma_start3A_73 : memref<128xf32, #tpu.memory_space<vmem>>) target_semaphore(%run_scoped3A : memref<!tpu.dma_semaphore, #tpu.memory_space<semaphore_mem>>)
        %dma_wait3A_75 = arith.constant 0 : i32
        %dma_wait3A_76 = tpu.memref_slice %arg10[%dma_wait3A_75] : memref<144xf32, #tpu.memory_space<vmem>> -> memref<128xf32, #tpu.memory_space<vmem>>
        %dma_wait3A_77 = tpu.memref_slice %arg5[%add3A_50] : memref<323584xf32, #tpu.memory_space<hbm>> -> memref<128xf32, #tpu.memory_space<hbm>>
        %dma_wait3A_78 = arith.constant 0 : i32
        %dma_wait3A_79 = tpu.memref_slice %arg10[%dma_wait3A_78] : memref<144xf32, #tpu.memory_space<vmem>> -> memref<128xf32, #tpu.memory_space<vmem>>
        %dma_wait3A_80 = tpu.memref_slice %arg5[%add3A_50] : memref<323584xf32, #tpu.memory_space<hbm>> -> memref<128xf32, #tpu.memory_space<hbm>>
        tpu.wait_dma2 semaphore(%run_scoped3A : memref<!tpu.dma_semaphore, #tpu.memory_space<semaphore_mem>>) src(%dma_wait3A_80 : memref<128xf32, #tpu.memory_space<hbm>>) dst(%dma_wait3A_79 : memref<128xf32, #tpu.memory_space<vmem>>)
        tpu.yield
      }) : () -> ()
      %dma_wait3A = arith.constant 0 : i32
      %dma_wait3A_56 = arith.constant 0 : i32
      %dma_wait3A_57 = tpu.memref_slice %arg11[%dma_wait3A, %dma_wait3A_56] : memref<256x128xf32, #tpu.memory_space<vmem>> -> memref<128x128xf32, #tpu.memory_space<vmem>>
      %dma_wait3A_58 = arith.constant 0 : i32
      %dma_wait3A_59 = arith.constant 0 : i32
      %dma_wait3A_60 = tpu.memref_slice %arg2[%dma_wait3A_58, %dma_wait3A_59] : memref<10000x128xf32, #tpu.memory_space<hbm>> -> memref<10000x128xf32, #tpu.memory_space<hbm>>
      tpu.wait_indirect_dma semaphore(%arg12 : memref<!tpu.dma_semaphore, #tpu.memory_space<semaphore_mem>>) src(%dma_wait3A_60 : memref<10000x128xf32, #tpu.memory_space<hbm>>) dst(%dma_wait3A_57 : memref<128x128xf32, #tpu.memory_space<vmem>>)
      %scan3A_61 = arith.constant 0 : i32
      %scan3A_62 = arith.constant 0 : i32
      %scan3A_63 = arith.constant 128 : i32
      %scan3A_64 = arith.addi %scan3A_62, %scan3A_63 : i32
      %scan3A_65 = arith.constant 1 : i32
      %scan3A_66 = scf.for %scan3A_69 = %scan3A_62 to %scan3A_64 step %scan3A_65 iter_args(%scan3A_70 = %scan3A_61) -> (i32)  : i32 {
        %get3A = arith.index_cast %scan3A_69 : i32 to index
        %get3A_71 = tpu.vector_load %arg10[%get3A] {strides = array<i32>} : memref<144xf32, #tpu.memory_space<vmem>>, vector<16xf32>,
        %get3A_72 = vector.shape_cast %get3A_71 : vector<16xf32> to vector<16xf32>
        %slice3A = vector.extract_strided_slice %get3A_72 {offsets = [0], sizes = [1], strides = [1]} : vector<16xf32> to vector<1xf32>
        %squeeze3A = vector.extract %slice3A[0] : f32 from vector<1xf32>
        %get3A_73 = arith.index_cast %scan3A_69 : i32 to index
        %get3A_74 = arith.constant 0 : index
        %get3A_75 = tpu.vector_load %arg11[%get3A_73, %get3A_74] {strides = array<i32>} : memref<256x128xf32, #tpu.memory_space<vmem>>, vector<1x16xf32>,
        %get3A_76 = vector.shape_cast %get3A_75 : vector<1x16xf32> to vector<16xf32>
        %mul3A_77 = vector.broadcast %squeeze3A : f32 to vector<16xf32>
        %mul3A_78 = arith.mulf %get3A_76, %mul3A_77 : vector<16xf32>
        %swap3A = arith.index_cast %scan3A_69 : i32 to index
        %swap3A_79 = arith.constant 0 : index
        %swap3A_80 = tpu.vector_load %arg11[%swap3A, %swap3A_79] {strides = array<i32>} : memref<256x128xf32, #tpu.memory_space<vmem>>, vector<1x16xf32>,
        %swap3A_81 = vector.shape_cast %swap3A_80 : vector<1x16xf32> to vector<16xf32>
        %swap3A_82 = vector.shape_cast %mul3A_78 : vector<16xf32> to vector<1x16xf32>
        tpu.vector_store %arg11[%swap3A, %swap3A_79], %swap3A_82 {strides = array<i32>} : memref<256x128xf32, #tpu.memory_space<vmem>>, vector<1x16xf32>,
        %get3A_83 = arith.index_cast %scan3A_69 : i32 to index
        %get3A_84 = arith.constant 16 : index
        %get3A_85 = tpu.vector_load %arg11[%get3A_83, %get3A_84] {strides = array<i32>} : memref<256x128xf32, #tpu.memory_space<vmem>>, vector<1x16xf32>,
        %get3A_86 = vector.shape_cast %get3A_85 : vector<1x16xf32> to vector<16xf32>
        %mul3A_87 = vector.broadcast %squeeze3A : f32 to vector<16xf32>
        %mul3A_88 = arith.mulf %get3A_86, %mul3A_87 : vector<16xf32>
        %swap3A_89 = arith.index_cast %scan3A_69 : i32 to index
        %swap3A_90 = arith.constant 16 : index
        %swap3A_91 = tpu.vector_load %arg11[%swap3A_89, %swap3A_90] {strides = array<i32>} : memref<256x128xf32, #tpu.memory_space<vmem>>, vector<1x16xf32>,
        %swap3A_92 = vector.shape_cast %swap3A_91 : vector<1x16xf32> to vector<16xf32>
        %swap3A_93 = vector.shape_cast %mul3A_88 : vector<16xf32> to vector<1x16xf32>
        tpu.vector_store %arg11[%swap3A_89, %swap3A_90], %swap3A_93 {strides = array<i32>} : memref<256x128xf32, #tpu.memory_space<vmem>>, vector<1x16xf32>,
        %get3A_94 = arith.index_cast %scan3A_69 : i32 to index
        %get3A_95 = arith.constant 32 : index
        %get3A_96 = tpu.vector_load %arg11[%get3A_94, %get3A_95] {strides = array<i32>} : memref<256x128xf32, #tpu.memory_space<vmem>>, vector<1x16xf32>,
        %get3A_97 = vector.shape_cast %get3A_96 : vector<1x16xf32> to vector<16xf32>
        %mul3A_98 = vector.broadcast %squeeze3A : f32 to vector<16xf32>
        %mul3A_99 = arith.mulf %get3A_97, %mul3A_98 : vector<16xf32>
        %swap3A_100 = arith.index_cast %scan3A_69 : i32 to index
        %swap3A_101 = arith.constant 32 : index
        %swap3A_102 = tpu.vector_load %arg11[%swap3A_100, %swap3A_101] {strides = array<i32>} : memref<256x128xf32, #tpu.memory_space<vmem>>, vector<1x16xf32>,
        %swap3A_103 = vector.shape_cast %swap3A_102 : vector<1x16xf32> to vector<16xf32>
        %swap3A_104 = vector.shape_cast %mul3A_99 : vector<16xf32> to vector<1x16xf32>
        tpu.vector_store %arg11[%swap3A_100, %swap3A_101], %swap3A_104 {strides = array<i32>} : memref<256x128xf32, #tpu.memory_space<vmem>>, vector<1x16xf32>,
        %get3A_105 = arith.index_cast %scan3A_69 : i32 to index
        %get3A_106 = arith.constant 48 : index
        %get3A_107 = tpu.vector_load %arg11[%get3A_105, %get3A_106] {strides = array<i32>} : memref<256x128xf32, #tpu.memory_space<vmem>>, vector<1x16xf32>,
        %get3A_108 = vector.shape_cast %get3A_107 : vector<1x16xf32> to vector<16xf32>
        %mul3A_109 = vector.broadcast %squeeze3A : f32 to vector<16xf32>
        %mul3A_110 = arith.mulf %get3A_108, %mul3A_109 : vector<16xf32>
        %swap3A_111 = arith.index_cast %scan3A_69 : i32 to index
        %swap3A_112 = arith.constant 48 : index
        %swap3A_113 = tpu.vector_load %arg11[%swap3A_111, %swap3A_112] {strides = array<i32>} : memref<256x128xf32, #tpu.memory_space<vmem>>, vector<1x16xf32>,
        %swap3A_114 = vector.shape_cast %swap3A_113 : vector<1x16xf32> to vector<16xf32>
        %swap3A_115 = vector.shape_cast %mul3A_110 : vector<16xf32> to vector<1x16xf32>
        tpu.vector_store %arg11[%swap3A_111, %swap3A_112], %swap3A_115 {strides = array<i32>} : memref<256x128xf32, #tpu.memory_space<vmem>>, vector<1x16xf32>,
        %get3A_116 = arith.index_cast %scan3A_69 : i32 to index
        %get3A_117 = arith.constant 64 : index
        %get3A_118 = tpu.vector_load %arg11[%get3A_116, %get3A_117] {strides = array<i32>} : memref<256x128xf32, #tpu.memory_space<vmem>>, vector<1x16xf32>,
        %get3A_119 = vector.shape_cast %get3A_118 : vector<1x16xf32> to vector<16xf32>
        %mul3A_120 = vector.broadcast %squeeze3A : f32 to vector<16xf32>
        %mul3A_121 = arith.mulf %get3A_119, %mul3A_120 : vector<16xf32>
        %swap3A_122 = arith.index_cast %scan3A_69 : i32 to index
        %swap3A_123 = arith.constant 64 : index
        %swap3A_124 = tpu.vector_load %arg11[%swap3A_122, %swap3A_123] {strides = array<i32>} : memref<256x128xf32, #tpu.memory_space<vmem>>, vector<1x16xf32>,
        %swap3A_125 = vector.shape_cast %swap3A_124 : vector<1x16xf32> to vector<16xf32>
        %swap3A_126 = vector.shape_cast %mul3A_121 : vector<16xf32> to vector<1x16xf32>
        tpu.vector_store %arg11[%swap3A_122, %swap3A_123], %swap3A_126 {strides = array<i32>} : memref<256x128xf32, #tpu.memory_space<vmem>>, vector<1x16xf32>,
        %get3A_127 = arith.index_cast %scan3A_69 : i32 to index
        %get3A_128 = arith.constant 80 : index
        %get3A_129 = tpu.vector_load %arg11[%get3A_127, %get3A_128] {strides = array<i32>} : memref<256x128xf32, #tpu.memory_space<vmem>>, vector<1x16xf32>,
        %get3A_130 = vector.shape_cast %get3A_129 : vector<1x16xf32> to vector<16xf32>
        %mul3A_131 = vector.broadcast %squeeze3A : f32 to vector<16xf32>
        %mul3A_132 = arith.mulf %get3A_130, %mul3A_131 : vector<16xf32>
        %swap3A_133 = arith.index_cast %scan3A_69 : i32 to index
        %swap3A_134 = arith.constant 80 : index
        %swap3A_135 = tpu.vector_load %arg11[%swap3A_133, %swap3A_134] {strides = array<i32>} : memref<256x128xf32, #tpu.memory_space<vmem>>, vector<1x16xf32>,
        %swap3A_136 = vector.shape_cast %swap3A_135 : vector<1x16xf32> to vector<16xf32>
        %swap3A_137 = vector.shape_cast %mul3A_132 : vector<16xf32> to vector<1x16xf32>
        tpu.vector_store %arg11[%swap3A_133, %swap3A_134], %swap3A_137 {strides = array<i32>} : memref<256x128xf32, #tpu.memory_space<vmem>>, vector<1x16xf32>,
        %get3A_138 = arith.index_cast %scan3A_69 : i32 to index
        %get3A_139 = arith.constant 96 : index
        %get3A_140 = tpu.vector_load %arg11[%get3A_138, %get3A_139] {strides = array<i32>} : memref<256x128xf32, #tpu.memory_space<vmem>>, vector<1x16xf32>,
        %get3A_141 = vector.shape_cast %get3A_140 : vector<1x16xf32> to vector<16xf32>
        %mul3A_142 = vector.broadcast %squeeze3A : f32 to vector<16xf32>
        %mul3A_143 = arith.mulf %get3A_141, %mul3A_142 : vector<16xf32>
        %swap3A_144 = arith.index_cast %scan3A_69 : i32 to index
        %swap3A_145 = arith.constant 96 : index
        %swap3A_146 = tpu.vector_load %arg11[%swap3A_144, %swap3A_145] {strides = array<i32>} : memref<256x128xf32, #tpu.memory_space<vmem>>, vector<1x16xf32>,
        %swap3A_147 = vector.shape_cast %swap3A_146 : vector<1x16xf32> to vector<16xf32>
        %swap3A_148 = vector.shape_cast %mul3A_143 : vector<16xf32> to vector<1x16xf32>
        tpu.vector_store %arg11[%swap3A_144, %swap3A_145], %swap3A_148 {strides = array<i32>} : memref<256x128xf32, #tpu.memory_space<vmem>>, vector<1x16xf32>,
        %get3A_149 = arith.index_cast %scan3A_69 : i32 to index
        %get3A_150 = arith.constant 112 : index
        %get3A_151 = tpu.vector_load %arg11[%get3A_149, %get3A_150] {strides = array<i32>} : memref<256x128xf32, #tpu.memory_space<vmem>>, vector<1x16xf32>,
        %get3A_152 = vector.shape_cast %get3A_151 : vector<1x16xf32> to vector<16xf32>
        %mul3A_153 = vector.broadcast %squeeze3A : f32 to vector<16xf32>
        %mul3A_154 = arith.mulf %get3A_152, %mul3A_153 : vector<16xf32>
        %swap3A_155 = arith.index_cast %scan3A_69 : i32 to index
        %swap3A_156 = arith.constant 112 : index
        %swap3A_157 = tpu.vector_load %arg11[%swap3A_155, %swap3A_156] {strides = array<i32>} : memref<256x128xf32, #tpu.memory_space<vmem>>, vector<1x16xf32>,
        %swap3A_158 = vector.shape_cast %swap3A_157 : vector<1x16xf32> to vector<16xf32>
        %swap3A_159 = vector.shape_cast %mul3A_154 : vector<16xf32> to vector<1x16xf32>
        tpu.vector_store %arg11[%swap3A_155, %swap3A_156], %swap3A_159 {strides = array<i32>} : memref<256x128xf32, #tpu.memory_space<vmem>>, vector<1x16xf32>,
        %scan3A_160 = arith.constant 0 : i32
        scf.yield %scan3A_160 : i32
      }
      %scan3A_67 = arith.constant 128 : i32
      "tpu.region"() ({
        %run_scoped3A = tpu.sem_alloc : memref<!tpu.dma_semaphore, #tpu.memory_space<semaphore_mem>>
        %dma_start3A_69 = arith.constant 0 : i32
        %dma_start3A_70 = arith.constant 0 : i32
        %dma_start3A_71 = tpu.memref_slice %arg11[%dma_start3A_69, %dma_start3A_70] : memref<256x128xf32, #tpu.memory_space<vmem>> -> memref<128x128xf32, #tpu.memory_space<vmem>>
        %dma_start3A_72 = arith.constant 0 : i32
        %dma_start3A_73 = arith.constant 0 : i32
        %dma_start3A_74 = tpu.memref_slice %arg7[%dma_start3A_72, %dma_start3A_73] : memref<10240x128xf32, #tpu.memory_space<vmem_shared>> -> memref<10240x128xf32, #tpu.memory_space<vmem_shared>>
        tpu.enqueue_indirect_dma source(%dma_start3A_71 : memref<128x128xf32, #tpu.memory_space<vmem>>) target(%dma_start3A_74 : memref<10240x128xf32, #tpu.memory_space<vmem_shared>>) offsets(%arg9 : memref<128xi32, #tpu.memory_space<vmem>>) semaphore(%run_scoped3A : memref<!tpu.dma_semaphore, #tpu.memory_space<semaphore_mem>>) {add = true}
        %dma_wait3A_75 = arith.constant 0 : i32
        %dma_wait3A_76 = arith.constant 0 : i32
        %dma_wait3A_77 = tpu.memref_slice %arg11[%dma_wait3A_75, %dma_wait3A_76] : memref<256x128xf32, #tpu.memory_space<vmem>> -> memref<128x128xf32, #tpu.memory_space<vmem>>
        %dma_wait3A_78 = arith.constant 0 : i32
        %dma_wait3A_79 = arith.constant 0 : i32
        %dma_wait3A_80 = tpu.memref_slice %arg7[%dma_wait3A_78, %dma_wait3A_79] : memref<10240x128xf32, #tpu.memory_space<vmem_shared>> -> memref<10240x128xf32, #tpu.memory_space<vmem_shared>>
        tpu.wait_indirect_dma semaphore(%run_scoped3A : memref<!tpu.dma_semaphore, #tpu.memory_space<semaphore_mem>>) src(%dma_wait3A_77 : memref<128x128xf32, #tpu.memory_space<vmem>>) dst(%dma_wait3A_80 : memref<10240x128xf32, #tpu.memory_space<vmem_shared>>)
        tpu.yield
      }) : () -> ()
      %scan3A_68 = arith.constant 0 : i32
      scf.yield %scan3A_68 : i32
    }
    %scan3A_24 = arith.constant 79 : i32
    %barrier3A_25 = arith.constant 0 : index
    tpu.barrier barrier_id(%barrier3A_25)
    %add3A_26 = arith.constant 0 : i32
    %add3A_27 = arith.addi %mul3A_9, %add3A_26 : i32
    %add3A_28 = arith.constant 0 : i32
    %add3A_29 = arith.addi %mul3A_9, %add3A_28 : i32
    "tpu.region"() ({
      %run_scoped3A = tpu.sem_alloc : memref<!tpu.dma_semaphore, #tpu.memory_space<semaphore_mem>>
      %dma_start3A = arith.constant 0 : i32
      %dma_start3A_46 = tpu.memref_slice %arg6[%arg0, %add3A_29, %dma_start3A] : memref<2x10240x128xf32, #tpu.memory_space<hbm>> -> memref<1x128x128xf32, #tpu.memory_space<hbm>>
      %dma_start3A_47 = tpu.memref_squeeze %dma_start3A_46 : memref<1x128x128xf32, #tpu.memory_space<hbm>> -> memref<128x128xf32, #tpu.memory_space<hbm>>
      %dma_start3A_48 = arith.constant 0 : i32
      %dma_start3A_49 = tpu.memref_slice %arg7[%add3A_27, %dma_start3A_48] : memref<10240x128xf32, #tpu.memory_space<vmem_shared>> -> memref<128x128xf32, #tpu.memory_space<vmem_shared>>
      tpu.enqueue_dma source(%dma_start3A_49 : memref<128x128xf32, #tpu.memory_space<vmem_shared>>) target(%dma_start3A_47 : memref<128x128xf32, #tpu.memory_space<hbm>>) target_semaphore(%run_scoped3A : memref<!tpu.dma_semaphore, #tpu.memory_space<semaphore_mem>>)
      %dma_wait3A = arith.constant 0 : i32
      %dma_wait3A_50 = tpu.memref_slice %arg6[%arg0, %add3A_29, %dma_wait3A] : memref<2x10240x128xf32, #tpu.memory_space<hbm>> -> memref<1x128x128xf32, #tpu.memory_space<hbm>>
      %dma_wait3A_51 = tpu.memref_squeeze %dma_wait3A_50 : memref<1x128x128xf32, #tpu.memory_space<hbm>> -> memref<128x128xf32, #tpu.memory_space<hbm>>
      %dma_wait3A_52 = arith.constant 0 : i32
      %dma_wait3A_53 = tpu.memref_slice %arg7[%add3A_27, %dma_wait3A_52] : memref<10240x128xf32, #tpu.memory_space<vmem_shared>> -> memref<128x128xf32, #tpu.memory_space<vmem_shared>>
      tpu.wait_dma2 semaphore(%run_scoped3A : memref<!tpu.dma_semaphore, #tpu.memory_space<semaphore_mem>>) src(%dma_wait3A_53 : memref<128x128xf32, #tpu.memory_space<vmem_shared>>) dst(%dma_wait3A_51 : memref<128x128xf32, #tpu.memory_space<hbm>>)
      tpu.yield
    }) : () -> ()
    %add3A_30 = arith.constant 128 : i32
    %add3A_31 = arith.addi %mul3A_9, %add3A_30 : i32
    %add3A_32 = arith.constant 128 : i32
    %add3A_33 = arith.addi %mul3A_9, %add3A_32 : i32
    "tpu.region"() ({
      %run_scoped3A = tpu.sem_alloc : memref<!tpu.dma_semaphore, #tpu.memory_space<semaphore_mem>>
      %dma_start3A = arith.constant 0 : i32
      %dma_start3A_46 = tpu.memref_slice %arg6[%arg0, %add3A_33, %dma_start3A] : memref<2x10240x128xf32, #tpu.memory_space<hbm>> -> memref<1x128x128xf32, #tpu.memory_space<hbm>>
      %dma_start3A_47 = tpu.memref_squeeze %dma_start3A_46 : memref<1x128x128xf32, #tpu.memory_space<hbm>> -> memref<128x128xf32, #tpu.memory_space<hbm>>
      %dma_start3A_48 = arith.constant 0 : i32
      %dma_start3A_49 = tpu.memref_slice %arg7[%add3A_31, %dma_start3A_48] : memref<10240x128xf32, #tpu.memory_space<vmem_shared>> -> memref<128x128xf32, #tpu.memory_space<vmem_shared>>
      tpu.enqueue_dma source(%dma_start3A_49 : memref<128x128xf32, #tpu.memory_space<vmem_shared>>) target(%dma_start3A_47 : memref<128x128xf32, #tpu.memory_space<hbm>>) target_semaphore(%run_scoped3A : memref<!tpu.dma_semaphore, #tpu.memory_space<semaphore_mem>>)
      %dma_wait3A = arith.constant 0 : i32
      %dma_wait3A_50 = tpu.memref_slice %arg6[%arg0, %add3A_33, %dma_wait3A] : memref<2x10240x128xf32, #tpu.memory_space<hbm>> -> memref<1x128x128xf32, #tpu.memory_space<hbm>>
      %dma_wait3A_51 = tpu.memref_squeeze %dma_wait3A_50 : memref<1x128x128xf32, #tpu.memory_space<hbm>> -> memref<128x128xf32, #tpu.memory_space<hbm>>
      %dma_wait3A_52 = arith.constant 0 : i32
      %dma_wait3A_53 = tpu.memref_slice %arg7[%add3A_31, %dma_wait3A_52] : memref<10240x128xf32, #tpu.memory_space<vmem_shared>> -> memref<128x128xf32, #tpu.memory_space<vmem_shared>>
      tpu.wait_dma2 semaphore(%run_scoped3A : memref<!tpu.dma_semaphore, #tpu.memory_space<semaphore_mem>>) src(%dma_wait3A_53 : memref<128x128xf32, #tpu.memory_space<vmem_shared>>) dst(%dma_wait3A_51 : memref<128x128xf32, #tpu.memory_space<hbm>>)
      tpu.yield
    }) : () -> ()
    %add3A_34 = arith.constant 256 : i32
    %add3A_35 = arith.addi %mul3A_9, %add3A_34 : i32
    %add3A_36 = arith.constant 256 : i32
    %add3A_37 = arith.addi %mul3A_9, %add3A_36 : i32
    "tpu.region"() ({
      %run_scoped3A = tpu.sem_alloc : memref<!tpu.dma_semaphore, #tpu.memory_space<semaphore_mem>>
      %dma_start3A = arith.constant 0 : i32
      %dma_start3A_46 = tpu.memref_slice %arg6[%arg0, %add3A_37, %dma_start3A] : memref<2x10240x128xf32, #tpu.memory_space<hbm>> -> memref<1x128x128xf32, #tpu.memory_space<hbm>>
      %dma_start3A_47 = tpu.memref_squeeze %dma_start3A_46 : memref<1x128x128xf32, #tpu.memory_space<hbm>> -> memref<128x128xf32, #tpu.memory_space<hbm>>
      %dma_start3A_48 = arith.constant 0 : i32
      %dma_start3A_49 = tpu.memref_slice %arg7[%add3A_35, %dma_start3A_48] : memref<10240x128xf32, #tpu.memory_space<vmem_shared>> -> memref<128x128xf32, #tpu.memory_space<vmem_shared>>
      tpu.enqueue_dma source(%dma_start3A_49 : memref<128x128xf32, #tpu.memory_space<vmem_shared>>) target(%dma_start3A_47 : memref<128x128xf32, #tpu.memory_space<hbm>>) target_semaphore(%run_scoped3A : memref<!tpu.dma_semaphore, #tpu.memory_space<semaphore_mem>>)
      %dma_wait3A = arith.constant 0 : i32
      %dma_wait3A_50 = tpu.memref_slice %arg6[%arg0, %add3A_37, %dma_wait3A] : memref<2x10240x128xf32, #tpu.memory_space<hbm>> -> memref<1x128x128xf32, #tpu.memory_space<hbm>>
      %dma_wait3A_51 = tpu.memref_squeeze %dma_wait3A_50 : memref<1x128x128xf32, #tpu.memory_space<hbm>> -> memref<128x128xf32, #tpu.memory_space<hbm>>
      %dma_wait3A_52 = arith.constant 0 : i32
      %dma_wait3A_53 = tpu.memref_slice %arg7[%add3A_35, %dma_wait3A_52] : memref<10240x128xf32, #tpu.memory_space<vmem_shared>> -> memref<128x128xf32, #tpu.memory_space<vmem_shared>>
      tpu.wait_dma2 semaphore(%run_scoped3A : memref<!tpu.dma_semaphore, #tpu.memory_space<semaphore_mem>>) src(%dma_wait3A_53 : memref<128x128xf32, #tpu.memory_space<vmem_shared>>) dst(%dma_wait3A_51 : memref<128x128xf32, #tpu.memory_space<hbm>>)
      tpu.yield
    }) : () -> ()
    %add3A_38 = arith.constant 384 : i32
    %add3A_39 = arith.addi %mul3A_9, %add3A_38 : i32
    %add3A_40 = arith.constant 384 : i32
    %add3A_41 = arith.addi %mul3A_9, %add3A_40 : i32
    "tpu.region"() ({
      %run_scoped3A = tpu.sem_alloc : memref<!tpu.dma_semaphore, #tpu.memory_space<semaphore_mem>>
      %dma_start3A = arith.constant 0 : i32
      %dma_start3A_46 = tpu.memref_slice %arg6[%arg0, %add3A_41, %dma_start3A] : memref<2x10240x128xf32, #tpu.memory_space<hbm>> -> memref<1x128x128xf32, #tpu.memory_space<hbm>>
      %dma_start3A_47 = tpu.memref_squeeze %dma_start3A_46 : memref<1x128x128xf32, #tpu.memory_space<hbm>> -> memref<128x128xf32, #tpu.memory_space<hbm>>
      %dma_start3A_48 = arith.constant 0 : i32
      %dma_start3A_49 = tpu.memref_slice %arg7[%add3A_39, %dma_start3A_48] : memref<10240x128xf32, #tpu.memory_space<vmem_shared>> -> memref<128x128xf32, #tpu.memory_space<vmem_shared>>
      tpu.enqueue_dma source(%dma_start3A_49 : memref<128x128xf32, #tpu.memory_space<vmem_shared>>) target(%dma_start3A_47 : memref<128x128xf32, #tpu.memory_space<hbm>>) target_semaphore(%run_scoped3A : memref<!tpu.dma_semaphore, #tpu.memory_space<semaphore_mem>>)
      %dma_wait3A = arith.constant 0 : i32
      %dma_wait3A_50 = tpu.memref_slice %arg6[%arg0, %add3A_41, %dma_wait3A] : memref<2x10240x128xf32, #tpu.memory_space<hbm>> -> memref<1x128x128xf32, #tpu.memory_space<hbm>>
      %dma_wait3A_51 = tpu.memref_squeeze %dma_wait3A_50 : memref<1x128x128xf32, #tpu.memory_space<hbm>> -> memref<128x128xf32, #tpu.memory_space<hbm>>
      %dma_wait3A_52 = arith.constant 0 : i32
      %dma_wait3A_53 = tpu.memref_slice %arg7[%add3A_39, %dma_wait3A_52] : memref<10240x128xf32, #tpu.memory_space<vmem_shared>> -> memref<128x128xf32, #tpu.memory_space<vmem_shared>>
      tpu.wait_dma2 semaphore(%run_scoped3A : memref<!tpu.dma_semaphore, #tpu.memory_space<semaphore_mem>>) src(%dma_wait3A_53 : memref<128x128xf32, #tpu.memory_space<vmem_shared>>) dst(%dma_wait3A_51 : memref<128x128xf32, #tpu.memory_space<hbm>>)
      tpu.yield
    }) : () -> ()
    %add3A_42 = arith.constant 512 : i32
    %add3A_43 = arith.addi %mul3A_9, %add3A_42 : i32
    %add3A_44 = arith.constant 512 : i32
    %add3A_45 = arith.addi %mul3A_9, %add3A_44 : i32
    "tpu.region"() ({
      %run_scoped3A = tpu.sem_alloc : memref<!tpu.dma_semaphore, #tpu.memory_space<semaphore_mem>>
      %dma_start3A = arith.constant 0 : i32
      %dma_start3A_46 = tpu.memref_slice %arg6[%arg0, %add3A_45, %dma_start3A] : memref<2x10240x128xf32, #tpu.memory_space<hbm>> -> memref<1x128x128xf32, #tpu.memory_space<hbm>>
      %dma_start3A_47 = tpu.memref_squeeze %dma_start3A_46 : memref<1x128x128xf32, #tpu.memory_space<hbm>> -> memref<128x128xf32, #tpu.memory_space<hbm>>
      %dma_start3A_48 = arith.constant 0 : i32
      %dma_start3A_49 = tpu.memref_slice %arg7[%add3A_43, %dma_start3A_48] : memref<10240x128xf32, #tpu.memory_space<vmem_shared>> -> memref<128x128xf32, #tpu.memory_space<vmem_shared>>
      tpu.enqueue_dma source(%dma_start3A_49 : memref<128x128xf32, #tpu.memory_space<vmem_shared>>) target(%dma_start3A_47 : memref<128x128xf32, #tpu.memory_space<hbm>>) target_semaphore(%run_scoped3A : memref<!tpu.dma_semaphore, #tpu.memory_space<semaphore_mem>>)
      %dma_wait3A = arith.constant 0 : i32
      %dma_wait3A_50 = tpu.memref_slice %arg6[%arg0, %add3A_45, %dma_wait3A] : memref<2x10240x128xf32, #tpu.memory_space<hbm>> -> memref<1x128x128xf32, #tpu.memory_space<hbm>>
      %dma_wait3A_51 = tpu.memref_squeeze %dma_wait3A_50 : memref<1x128x128xf32, #tpu.memory_space<hbm>> -> memref<128x128xf32, #tpu.memory_space<hbm>>
      %dma_wait3A_52 = arith.constant 0 : i32
      %dma_wait3A_53 = tpu.memref_slice %arg7[%add3A_43, %dma_wait3A_52] : memref<10240x128xf32, #tpu.memory_space<vmem_shared>> -> memref<128x128xf32, #tpu.memory_space<vmem_shared>>
      tpu.wait_dma2 semaphore(%run_scoped3A : memref<!tpu.dma_semaphore, #tpu.memory_space<semaphore_mem>>) src(%dma_wait3A_53 : memref<128x128xf32, #tpu.memory_space<vmem_shared>>) dst(%dma_wait3A_51 : memref<128x128xf32, #tpu.memory_space<hbm>>)
      tpu.yield
    }) : () -> ()
    return
  }
}

#map = affine_map<(d0, d1) -> (0, 0)>
#map1 = affine_map<(d0, d1) -> (0)>
#map2 = affine_map<(d0, d1) -> (0, 0, 0)>
module attributes {stable_mosaic.version = 14 : i64} {
  func.func @_agg_kernel(%arg0: i32, %arg1: i32, %arg2: memref<10000x128xf32, #tpu.memory_space<hbm>>, %arg3: memref<323584xi32, #tpu.memory_space<hbm>>, %arg4: memref<323584xi32, #tpu.memory_space<hbm>>, %arg5: memref<323584xf32, #tpu.memory_space<hbm>>, %arg6: memref<2x10240x128xf32, #tpu.memory_space<hbm>>, %arg7: memref<10240x128xf32, #tpu.memory_space<vmem_shared>>, %arg8: memref<128xi32, #tpu.memory_space<vmem>>, %arg9: memref<128xi32, #tpu.memory_space<vmem>>, %arg10: memref<144xf32, #tpu.memory_space<vmem>>, %arg11: memref<256x128xf32, #tpu.memory_space<vmem>>, %arg12: memref<!tpu.dma_semaphore, #tpu.memory_space<semaphore_mem>>) attributes {dimension_semantics = [#tpu.dimension_semantics<core_parallel>, #tpu.dimension_semantics<subcore_parallel>], iteration_bounds = array<i64: 2, 16>, scalar_prefetch = 0 : i64, scratch_operands = 6 : i64, tpu.core_type = #tpu.core_type<sc_vector_subcore>, window_params = [{transform_indices = #map}, {transform_indices = #map1}, {transform_indices = #map1}, {transform_indices = #map1}, {transform_indices = #map2}]} {
    %mul3A = arith.constant 2 : i32
    %mul3A_0 = arith.muli %arg1, %mul3A : i32
    %add3A = arith.addi %mul3A_0, %arg0 : i32
    %broadcast_in_dim3A = arith.constant 0.000000e+00 : f32
    %broadcast_in_dim3A_1 = vector.broadcast %broadcast_in_dim3A : f32 to vector<16xf32>
    %scan3A = arith.constant 0 : i32
    %scan3A_2 = arith.constant 0 : i32
    %scan3A_3 = arith.constant 256 : i32
    %scan3A_4 = arith.addi %scan3A_2, %scan3A_3 : i32
    %scan3A_5 = arith.constant 1 : i32
    %scan3A_6 = scf.for %scan3A_46 = %scan3A_2 to %scan3A_4 step %scan3A_5 iter_args(%scan3A_47 = %scan3A) -> (i32)  : i32 {
      %swap3A = arith.index_cast %scan3A_46 : i32 to index
      %swap3A_48 = arith.constant 0 : index
      %swap3A_49 = tpu.vector_load %arg11[%swap3A, %swap3A_48] {strides = array<i32>} : memref<256x128xf32, #tpu.memory_space<vmem>>, vector<1x16xf32>,
      %swap3A_50 = vector.shape_cast %swap3A_49 : vector<1x16xf32> to vector<16xf32>
      %swap3A_51 = vector.shape_cast %broadcast_in_dim3A_1 : vector<16xf32> to vector<1x16xf32>
      tpu.vector_store %arg11[%swap3A, %swap3A_48], %swap3A_51 {strides = array<i32>} : memref<256x128xf32, #tpu.memory_space<vmem>>, vector<1x16xf32>,
      %swap3A_52 = arith.index_cast %scan3A_46 : i32 to index
      %swap3A_53 = arith.constant 16 : index
      %swap3A_54 = tpu.vector_load %arg11[%swap3A_52, %swap3A_53] {strides = array<i32>} : memref<256x128xf32, #tpu.memory_space<vmem>>, vector<1x16xf32>,
      %swap3A_55 = vector.shape_cast %swap3A_54 : vector<1x16xf32> to vector<16xf32>
      %swap3A_56 = vector.shape_cast %broadcast_in_dim3A_1 : vector<16xf32> to vector<1x16xf32>
      tpu.vector_store %arg11[%swap3A_52, %swap3A_53], %swap3A_56 {strides = array<i32>} : memref<256x128xf32, #tpu.memory_space<vmem>>, vector<1x16xf32>,
      %swap3A_57 = arith.index_cast %scan3A_46 : i32 to index
      %swap3A_58 = arith.constant 32 : index
      %swap3A_59 = tpu.vector_load %arg11[%swap3A_57, %swap3A_58] {strides = array<i32>} : memref<256x128xf32, #tpu.memory_space<vmem>>, vector<1x16xf32>,
      %swap3A_60 = vector.shape_cast %swap3A_59 : vector<1x16xf32> to vector<16xf32>
      %swap3A_61 = vector.shape_cast %broadcast_in_dim3A_1 : vector<16xf32> to vector<1x16xf32>
      tpu.vector_store %arg11[%swap3A_57, %swap3A_58], %swap3A_61 {strides = array<i32>} : memref<256x128xf32, #tpu.memory_space<vmem>>, vector<1x16xf32>,
      %swap3A_62 = arith.index_cast %scan3A_46 : i32 to index
      %swap3A_63 = arith.constant 48 : index
      %swap3A_64 = tpu.vector_load %arg11[%swap3A_62, %swap3A_63] {strides = array<i32>} : memref<256x128xf32, #tpu.memory_space<vmem>>, vector<1x16xf32>,
      %swap3A_65 = vector.shape_cast %swap3A_64 : vector<1x16xf32> to vector<16xf32>
      %swap3A_66 = vector.shape_cast %broadcast_in_dim3A_1 : vector<16xf32> to vector<1x16xf32>
      tpu.vector_store %arg11[%swap3A_62, %swap3A_63], %swap3A_66 {strides = array<i32>} : memref<256x128xf32, #tpu.memory_space<vmem>>, vector<1x16xf32>,
      %swap3A_67 = arith.index_cast %scan3A_46 : i32 to index
      %swap3A_68 = arith.constant 64 : index
      %swap3A_69 = tpu.vector_load %arg11[%swap3A_67, %swap3A_68] {strides = array<i32>} : memref<256x128xf32, #tpu.memory_space<vmem>>, vector<1x16xf32>,
      %swap3A_70 = vector.shape_cast %swap3A_69 : vector<1x16xf32> to vector<16xf32>
      %swap3A_71 = vector.shape_cast %broadcast_in_dim3A_1 : vector<16xf32> to vector<1x16xf32>
      tpu.vector_store %arg11[%swap3A_67, %swap3A_68], %swap3A_71 {strides = array<i32>} : memref<256x128xf32, #tpu.memory_space<vmem>>, vector<1x16xf32>,
      %swap3A_72 = arith.index_cast %scan3A_46 : i32 to index
      %swap3A_73 = arith.constant 80 : index
      %swap3A_74 = tpu.vector_load %arg11[%swap3A_72, %swap3A_73] {strides = array<i32>} : memref<256x128xf32, #tpu.memory_space<vmem>>, vector<1x16xf32>,
      %swap3A_75 = vector.shape_cast %swap3A_74 : vector<1x16xf32> to vector<16xf32>
      %swap3A_76 = vector.shape_cast %broadcast_in_dim3A_1 : vector<16xf32> to vector<1x16xf32>
      tpu.vector_store %arg11[%swap3A_72, %swap3A_73], %swap3A_76 {strides = array<i32>} : memref<256x128xf32, #tpu.memory_space<vmem>>, vector<1x16xf32>,
      %swap3A_77 = arith.index_cast %scan3A_46 : i32 to index
      %swap3A_78 = arith.constant 96 : index
      %swap3A_79 = tpu.vector_load %arg11[%swap3A_77, %swap3A_78] {strides = array<i32>} : memref<256x128xf32, #tpu.memory_space<vmem>>, vector<1x16xf32>,
      %swap3A_80 = vector.shape_cast %swap3A_79 : vector<1x16xf32> to vector<16xf32>
      %swap3A_81 = vector.shape_cast %broadcast_in_dim3A_1 : vector<16xf32> to vector<1x16xf32>
      tpu.vector_store %arg11[%swap3A_77, %swap3A_78], %swap3A_81 {strides = array<i32>} : memref<256x128xf32, #tpu.memory_space<vmem>>, vector<1x16xf32>,
      %swap3A_82 = arith.index_cast %scan3A_46 : i32 to index
      %swap3A_83 = arith.constant 112 : index
      %swap3A_84 = tpu.vector_load %arg11[%swap3A_82, %swap3A_83] {strides = array<i32>} : memref<256x128xf32, #tpu.memory_space<vmem>>, vector<1x16xf32>,
      %swap3A_85 = vector.shape_cast %swap3A_84 : vector<1x16xf32> to vector<16xf32>
      %swap3A_86 = vector.shape_cast %broadcast_in_dim3A_1 : vector<16xf32> to vector<1x16xf32>
      tpu.vector_store %arg11[%swap3A_82, %swap3A_83], %swap3A_86 {strides = array<i32>} : memref<256x128xf32, #tpu.memory_space<vmem>>, vector<1x16xf32>,
      %scan3A_87 = arith.constant 0 : i32
      scf.yield %scan3A_87 : i32
    }
    %scan3A_7 = arith.constant 256 : i32
    %mul3A_8 = arith.constant 640 : i32
    %mul3A_9 = arith.muli %arg1, %mul3A_8 : i32
    "tpu.region"() ({
      %run_scoped3A = tpu.sem_alloc : memref<!tpu.dma_semaphore, #tpu.memory_space<semaphore_mem>>
      %dma_start3A = arith.constant 0 : i32
      %dma_start3A_46 = arith.constant 0 : i32
      %dma_start3A_47 = tpu.memref_slice %arg11[%dma_start3A, %dma_start3A_46] : memref<256x128xf32, #tpu.memory_space<vmem>> -> memref<256x128xf32, #tpu.memory_space<vmem>>
      %dma_start3A_48 = arith.constant 0 : i32
      %dma_start3A_49 = tpu.memref_slice %arg7[%mul3A_9, %dma_start3A_48] : memref<10240x128xf32, #tpu.memory_space<vmem_shared>> -> memref<256x128xf32, #tpu.memory_space<vmem_shared>>
      %dma_start3A_50 = arith.constant 0 : i32
      %dma_start3A_51 = tpu.memref_slice %arg7[%mul3A_9, %dma_start3A_50] : memref<10240x128xf32, #tpu.memory_space<vmem_shared>> -> memref<256x128xf32, #tpu.memory_space<vmem_shared>>
      %dma_start3A_52 = arith.constant 0 : i32
      %dma_start3A_53 = arith.constant 0 : i32
      %dma_start3A_54 = tpu.memref_slice %arg11[%dma_start3A_52, %dma_start3A_53] : memref<256x128xf32, #tpu.memory_space<vmem>> -> memref<256x128xf32, #tpu.memory_space<vmem>>
      tpu.enqueue_dma source(%dma_start3A_54 : memref<256x128xf32, #tpu.memory_space<vmem>>) target(%dma_start3A_51 : memref<256x128xf32, #tpu.memory_space<vmem_shared>>) target_semaphore(%run_scoped3A : memref<!tpu.dma_semaphore, #tpu.memory_space<semaphore_mem>>)
      %dma_wait3A = arith.constant 0 : i32
      %dma_wait3A_55 = arith.constant 0 : i32
      %dma_wait3A_56 = tpu.memref_slice %arg11[%dma_wait3A, %dma_wait3A_55] : memref<256x128xf32, #tpu.memory_space<vmem>> -> memref<256x128xf32, #tpu.memory_space<vmem>>
      %dma_wait3A_57 = arith.constant 0 : i32
      %dma_wait3A_58 = tpu.memref_slice %arg7[%mul3A_9, %dma_wait3A_57] : memref<10240x128xf32, #tpu.memory_space<vmem_shared>> -> memref<256x128xf32, #tpu.memory_space<vmem_shared>>
      %dma_wait3A_59 = arith.constant 0 : i32
      %dma_wait3A_60 = tpu.memref_slice %arg7[%mul3A_9, %dma_wait3A_59] : memref<10240x128xf32, #tpu.memory_space<vmem_shared>> -> memref<256x128xf32, #tpu.memory_space<vmem_shared>>
      %dma_wait3A_61 = arith.constant 0 : i32
      %dma_wait3A_62 = arith.constant 0 : i32
      %dma_wait3A_63 = tpu.memref_slice %arg11[%dma_wait3A_61, %dma_wait3A_62] : memref<256x128xf32, #tpu.memory_space<vmem>> -> memref<256x128xf32, #tpu.memory_space<vmem>>
      tpu.wait_dma2 semaphore(%run_scoped3A : memref<!tpu.dma_semaphore, #tpu.memory_space<semaphore_mem>>) src(%dma_wait3A_63 : memref<256x128xf32, #tpu.memory_space<vmem>>) dst(%dma_wait3A_60 : memref<256x128xf32, #tpu.memory_space<vmem_shared>>)
      tpu.yield
    }) : () -> ()
    %add3A_10 = arith.constant 256 : i32
    %add3A_11 = arith.addi %mul3A_9, %add3A_10 : i32
    "tpu.region"() ({
      %run_scoped3A = tpu.sem_alloc : memref<!tpu.dma_semaphore, #tpu.memory_space<semaphore_mem>>
      %dma_start3A = arith.constant 0 : i32
      %dma_start3A_46 = arith.constant 0 : i32
      %dma_start3A_47 = tpu.memref_slice %arg11[%dma_start3A, %dma_start3A_46] : memref<256x128xf32, #tpu.memory_space<vmem>> -> memref<256x128xf32, #tpu.memory_space<vmem>>
      %dma_start3A_48 = arith.constant 0 : i32
      %dma_start3A_49 = tpu.memref_slice %arg7[%add3A_11, %dma_start3A_48] : memref<10240x128xf32, #tpu.memory_space<vmem_shared>> -> memref<256x128xf32, #tpu.memory_space<vmem_shared>>
      %dma_start3A_50 = arith.constant 0 : i32
      %dma_start3A_51 = tpu.memref_slice %arg7[%add3A_11, %dma_start3A_50] : memref<10240x128xf32, #tpu.memory_space<vmem_shared>> -> memref<256x128xf32, #tpu.memory_space<vmem_shared>>
      %dma_start3A_52 = arith.constant 0 : i32
      %dma_start3A_53 = arith.constant 0 : i32
      %dma_start3A_54 = tpu.memref_slice %arg11[%dma_start3A_52, %dma_start3A_53] : memref<256x128xf32, #tpu.memory_space<vmem>> -> memref<256x128xf32, #tpu.memory_space<vmem>>
      tpu.enqueue_dma source(%dma_start3A_54 : memref<256x128xf32, #tpu.memory_space<vmem>>) target(%dma_start3A_51 : memref<256x128xf32, #tpu.memory_space<vmem_shared>>) target_semaphore(%run_scoped3A : memref<!tpu.dma_semaphore, #tpu.memory_space<semaphore_mem>>)
      %dma_wait3A = arith.constant 0 : i32
      %dma_wait3A_55 = arith.constant 0 : i32
      %dma_wait3A_56 = tpu.memref_slice %arg11[%dma_wait3A, %dma_wait3A_55] : memref<256x128xf32, #tpu.memory_space<vmem>> -> memref<256x128xf32, #tpu.memory_space<vmem>>
      %dma_wait3A_57 = arith.constant 0 : i32
      %dma_wait3A_58 = tpu.memref_slice %arg7[%add3A_11, %dma_wait3A_57] : memref<10240x128xf32, #tpu.memory_space<vmem_shared>> -> memref<256x128xf32, #tpu.memory_space<vmem_shared>>
      %dma_wait3A_59 = arith.constant 0 : i32
      %dma_wait3A_60 = tpu.memref_slice %arg7[%add3A_11, %dma_wait3A_59] : memref<10240x128xf32, #tpu.memory_space<vmem_shared>> -> memref<256x128xf32, #tpu.memory_space<vmem_shared>>
      %dma_wait3A_61 = arith.constant 0 : i32
      %dma_wait3A_62 = arith.constant 0 : i32
      %dma_wait3A_63 = tpu.memref_slice %arg11[%dma_wait3A_61, %dma_wait3A_62] : memref<256x128xf32, #tpu.memory_space<vmem>> -> memref<256x128xf32, #tpu.memory_space<vmem>>
      tpu.wait_dma2 semaphore(%run_scoped3A : memref<!tpu.dma_semaphore, #tpu.memory_space<semaphore_mem>>) src(%dma_wait3A_63 : memref<256x128xf32, #tpu.memory_space<vmem>>) dst(%dma_wait3A_60 : memref<256x128xf32, #tpu.memory_space<vmem_shared>>)
      tpu.yield
    }) : () -> ()
    %add3A_12 = arith.constant 512 : i32
    %add3A_13 = arith.addi %mul3A_9, %add3A_12 : i32
    "tpu.region"() ({
      %run_scoped3A = tpu.sem_alloc : memref<!tpu.dma_semaphore, #tpu.memory_space<semaphore_mem>>
      %dma_start3A = arith.constant 0 : i32
      %dma_start3A_46 = arith.constant 0 : i32
      %dma_start3A_47 = tpu.memref_slice %arg11[%dma_start3A, %dma_start3A_46] : memref<256x128xf32, #tpu.memory_space<vmem>> -> memref<128x128xf32, #tpu.memory_space<vmem>>
      %dma_start3A_48 = arith.constant 0 : i32
      %dma_start3A_49 = tpu.memref_slice %arg7[%add3A_13, %dma_start3A_48] : memref<10240x128xf32, #tpu.memory_space<vmem_shared>> -> memref<128x128xf32, #tpu.memory_space<vmem_shared>>
      %dma_start3A_50 = arith.constant 0 : i32
      %dma_start3A_51 = tpu.memref_slice %arg7[%add3A_13, %dma_start3A_50] : memref<10240x128xf32, #tpu.memory_space<vmem_shared>> -> memref<128x128xf32, #tpu.memory_space<vmem_shared>>
      %dma_start3A_52 = arith.constant 0 : i32
      %dma_start3A_53 = arith.constant 0 : i32
      %dma_start3A_54 = tpu.memref_slice %arg11[%dma_start3A_52, %dma_start3A_53] : memref<256x128xf32, #tpu.memory_space<vmem>> -> memref<128x128xf32, #tpu.memory_space<vmem>>
      tpu.enqueue_dma source(%dma_start3A_54 : memref<128x128xf32, #tpu.memory_space<vmem>>) target(%dma_start3A_51 : memref<128x128xf32, #tpu.memory_space<vmem_shared>>) target_semaphore(%run_scoped3A : memref<!tpu.dma_semaphore, #tpu.memory_space<semaphore_mem>>)
      %dma_wait3A = arith.constant 0 : i32
      %dma_wait3A_55 = arith.constant 0 : i32
      %dma_wait3A_56 = tpu.memref_slice %arg11[%dma_wait3A, %dma_wait3A_55] : memref<256x128xf32, #tpu.memory_space<vmem>> -> memref<128x128xf32, #tpu.memory_space<vmem>>
      %dma_wait3A_57 = arith.constant 0 : i32
      %dma_wait3A_58 = tpu.memref_slice %arg7[%add3A_13, %dma_wait3A_57] : memref<10240x128xf32, #tpu.memory_space<vmem_shared>> -> memref<128x128xf32, #tpu.memory_space<vmem_shared>>
      %dma_wait3A_59 = arith.constant 0 : i32
      %dma_wait3A_60 = tpu.memref_slice %arg7[%add3A_13, %dma_wait3A_59] : memref<10240x128xf32, #tpu.memory_space<vmem_shared>> -> memref<128x128xf32, #tpu.memory_space<vmem_shared>>
      %dma_wait3A_61 = arith.constant 0 : i32
      %dma_wait3A_62 = arith.constant 0 : i32
      %dma_wait3A_63 = tpu.memref_slice %arg11[%dma_wait3A_61, %dma_wait3A_62] : memref<256x128xf32, #tpu.memory_space<vmem>> -> memref<128x128xf32, #tpu.memory_space<vmem>>
      tpu.wait_dma2 semaphore(%run_scoped3A : memref<!tpu.dma_semaphore, #tpu.memory_space<semaphore_mem>>) src(%dma_wait3A_63 : memref<128x128xf32, #tpu.memory_space<vmem>>) dst(%dma_wait3A_60 : memref<128x128xf32, #tpu.memory_space<vmem_shared>>)
      tpu.yield
    }) : () -> ()
    %barrier3A = arith.constant 0 : index
    tpu.barrier barrier_id(%barrier3A)
    %mul3A_14 = arith.constant 79 : i32
    %mul3A_15 = arith.muli %add3A, %mul3A_14 : i32
    %mul3A_16 = arith.constant 128 : i32
    %mul3A_17 = arith.muli %mul3A_15, %mul3A_16 : i32
    %scan3A_18 = arith.constant 0 : i32
    %scan3A_19 = arith.constant 0 : i32
    %scan3A_20 = arith.constant 79 : i32
    %scan3A_21 = arith.addi %scan3A_19, %scan3A_20 : i32
    %scan3A_22 = arith.constant 1 : i32
    %scan3A_23 = scf.for %scan3A_46 = %scan3A_19 to %scan3A_21 step %scan3A_22 iter_args(%scan3A_47 = %scan3A_18) -> (i32)  : i32 {
      %mul3A_48 = arith.constant 128 : i32
      %mul3A_49 = arith.muli %scan3A_46, %mul3A_48 : i32
      %add3A_50 = arith.addi %mul3A_17, %mul3A_49 : i32
      "tpu.region"() ({
        %run_scoped3A = tpu.sem_alloc : memref<!tpu.dma_semaphore, #tpu.memory_space<semaphore_mem>>
        %dma_start3A_69 = tpu.memref_slice %arg4[%add3A_50] : memref<323584xi32, #tpu.memory_space<hbm>> -> memref<128xi32, #tpu.memory_space<hbm>>
        %dma_start3A_70 = tpu.memref_slice %arg4[%add3A_50] : memref<323584xi32, #tpu.memory_space<hbm>> -> memref<128xi32, #tpu.memory_space<hbm>>
        tpu.enqueue_dma source(%dma_start3A_70 : memref<128xi32, #tpu.memory_space<hbm>>) target(%arg8 : memref<128xi32, #tpu.memory_space<vmem>>) target_semaphore(%run_scoped3A : memref<!tpu.dma_semaphore, #tpu.memory_space<semaphore_mem>>)
        %dma_wait3A_71 = tpu.memref_slice %arg4[%add3A_50] : memref<323584xi32, #tpu.memory_space<hbm>> -> memref<128xi32, #tpu.memory_space<hbm>>
        %dma_wait3A_72 = tpu.memref_slice %arg4[%add3A_50] : memref<323584xi32, #tpu.memory_space<hbm>> -> memref<128xi32, #tpu.memory_space<hbm>>
        tpu.wait_dma2 semaphore(%run_scoped3A : memref<!tpu.dma_semaphore, #tpu.memory_space<semaphore_mem>>) src(%dma_wait3A_72 : memref<128xi32, #tpu.memory_space<hbm>>) dst(%arg8 : memref<128xi32, #tpu.memory_space<vmem>>)
        tpu.yield
      }) : () -> ()
      %dma_start3A = arith.constant 0 : i32
      %dma_start3A_51 = arith.constant 0 : i32
      %dma_start3A_52 = tpu.memref_slice %arg11[%dma_start3A, %dma_start3A_51] : memref<256x128xf32, #tpu.memory_space<vmem>> -> memref<128x128xf32, #tpu.memory_space<vmem>>
      %dma_start3A_53 = arith.constant 0 : i32
      %dma_start3A_54 = arith.constant 0 : i32
      %dma_start3A_55 = tpu.memref_slice %arg2[%dma_start3A_53, %dma_start3A_54] : memref<10000x128xf32, #tpu.memory_space<hbm>> -> memref<10000x128xf32, #tpu.memory_space<hbm>>
      tpu.enqueue_indirect_dma source(%dma_start3A_55 : memref<10000x128xf32, #tpu.memory_space<hbm>>) target(%dma_start3A_52 : memref<128x128xf32, #tpu.memory_space<vmem>>) offsets(%arg8 : memref<128xi32, #tpu.memory_space<vmem>>) semaphore(%arg12 : memref<!tpu.dma_semaphore, #tpu.memory_space<semaphore_mem>>)
      "tpu.region"() ({
        %run_scoped3A = tpu.sem_alloc : memref<!tpu.dma_semaphore, #tpu.memory_space<semaphore_mem>>
        %dma_start3A_69 = tpu.memref_slice %arg3[%add3A_50] : memref<323584xi32, #tpu.memory_space<hbm>> -> memref<128xi32, #tpu.memory_space<hbm>>
        %dma_start3A_70 = tpu.memref_slice %arg3[%add3A_50] : memref<323584xi32, #tpu.memory_space<hbm>> -> memref<128xi32, #tpu.memory_space<hbm>>
        tpu.enqueue_dma source(%dma_start3A_70 : memref<128xi32, #tpu.memory_space<hbm>>) target(%arg9 : memref<128xi32, #tpu.memory_space<vmem>>) target_semaphore(%run_scoped3A : memref<!tpu.dma_semaphore, #tpu.memory_space<semaphore_mem>>)
        %dma_wait3A_71 = tpu.memref_slice %arg3[%add3A_50] : memref<323584xi32, #tpu.memory_space<hbm>> -> memref<128xi32, #tpu.memory_space<hbm>>
        %dma_wait3A_72 = tpu.memref_slice %arg3[%add3A_50] : memref<323584xi32, #tpu.memory_space<hbm>> -> memref<128xi32, #tpu.memory_space<hbm>>
        tpu.wait_dma2 semaphore(%run_scoped3A : memref<!tpu.dma_semaphore, #tpu.memory_space<semaphore_mem>>) src(%dma_wait3A_72 : memref<128xi32, #tpu.memory_space<hbm>>) dst(%arg9 : memref<128xi32, #tpu.memory_space<vmem>>)
        tpu.yield
      }) : () -> ()
      "tpu.region"() ({
        %run_scoped3A = tpu.sem_alloc : memref<!tpu.dma_semaphore, #tpu.memory_space<semaphore_mem>>
        %dma_start3A_69 = arith.constant 0 : i32
        %dma_start3A_70 = tpu.memref_slice %arg10[%dma_start3A_69] : memref<144xf32, #tpu.memory_space<vmem>> -> memref<128xf32, #tpu.memory_space<vmem>>
        %dma_start3A_71 = tpu.memref_slice %arg5[%add3A_50] : memref<323584xf32, #tpu.memory_space<hbm>> -> memref<128xf32, #tpu.memory_space<hbm>>
        %dma_start3A_72 = arith.constant 0 : i32
        %dma_start3A_73 = tpu.memref_slice %arg10[%dma_start3A_72] : memref<144xf32, #tpu.memory_space<vmem>> -> memref<128xf32, #tpu.memory_space<vmem>>
        %dma_start3A_74 = tpu.memref_slice %arg5[%add3A_50] : memref<323584xf32, #tpu.memory_space<hbm>> -> memref<128xf32, #tpu.memory_space<hbm>>
        tpu.enqueue_dma source(%dma_start3A_74 : memref<128xf32, #tpu.memory_space<hbm>>) target(%dma_start3A_73 : memref<128xf32, #tpu.memory_space<vmem>>) target_semaphore(%run_scoped3A : memref<!tpu.dma_semaphore, #tpu.memory_space<semaphore_mem>>)
        %dma_wait3A_75 = arith.constant 0 : i32
        %dma_wait3A_76 = tpu.memref_slice %arg10[%dma_wait3A_75] : memref<144xf32, #tpu.memory_space<vmem>> -> memref<128xf32, #tpu.memory_space<vmem>>
        %dma_wait3A_77 = tpu.memref_slice %arg5[%add3A_50] : memref<323584xf32, #tpu.memory_space<hbm>> -> memref<128xf32, #tpu.memory_space<hbm>>
        %dma_wait3A_78 = arith.constant 0 : i32
        %dma_wait3A_79 = tpu.memref_slice %arg10[%dma_wait3A_78] : memref<144xf32, #tpu.memory_space<vmem>> -> memref<128xf32, #tpu.memory_space<vmem>>
        %dma_wait3A_80 = tpu.memref_slice %arg5[%add3A_50] : memref<323584xf32, #tpu.memory_space<hbm>> -> memref<128xf32, #tpu.memory_space<hbm>>
        tpu.wait_dma2 semaphore(%run_scoped3A : memref<!tpu.dma_semaphore, #tpu.memory_space<semaphore_mem>>) src(%dma_wait3A_80 : memref<128xf32, #tpu.memory_space<hbm>>) dst(%dma_wait3A_79 : memref<128xf32, #tpu.memory_space<vmem>>)
        tpu.yield
      }) : () -> ()
      %dma_wait3A = arith.constant 0 : i32
      %dma_wait3A_56 = arith.constant 0 : i32
      %dma_wait3A_57 = tpu.memref_slice %arg11[%dma_wait3A, %dma_wait3A_56] : memref<256x128xf32, #tpu.memory_space<vmem>> -> memref<128x128xf32, #tpu.memory_space<vmem>>
      %dma_wait3A_58 = arith.constant 0 : i32
      %dma_wait3A_59 = arith.constant 0 : i32
      %dma_wait3A_60 = tpu.memref_slice %arg2[%dma_wait3A_58, %dma_wait3A_59] : memref<10000x128xf32, #tpu.memory_space<hbm>> -> memref<10000x128xf32, #tpu.memory_space<hbm>>
      tpu.wait_indirect_dma semaphore(%arg12 : memref<!tpu.dma_semaphore, #tpu.memory_space<semaphore_mem>>) src(%dma_wait3A_60 : memref<10000x128xf32, #tpu.memory_space<hbm>>) dst(%dma_wait3A_57 : memref<128x128xf32, #tpu.memory_space<vmem>>)
      %scan3A_61 = arith.constant 0 : i32
      %scan3A_62 = arith.constant 0 : i32
      %scan3A_63 = arith.constant 128 : i32
      %scan3A_64 = arith.addi %scan3A_62, %scan3A_63 : i32
      %scan3A_65 = arith.constant 1 : i32
      %scan3A_66 = scf.for %scan3A_69 = %scan3A_62 to %scan3A_64 step %scan3A_65 iter_args(%scan3A_70 = %scan3A_61) -> (i32)  : i32 {
        %get3A = arith.index_cast %scan3A_69 : i32 to index
        %get3A_71 = tpu.vector_load %arg10[%get3A] {strides = array<i32>} : memref<144xf32, #tpu.memory_space<vmem>>, vector<16xf32>,
        %get3A_72 = vector.shape_cast %get3A_71 : vector<16xf32> to vector<16xf32>
        %slice3A = vector.extract_strided_slice %get3A_72 {offsets = [0], sizes = [1], strides = [1]} : vector<16xf32> to vector<1xf32>
        %squeeze3A = vector.extract %slice3A[0] : f32 from vector<1xf32>
        %get3A_73 = arith.index_cast %scan3A_69 : i32 to index
        %get3A_74 = arith.constant 0 : index
        %get3A_75 = tpu.vector_load %arg11[%get3A_73, %get3A_74] {strides = array<i32>} : memref<256x128xf32, #tpu.memory_space<vmem>>, vector<1x16xf32>,
        %get3A_76 = vector.shape_cast %get3A_75 : vector<1x16xf32> to vector<16xf32>
        %mul3A_77 = vector.broadcast %squeeze3A : f32 to vector<16xf32>
        %mul3A_78 = arith.mulf %get3A_76, %mul3A_77 : vector<16xf32>
        %swap3A = arith.index_cast %scan3A_69 : i32 to index
        %swap3A_79 = arith.constant 0 : index
        %swap3A_80 = tpu.vector_load %arg11[%swap3A, %swap3A_79] {strides = array<i32>} : memref<256x128xf32, #tpu.memory_space<vmem>>, vector<1x16xf32>,
        %swap3A_81 = vector.shape_cast %swap3A_80 : vector<1x16xf32> to vector<16xf32>
        %swap3A_82 = vector.shape_cast %mul3A_78 : vector<16xf32> to vector<1x16xf32>
        tpu.vector_store %arg11[%swap3A, %swap3A_79], %swap3A_82 {strides = array<i32>} : memref<256x128xf32, #tpu.memory_space<vmem>>, vector<1x16xf32>,
        %get3A_83 = arith.index_cast %scan3A_69 : i32 to index
        %get3A_84 = arith.constant 16 : index
        %get3A_85 = tpu.vector_load %arg11[%get3A_83, %get3A_84] {strides = array<i32>} : memref<256x128xf32, #tpu.memory_space<vmem>>, vector<1x16xf32>,
        %get3A_86 = vector.shape_cast %get3A_85 : vector<1x16xf32> to vector<16xf32>
        %mul3A_87 = vector.broadcast %squeeze3A : f32 to vector<16xf32>
        %mul3A_88 = arith.mulf %get3A_86, %mul3A_87 : vector<16xf32>
        %swap3A_89 = arith.index_cast %scan3A_69 : i32 to index
        %swap3A_90 = arith.constant 16 : index
        %swap3A_91 = tpu.vector_load %arg11[%swap3A_89, %swap3A_90] {strides = array<i32>} : memref<256x128xf32, #tpu.memory_space<vmem>>, vector<1x16xf32>,
        %swap3A_92 = vector.shape_cast %swap3A_91 : vector<1x16xf32> to vector<16xf32>
        %swap3A_93 = vector.shape_cast %mul3A_88 : vector<16xf32> to vector<1x16xf32>
        tpu.vector_store %arg11[%swap3A_89, %swap3A_90], %swap3A_93 {strides = array<i32>} : memref<256x128xf32, #tpu.memory_space<vmem>>, vector<1x16xf32>,
        %get3A_94 = arith.index_cast %scan3A_69 : i32 to index
        %get3A_95 = arith.constant 32 : index
        %get3A_96 = tpu.vector_load %arg11[%get3A_94, %get3A_95] {strides = array<i32>} : memref<256x128xf32, #tpu.memory_space<vmem>>, vector<1x16xf32>,
        %get3A_97 = vector.shape_cast %get3A_96 : vector<1x16xf32> to vector<16xf32>
        %mul3A_98 = vector.broadcast %squeeze3A : f32 to vector<16xf32>
        %mul3A_99 = arith.mulf %get3A_97, %mul3A_98 : vector<16xf32>
        %swap3A_100 = arith.index_cast %scan3A_69 : i32 to index
        %swap3A_101 = arith.constant 32 : index
        %swap3A_102 = tpu.vector_load %arg11[%swap3A_100, %swap3A_101] {strides = array<i32>} : memref<256x128xf32, #tpu.memory_space<vmem>>, vector<1x16xf32>,
        %swap3A_103 = vector.shape_cast %swap3A_102 : vector<1x16xf32> to vector<16xf32>
        %swap3A_104 = vector.shape_cast %mul3A_99 : vector<16xf32> to vector<1x16xf32>
        tpu.vector_store %arg11[%swap3A_100, %swap3A_101], %swap3A_104 {strides = array<i32>} : memref<256x128xf32, #tpu.memory_space<vmem>>, vector<1x16xf32>,
        %get3A_105 = arith.index_cast %scan3A_69 : i32 to index
        %get3A_106 = arith.constant 48 : index
        %get3A_107 = tpu.vector_load %arg11[%get3A_105, %get3A_106] {strides = array<i32>} : memref<256x128xf32, #tpu.memory_space<vmem>>, vector<1x16xf32>,
        %get3A_108 = vector.shape_cast %get3A_107 : vector<1x16xf32> to vector<16xf32>
        %mul3A_109 = vector.broadcast %squeeze3A : f32 to vector<16xf32>
        %mul3A_110 = arith.mulf %get3A_108, %mul3A_109 : vector<16xf32>
        %swap3A_111 = arith.index_cast %scan3A_69 : i32 to index
        %swap3A_112 = arith.constant 48 : index
        %swap3A_113 = tpu.vector_load %arg11[%swap3A_111, %swap3A_112] {strides = array<i32>} : memref<256x128xf32, #tpu.memory_space<vmem>>, vector<1x16xf32>,
        %swap3A_114 = vector.shape_cast %swap3A_113 : vector<1x16xf32> to vector<16xf32>
        %swap3A_115 = vector.shape_cast %mul3A_110 : vector<16xf32> to vector<1x16xf32>
        tpu.vector_store %arg11[%swap3A_111, %swap3A_112], %swap3A_115 {strides = array<i32>} : memref<256x128xf32, #tpu.memory_space<vmem>>, vector<1x16xf32>,
        %get3A_116 = arith.index_cast %scan3A_69 : i32 to index
        %get3A_117 = arith.constant 64 : index
        %get3A_118 = tpu.vector_load %arg11[%get3A_116, %get3A_117] {strides = array<i32>} : memref<256x128xf32, #tpu.memory_space<vmem>>, vector<1x16xf32>,
        %get3A_119 = vector.shape_cast %get3A_118 : vector<1x16xf32> to vector<16xf32>
        %mul3A_120 = vector.broadcast %squeeze3A : f32 to vector<16xf32>
        %mul3A_121 = arith.mulf %get3A_119, %mul3A_120 : vector<16xf32>
        %swap3A_122 = arith.index_cast %scan3A_69 : i32 to index
        %swap3A_123 = arith.constant 64 : index
        %swap3A_124 = tpu.vector_load %arg11[%swap3A_122, %swap3A_123] {strides = array<i32>} : memref<256x128xf32, #tpu.memory_space<vmem>>, vector<1x16xf32>,
        %swap3A_125 = vector.shape_cast %swap3A_124 : vector<1x16xf32> to vector<16xf32>
        %swap3A_126 = vector.shape_cast %mul3A_121 : vector<16xf32> to vector<1x16xf32>
        tpu.vector_store %arg11[%swap3A_122, %swap3A_123], %swap3A_126 {strides = array<i32>} : memref<256x128xf32, #tpu.memory_space<vmem>>, vector<1x16xf32>,
        %get3A_127 = arith.index_cast %scan3A_69 : i32 to index
        %get3A_128 = arith.constant 80 : index
        %get3A_129 = tpu.vector_load %arg11[%get3A_127, %get3A_128] {strides = array<i32>} : memref<256x128xf32, #tpu.memory_space<vmem>>, vector<1x16xf32>,
        %get3A_130 = vector.shape_cast %get3A_129 : vector<1x16xf32> to vector<16xf32>
        %mul3A_131 = vector.broadcast %squeeze3A : f32 to vector<16xf32>
        %mul3A_132 = arith.mulf %get3A_130, %mul3A_131 : vector<16xf32>
        %swap3A_133 = arith.index_cast %scan3A_69 : i32 to index
        %swap3A_134 = arith.constant 80 : index
        %swap3A_135 = tpu.vector_load %arg11[%swap3A_133, %swap3A_134] {strides = array<i32>} : memref<256x128xf32, #tpu.memory_space<vmem>>, vector<1x16xf32>,
        %swap3A_136 = vector.shape_cast %swap3A_135 : vector<1x16xf32> to vector<16xf32>
        %swap3A_137 = vector.shape_cast %mul3A_132 : vector<16xf32> to vector<1x16xf32>
        tpu.vector_store %arg11[%swap3A_133, %swap3A_134], %swap3A_137 {strides = array<i32>} : memref<256x128xf32, #tpu.memory_space<vmem>>, vector<1x16xf32>,
        %get3A_138 = arith.index_cast %scan3A_69 : i32 to index
        %get3A_139 = arith.constant 96 : index
        %get3A_140 = tpu.vector_load %arg11[%get3A_138, %get3A_139] {strides = array<i32>} : memref<256x128xf32, #tpu.memory_space<vmem>>, vector<1x16xf32>,
        %get3A_141 = vector.shape_cast %get3A_140 : vector<1x16xf32> to vector<16xf32>
        %mul3A_142 = vector.broadcast %squeeze3A : f32 to vector<16xf32>
        %mul3A_143 = arith.mulf %get3A_141, %mul3A_142 : vector<16xf32>
        %swap3A_144 = arith.index_cast %scan3A_69 : i32 to index
        %swap3A_145 = arith.constant 96 : index
        %swap3A_146 = tpu.vector_load %arg11[%swap3A_144, %swap3A_145] {strides = array<i32>} : memref<256x128xf32, #tpu.memory_space<vmem>>, vector<1x16xf32>,
        %swap3A_147 = vector.shape_cast %swap3A_146 : vector<1x16xf32> to vector<16xf32>
        %swap3A_148 = vector.shape_cast %mul3A_143 : vector<16xf32> to vector<1x16xf32>
        tpu.vector_store %arg11[%swap3A_144, %swap3A_145], %swap3A_148 {strides = array<i32>} : memref<256x128xf32, #tpu.memory_space<vmem>>, vector<1x16xf32>,
        %get3A_149 = arith.index_cast %scan3A_69 : i32 to index
        %get3A_150 = arith.constant 112 : index
        %get3A_151 = tpu.vector_load %arg11[%get3A_149, %get3A_150] {strides = array<i32>} : memref<256x128xf32, #tpu.memory_space<vmem>>, vector<1x16xf32>,
        %get3A_152 = vector.shape_cast %get3A_151 : vector<1x16xf32> to vector<16xf32>
        %mul3A_153 = vector.broadcast %squeeze3A : f32 to vector<16xf32>
        %mul3A_154 = arith.mulf %get3A_152, %mul3A_153 : vector<16xf32>
        %swap3A_155 = arith.index_cast %scan3A_69 : i32 to index
        %swap3A_156 = arith.constant 112 : index
        %swap3A_157 = tpu.vector_load %arg11[%swap3A_155, %swap3A_156] {strides = array<i32>} : memref<256x128xf32, #tpu.memory_space<vmem>>, vector<1x16xf32>,
        %swap3A_158 = vector.shape_cast %swap3A_157 : vector<1x16xf32> to vector<16xf32>
        %swap3A_159 = vector.shape_cast %mul3A_154 : vector<16xf32> to vector<1x16xf32>
        tpu.vector_store %arg11[%swap3A_155, %swap3A_156], %swap3A_159 {strides = array<i32>} : memref<256x128xf32, #tpu.memory_space<vmem>>, vector<1x16xf32>,
        %scan3A_160 = arith.constant 0 : i32
        scf.yield %scan3A_160 : i32
      }
      %scan3A_67 = arith.constant 128 : i32
      "tpu.region"() ({
        %run_scoped3A = tpu.sem_alloc : memref<!tpu.dma_semaphore, #tpu.memory_space<semaphore_mem>>
        %dma_start3A_69 = arith.constant 0 : i32
        %dma_start3A_70 = arith.constant 0 : i32
        %dma_start3A_71 = tpu.memref_slice %arg11[%dma_start3A_69, %dma_start3A_70] : memref<256x128xf32, #tpu.memory_space<vmem>> -> memref<128x128xf32, #tpu.memory_space<vmem>>
        %dma_start3A_72 = arith.constant 0 : i32
        %dma_start3A_73 = arith.constant 0 : i32
        %dma_start3A_74 = tpu.memref_slice %arg7[%dma_start3A_72, %dma_start3A_73] : memref<10240x128xf32, #tpu.memory_space<vmem_shared>> -> memref<10240x128xf32, #tpu.memory_space<vmem_shared>>
        tpu.enqueue_indirect_dma source(%dma_start3A_71 : memref<128x128xf32, #tpu.memory_space<vmem>>) target(%dma_start3A_74 : memref<10240x128xf32, #tpu.memory_space<vmem_shared>>) offsets(%arg9 : memref<128xi32, #tpu.memory_space<vmem>>) semaphore(%run_scoped3A : memref<!tpu.dma_semaphore, #tpu.memory_space<semaphore_mem>>) {add = true}
        %dma_wait3A_75 = arith.constant 0 : i32
        %dma_wait3A_76 = arith.constant 0 : i32
        %dma_wait3A_77 = tpu.memref_slice %arg11[%dma_wait3A_75, %dma_wait3A_76] : memref<256x128xf32, #tpu.memory_space<vmem>> -> memref<128x128xf32, #tpu.memory_space<vmem>>
        %dma_wait3A_78 = arith.constant 0 : i32
        %dma_wait3A_79 = arith.constant 0 : i32
        %dma_wait3A_80 = tpu.memref_slice %arg7[%dma_wait3A_78, %dma_wait3A_79] : memref<10240x128xf32, #tpu.memory_space<vmem_shared>> -> memref<10240x128xf32, #tpu.memory_space<vmem_shared>>
        tpu.wait_indirect_dma semaphore(%run_scoped3A : memref<!tpu.dma_semaphore, #tpu.memory_space<semaphore_mem>>) src(%dma_wait3A_77 : memref<128x128xf32, #tpu.memory_space<vmem>>) dst(%dma_wait3A_80 : memref<10240x128xf32, #tpu.memory_space<vmem_shared>>)
        tpu.yield
      }) : () -> ()
      %scan3A_68 = arith.constant 0 : i32
      scf.yield %scan3A_68 : i32
    }
    %scan3A_24 = arith.constant 79 : i32
    %barrier3A_25 = arith.constant 0 : index
    tpu.barrier barrier_id(%barrier3A_25)
    %add3A_26 = arith.constant 0 : i32
    %add3A_27 = arith.addi %mul3A_9, %add3A_26 : i32
    %add3A_28 = arith.constant 0 : i32
    %add3A_29 = arith.addi %mul3A_9, %add3A_28 : i32
    "tpu.region"() ({
      %run_scoped3A = tpu.sem_alloc : memref<!tpu.dma_semaphore, #tpu.memory_space<semaphore_mem>>
      %dma_start3A = arith.constant 0 : i32
      %dma_start3A_46 = tpu.memref_slice %arg6[%arg0, %add3A_29, %dma_start3A] : memref<2x10240x128xf32, #tpu.memory_space<hbm>> -> memref<1x128x128xf32, #tpu.memory_space<hbm>>
      %dma_start3A_47 = tpu.memref_squeeze %dma_start3A_46 : memref<1x128x128xf32, #tpu.memory_space<hbm>> -> memref<128x128xf32, #tpu.memory_space<hbm>>
      %dma_start3A_48 = arith.constant 0 : i32
      %dma_start3A_49 = tpu.memref_slice %arg7[%add3A_27, %dma_start3A_48] : memref<10240x128xf32, #tpu.memory_space<vmem_shared>> -> memref<128x128xf32, #tpu.memory_space<vmem_shared>>
      tpu.enqueue_dma source(%dma_start3A_49 : memref<128x128xf32, #tpu.memory_space<vmem_shared>>) target(%dma_start3A_47 : memref<128x128xf32, #tpu.memory_space<hbm>>) target_semaphore(%run_scoped3A : memref<!tpu.dma_semaphore, #tpu.memory_space<semaphore_mem>>)
      %dma_wait3A = arith.constant 0 : i32
      %dma_wait3A_50 = tpu.memref_slice %arg6[%arg0, %add3A_29, %dma_wait3A] : memref<2x10240x128xf32, #tpu.memory_space<hbm>> -> memref<1x128x128xf32, #tpu.memory_space<hbm>>
      %dma_wait3A_51 = tpu.memref_squeeze %dma_wait3A_50 : memref<1x128x128xf32, #tpu.memory_space<hbm>> -> memref<128x128xf32, #tpu.memory_space<hbm>>
      %dma_wait3A_52 = arith.constant 0 : i32
      %dma_wait3A_53 = tpu.memref_slice %arg7[%add3A_27, %dma_wait3A_52] : memref<10240x128xf32, #tpu.memory_space<vmem_shared>> -> memref<128x128xf32, #tpu.memory_space<vmem_shared>>
      tpu.wait_dma2 semaphore(%run_scoped3A : memref<!tpu.dma_semaphore, #tpu.memory_space<semaphore_mem>>) src(%dma_wait3A_53 : memref<128x128xf32, #tpu.memory_space<vmem_shared>>) dst(%dma_wait3A_51 : memref<128x128xf32, #tpu.memory_space<hbm>>)
      tpu.yield
    }) : () -> ()
    %add3A_30 = arith.constant 128 : i32
    %add3A_31 = arith.addi %mul3A_9, %add3A_30 : i32
    %add3A_32 = arith.constant 128 : i32
    %add3A_33 = arith.addi %mul3A_9, %add3A_32 : i32
    "tpu.region"() ({
      %run_scoped3A = tpu.sem_alloc : memref<!tpu.dma_semaphore, #tpu.memory_space<semaphore_mem>>
      %dma_start3A = arith.constant 0 : i32
      %dma_start3A_46 = tpu.memref_slice %arg6[%arg0, %add3A_33, %dma_start3A] : memref<2x10240x128xf32, #tpu.memory_space<hbm>> -> memref<1x128x128xf32, #tpu.memory_space<hbm>>
      %dma_start3A_47 = tpu.memref_squeeze %dma_start3A_46 : memref<1x128x128xf32, #tpu.memory_space<hbm>> -> memref<128x128xf32, #tpu.memory_space<hbm>>
      %dma_start3A_48 = arith.constant 0 : i32
      %dma_start3A_49 = tpu.memref_slice %arg7[%add3A_31, %dma_start3A_48] : memref<10240x128xf32, #tpu.memory_space<vmem_shared>> -> memref<128x128xf32, #tpu.memory_space<vmem_shared>>
      tpu.enqueue_dma source(%dma_start3A_49 : memref<128x128xf32, #tpu.memory_space<vmem_shared>>) target(%dma_start3A_47 : memref<128x128xf32, #tpu.memory_space<hbm>>) target_semaphore(%run_scoped3A : memref<!tpu.dma_semaphore, #tpu.memory_space<semaphore_mem>>)
      %dma_wait3A = arith.constant 0 : i32
      %dma_wait3A_50 = tpu.memref_slice %arg6[%arg0, %add3A_33, %dma_wait3A] : memref<2x10240x128xf32, #tpu.memory_space<hbm>> -> memref<1x128x128xf32, #tpu.memory_space<hbm>>
      %dma_wait3A_51 = tpu.memref_squeeze %dma_wait3A_50 : memref<1x128x128xf32, #tpu.memory_space<hbm>> -> memref<128x128xf32, #tpu.memory_space<hbm>>
      %dma_wait3A_52 = arith.constant 0 : i32
      %dma_wait3A_53 = tpu.memref_slice %arg7[%add3A_31, %dma_wait3A_52] : memref<10240x128xf32, #tpu.memory_space<vmem_shared>> -> memref<128x128xf32, #tpu.memory_space<vmem_shared>>
      tpu.wait_dma2 semaphore(%run_scoped3A : memref<!tpu.dma_semaphore, #tpu.memory_space<semaphore_mem>>) src(%dma_wait3A_53 : memref<128x128xf32, #tpu.memory_space<vmem_shared>>) dst(%dma_wait3A_51 : memref<128x128xf32, #tpu.memory_space<hbm>>)
      tpu.yield
    }) : () -> ()
    %add3A_34 = arith.constant 256 : i32
    %add3A_35 = arith.addi %mul3A_9, %add3A_34 : i32
    %add3A_36 = arith.constant 256 : i32
    %add3A_37 = arith.addi %mul3A_9, %add3A_36 : i32
    "tpu.region"() ({
      %run_scoped3A = tpu.sem_alloc : memref<!tpu.dma_semaphore, #tpu.memory_space<semaphore_mem>>
      %dma_start3A = arith.constant 0 : i32
      %dma_start3A_46 = tpu.memref_slice %arg6[%arg0, %add3A_37, %dma_start3A] : memref<2x10240x128xf32, #tpu.memory_space<hbm>> -> memref<1x128x128xf32, #tpu.memory_space<hbm>>
      %dma_start3A_47 = tpu.memref_squeeze %dma_start3A_46 : memref<1x128x128xf32, #tpu.memory_space<hbm>> -> memref<128x128xf32, #tpu.memory_space<hbm>>
      %dma_start3A_48 = arith.constant 0 : i32
      %dma_start3A_49 = tpu.memref_slice %arg7[%add3A_35, %dma_start3A_48] : memref<10240x128xf32, #tpu.memory_space<vmem_shared>> -> memref<128x128xf32, #tpu.memory_space<vmem_shared>>
      tpu.enqueue_dma source(%dma_start3A_49 : memref<128x128xf32, #tpu.memory_space<vmem_shared>>) target(%dma_start3A_47 : memref<128x128xf32, #tpu.memory_space<hbm>>) target_semaphore(%run_scoped3A : memref<!tpu.dma_semaphore, #tpu.memory_space<semaphore_mem>>)
      %dma_wait3A = arith.constant 0 : i32
      %dma_wait3A_50 = tpu.memref_slice %arg6[%arg0, %add3A_37, %dma_wait3A] : memref<2x10240x128xf32, #tpu.memory_space<hbm>> -> memref<1x128x128xf32, #tpu.memory_space<hbm>>
      %dma_wait3A_51 = tpu.memref_squeeze %dma_wait3A_50 : memref<1x128x128xf32, #tpu.memory_space<hbm>> -> memref<128x128xf32, #tpu.memory_space<hbm>>
      %dma_wait3A_52 = arith.constant 0 : i32
      %dma_wait3A_53 = tpu.memref_slice %arg7[%add3A_35, %dma_wait3A_52] : memref<10240x128xf32, #tpu.memory_space<vmem_shared>> -> memref<128x128xf32, #tpu.memory_space<vmem_shared>>
      tpu.wait_dma2 semaphore(%run_scoped3A : memref<!tpu.dma_semaphore, #tpu.memory_space<semaphore_mem>>) src(%dma_wait3A_53 : memref<128x128xf32, #tpu.memory_space<vmem_shared>>) dst(%dma_wait3A_51 : memref<128x128xf32, #tpu.memory_space<hbm>>)
      tpu.yield
    }) : () -> ()
    %add3A_38 = arith.constant 384 : i32
    %add3A_39 = arith.addi %mul3A_9, %add3A_38 : i32
    %add3A_40 = arith.constant 384 : i32
    %add3A_41 = arith.addi %mul3A_9, %add3A_40 : i32
    "tpu.region"() ({
      %run_scoped3A = tpu.sem_alloc : memref<!tpu.dma_semaphore, #tpu.memory_space<semaphore_mem>>
      %dma_start3A = arith.constant 0 : i32
      %dma_start3A_46 = tpu.memref_slice %arg6[%arg0, %add3A_41, %dma_start3A] : memref<2x10240x128xf32, #tpu.memory_space<hbm>> -> memref<1x128x128xf32, #tpu.memory_space<hbm>>
      %dma_start3A_47 = tpu.memref_squeeze %dma_start3A_46 : memref<1x128x128xf32, #tpu.memory_space<hbm>> -> memref<128x128xf32, #tpu.memory_space<hbm>>
      %dma_start3A_48 = arith.constant 0 : i32
      %dma_start3A_49 = tpu.memref_slice %arg7[%add3A_39, %dma_start3A_48] : memref<10240x128xf32, #tpu.memory_space<vmem_shared>> -> memref<128x128xf32, #tpu.memory_space<vmem_shared>>
      tpu.enqueue_dma source(%dma_start3A_49 : memref<128x128xf32, #tpu.memory_space<vmem_shared>>) target(%dma_start3A_47 : memref<128x128xf32, #tpu.memory_space<hbm>>) target_semaphore(%run_scoped3A : memref<!tpu.dma_semaphore, #tpu.memory_space<semaphore_mem>>)
      %dma_wait3A = arith.constant 0 : i32
      %dma_wait3A_50 = tpu.memref_slice %arg6[%arg0, %add3A_41, %dma_wait3A] : memref<2x10240x128xf32, #tpu.memory_space<hbm>> -> memref<1x128x128xf32, #tpu.memory_space<hbm>>
      %dma_wait3A_51 = tpu.memref_squeeze %dma_wait3A_50 : memref<1x128x128xf32, #tpu.memory_space<hbm>> -> memref<128x128xf32, #tpu.memory_space<hbm>>
      %dma_wait3A_52 = arith.constant 0 : i32
      %dma_wait3A_53 = tpu.memref_slice %arg7[%add3A_39, %dma_wait3A_52] : memref<10240x128xf32, #tpu.memory_space<vmem_shared>> -> memref<128x128xf32, #tpu.memory_space<vmem_shared>>
      tpu.wait_dma2 semaphore(%run_scoped3A : memref<!tpu.dma_semaphore, #tpu.memory_space<semaphore_mem>>) src(%dma_wait3A_53 : memref<128x128xf32, #tpu.memory_space<vmem_shared>>) dst(%dma_wait3A_51 : memref<128x128xf32, #tpu.memory_space<hbm>>)
      tpu.yield
    }) : () -> ()
    %add3A_42 = arith.constant 512 : i32
    %add3A_43 = arith.addi %mul3A_9, %add3A_42 : i32
    %add3A_44 = arith.constant 512 : i32
    %add3A_45 = arith.addi %mul3A_9, %add3A_44 : i32
    "tpu.region"() ({
      %run_scoped3A = tpu.sem_alloc : memref<!tpu.dma_semaphore, #tpu.memory_space<semaphore_mem>>
      %dma_start3A = arith.constant 0 : i32
      %dma_start3A_46 = tpu.memref_slice %arg6[%arg0, %add3A_45, %dma_start3A] : memref<2x10240x128xf32, #tpu.memory_space<hbm>> -> memref<1x128x128xf32, #tpu.memory_space<hbm>>
      %dma_start3A_47 = tpu.memref_squeeze %dma_start3A_46 : memref<1x128x128xf32, #tpu.memory_space<hbm>> -> memref<128x128xf32, #tpu.memory_space<hbm>>
      %dma_start3A_48 = arith.constant 0 : i32
      %dma_start3A_49 = tpu.memref_slice %arg7[%add3A_43, %dma_start3A_48] : memref<10240x128xf32, #tpu.memory_space<vmem_shared>> -> memref<128x128xf32, #tpu.memory_space<vmem_shared>>
      tpu.enqueue_dma source(%dma_start3A_49 : memref<128x128xf32, #tpu.memory_space<vmem_shared>>) target(%dma_start3A_47 : memref<128x128xf32, #tpu.memory_space<hbm>>) target_semaphore(%run_scoped3A : memref<!tpu.dma_semaphore, #tpu.memory_space<semaphore_mem>>)
      %dma_wait3A = arith.constant 0 : i32
      %dma_wait3A_50 = tpu.memref_slice %arg6[%arg0, %add3A_45, %dma_wait3A] : memref<2x10240x128xf32, #tpu.memory_space<hbm>> -> memref<1x128x128xf32, #tpu.memory_space<hbm>>
      %dma_wait3A_51 = tpu.memref_squeeze %dma_wait3A_50 : memref<1x128x128xf32, #tpu.memory_space<hbm>> -> memref<128x128xf32, #tpu.memory_space<hbm>>
      %dma_wait3A_52 = arith.constant 0 : i32
      %dma_wait3A_53 = tpu.memref_slice %arg7[%add3A_43, %dma_wait3A_52] : memref<10240x128xf32, #tpu.memory_space<vmem_shared>> -> memref<128x128xf32, #tpu.memory_space<vmem_shared>>
      tpu.wait_dma2 semaphore(%run_scoped3A : memref<!tpu.dma_semaphore, #tpu.memory_space<semaphore_mem>>) src(%dma_wait3A_53 : memref<128x128xf32, #tpu.memory_space<vmem_shared>>) dst(%dma_wait3A_51 : memref<128x128xf32, #tpu.memory_space<hbm>>)
      tpu.yield
    }) : () -> ()
    return
  }
}

module attributes {stable_mosaic.version = 14 : i64} {
  func.func @_mm1_body(%arg0: i32, %arg1: memref<400x128xf32, #tpu.memory_space<vmem>>, %arg2: memref<128x128xf32, #tpu.memory_space<vmem>>, %arg3: memref<400x1xf32, #tpu.memory_space<vmem>>, %arg4: memref<400x1xf32, #tpu.memory_space<vmem>>, %arg5: memref<400x128xf32, #tpu.memory_space<vmem>>, %arg6: memref<400x1xf32, #tpu.memory_space<vmem>>) attributes {dimension_semantics = [#tpu.dimension_semantics<arbitrary>], iteration_bounds = array<i64: 25>, scalar_prefetch = 0 : i64, scratch_operands = 0 : i64, tpu.core_type = #tpu.core_type<tc>, window_params = [{transform_indices = @transform_0, window_bounds = array<i64: 400, 128>}, {pipeline_mode = #tpu.pipeline_mode<synchronous>, transform_indices = @transform_1, window_bounds = array<i64: 128, 128>}, {transform_indices = @transform_2, window_bounds = array<i64: 400, 1>}, {transform_indices = @transform_3, window_bounds = array<i64: 400, 1>}, {transform_indices = @transform_4, window_bounds = array<i64: 400, 128>}, {transform_indices = @transform_5, window_bounds = array<i64: 400, 1>}]} {
    %get3A = arith.constant 0 : index
    %get3A_0 = arith.constant 0 : index
    %get3A_1 = vector.load %arg3[%get3A, %get3A_0] : memref<400x1xf32, #tpu.memory_space<vmem>>, vector<400x1xf32>
    %get3A_2 = arith.constant 0 : index
    %get3A_3 = arith.constant 0 : index
    %get3A_4 = vector.load %arg4[%get3A_2, %get3A_3] : memref<400x1xf32, #tpu.memory_space<vmem>>, vector<400x1xf32>
    %add3A = arith.addf %get3A_1, %get3A_4 : vector<400x1xf32>
    %add3A_5 = arith.constant 1.000000e+00 : f32
    %add3A_6 = vector.broadcast %add3A_5 : f32 to vector<400x1xf32>
    %add3A_7 = arith.addf %add3A, %add3A_6 : vector<400x1xf32>
    %rsqrt3A = math.rsqrt %add3A_7 : vector<400x1xf32>
    %get3A_8 = arith.constant 0 : index
    %get3A_9 = arith.constant 0 : index
    %get3A_10 = vector.load %arg1[%get3A_8, %get3A_9] : memref<400x128xf32, #tpu.memory_space<vmem>>, vector<400x128xf32>
    %get3A_11 = arith.constant 0 : index
    %get3A_12 = arith.constant 0 : index
    %get3A_13 = vector.load %arg2[%get3A_11, %get3A_12] : memref<128x128xf32, #tpu.memory_space<vmem>>, vector<128x128xf32>
    %dot_general3A = arith.constant dense<0.000000e+00> : vector<400x128xf32>
    %dot_general3A_14 = tpu.matmul %get3A_10, %get3A_13, %dot_general3A {dimension_numbers = #tpu.dot_dimension_numbers<[1], [0], [0], [1], [0, 0, 1, 1], [], []>, transpose_lhs_hint = false} : vector<400x128xf32>, vector<128x128xf32>, vector<400x128xf32> -> vector<400x128xf32>
    %mul3A = vector.broadcast %rsqrt3A : vector<400x1xf32> to vector<400x128xf32>
    %mul3A_15 = arith.mulf %mul3A, %dot_general3A_14 : vector<400x128xf32>
    %swap3A = arith.constant 0 : index
    %swap3A_16 = arith.constant 0 : index
    %swap3A_17 = vector.load %arg5[%swap3A, %swap3A_16] : memref<400x128xf32, #tpu.memory_space<vmem>>, vector<400x128xf32>
    tpu.vector_store %arg5[%swap3A, %swap3A_16], %mul3A_15 {strides = array<i32>} : memref<400x128xf32, #tpu.memory_space<vmem>>, vector<400x128xf32>,
    %swap3A_18 = arith.constant 0 : index
    %swap3A_19 = arith.constant 0 : index
    %swap3A_20 = vector.load %arg6[%swap3A_18, %swap3A_19] : memref<400x1xf32, #tpu.memory_space<vmem>>, vector<400x1xf32>
    tpu.vector_store %arg6[%swap3A_18, %swap3A_19], %rsqrt3A {strides = array<i32>} : memref<400x1xf32, #tpu.memory_space<vmem>>, vector<400x1xf32>,
    return
  }
  func.func @transform_0(%arg0: i32) -> (i32, i32) {
    %c0_i32 = arith.constant 0 : i32
    %c0_i32_0 = arith.constant 0 : i32
    return %arg0, %c0_i32 : i32, i32
  }
  func.func @transform_1(%arg0: i32) -> (i32, i32) {
    %c0_i32 = arith.constant 0 : i32
    %c0_i32_0 = arith.constant 0 : i32
    %c0_i32_1 = arith.constant 0 : i32
    return %c0_i32, %c0_i32_0 : i32, i32
  }
  func.func @transform_2(%arg0: i32) -> (i32, i32) {
    %c0_i32 = arith.constant 0 : i32
    %c0_i32_0 = arith.constant 0 : i32
    return %arg0, %c0_i32 : i32, i32
  }
  func.func @transform_3(%arg0: i32) -> (i32, i32) {
    %c0_i32 = arith.constant 0 : i32
    %c0_i32_0 = arith.constant 0 : i32
    return %arg0, %c0_i32 : i32, i32
  }
  func.func @transform_4(%arg0: i32) -> (i32, i32) {
    %c0_i32 = arith.constant 0 : i32
    %c0_i32_0 = arith.constant 0 : i32
    return %arg0, %c0_i32 : i32, i32
  }
  func.func @transform_5(%arg0: i32) -> (i32, i32) {
    %c0_i32 = arith.constant 0 : i32
    %c0_i32_0 = arith.constant 0 : i32
    return %arg0, %c0_i32 : i32, i32
  }
}

module attributes {stable_mosaic.version = 14 : i64} {
  func.func @_combine_mm_body(%arg0: i32, %arg1: memref<1x400x128xf32, #tpu.memory_space<vmem>>, %arg2: memref<1x400x128xf32, #tpu.memory_space<vmem>>, %arg3: memref<400x128xf32, #tpu.memory_space<vmem>>, %arg4: memref<400x1xf32, #tpu.memory_space<vmem>>, %arg5: memref<1x128xf32, #tpu.memory_space<vmem>>, %arg6: memref<128x128xf32, #tpu.memory_space<vmem>>, %arg7: memref<400x128xf32, #tpu.memory_space<vmem>>) attributes {dimension_semantics = [#tpu.dimension_semantics<arbitrary>], iteration_bounds = array<i64: 25>, scalar_prefetch = 0 : i64, scratch_operands = 0 : i64, tpu.core_type = #tpu.core_type<tc>, window_params = [{transform_indices = @transform_0, window_bounds = array<i64: 1, 400, 128>}, {transform_indices = @transform_1, window_bounds = array<i64: 1, 400, 128>}, {transform_indices = @transform_2, window_bounds = array<i64: 400, 128>}, {transform_indices = @transform_3, window_bounds = array<i64: 400, 1>}, {pipeline_mode = #tpu.pipeline_mode<synchronous>, transform_indices = @transform_4, window_bounds = array<i64: 1, 128>}, {pipeline_mode = #tpu.pipeline_mode<synchronous>, transform_indices = @transform_5, window_bounds = array<i64: 128, 128>}, {transform_indices = @transform_6, window_bounds = array<i64: 400, 128>}]} {
    %get3A = arith.constant 0 : index
    %get3A_0 = arith.constant 0 : index
    %get3A_1 = vector.load %arg4[%get3A, %get3A_0] : memref<400x1xf32, #tpu.memory_space<vmem>>, vector<400x1xf32>
    %get3A_2 = arith.constant 0 : index
    %get3A_3 = arith.constant 0 : index
    %get3A_4 = arith.constant 0 : index
    %get3A_5 = vector.load %arg1[%get3A_2, %get3A_3, %get3A_4] : memref<1x400x128xf32, #tpu.memory_space<vmem>>, vector<1x400x128xf32>
    %get3A_6 = vector.shape_cast %get3A_5 : vector<1x400x128xf32> to vector<400x128xf32>
    %get3A_7 = arith.constant 0 : index
    %get3A_8 = arith.constant 0 : index
    %get3A_9 = arith.constant 0 : index
    %get3A_10 = vector.load %arg2[%get3A_7, %get3A_8, %get3A_9] : memref<1x400x128xf32, #tpu.memory_space<vmem>>, vector<1x400x128xf32>
    %get3A_11 = vector.shape_cast %get3A_10 : vector<1x400x128xf32> to vector<400x128xf32>
    %add3A = arith.addf %get3A_6, %get3A_11 : vector<400x128xf32>
    %get3A_12 = arith.constant 0 : index
    %get3A_13 = arith.constant 0 : index
    %get3A_14 = vector.load %arg3[%get3A_12, %get3A_13] : memref<400x128xf32, #tpu.memory_space<vmem>>, vector<400x128xf32>
    %add3A_15 = arith.addf %add3A, %get3A_14 : vector<400x128xf32>
    %mul3A = vector.broadcast %get3A_1 : vector<400x1xf32> to vector<400x128xf32>
    %mul3A_16 = arith.mulf %mul3A, %add3A_15 : vector<400x128xf32>
    %get3A_17 = arith.constant 0 : index
    %get3A_18 = arith.constant 0 : index
    %get3A_19 = vector.load %arg5[%get3A_17, %get3A_18] : memref<1x128xf32, #tpu.memory_space<vmem>>, vector<1x128xf32>
    %add3A_20 = vector.broadcast %get3A_19 : vector<1x128xf32> to vector<400x128xf32>
    %add3A_21 = arith.addf %mul3A_16, %add3A_20 : vector<400x128xf32>
    %max3A = arith.constant 0.000000e+00 : f32
    %max3A_22 = vector.broadcast %max3A : f32 to vector<400x128xf32>
    %max3A_23 = arith.maximumf %add3A_21, %max3A_22 : vector<400x128xf32>
    %get3A_24 = arith.constant 0 : index
    %get3A_25 = arith.constant 0 : index
    %get3A_26 = vector.load %arg6[%get3A_24, %get3A_25] : memref<128x128xf32, #tpu.memory_space<vmem>>, vector<128x128xf32>
    %dot_general3A = arith.constant dense<0.000000e+00> : vector<400x128xf32>
    %dot_general3A_27 = tpu.matmul %max3A_23, %get3A_26, %dot_general3A {dimension_numbers = #tpu.dot_dimension_numbers<[1], [0], [0], [1], [0, 0, 1, 1], [], []>, transpose_lhs_hint = false} : vector<400x128xf32>, vector<128x128xf32>, vector<400x128xf32> -> vector<400x128xf32>
    %mul3A_28 = vector.broadcast %get3A_1 : vector<400x1xf32> to vector<400x128xf32>
    %mul3A_29 = arith.mulf %mul3A_28, %dot_general3A_27 : vector<400x128xf32>
    %swap3A = arith.constant 0 : index
    %swap3A_30 = arith.constant 0 : index
    %swap3A_31 = vector.load %arg7[%swap3A, %swap3A_30] : memref<400x128xf32, #tpu.memory_space<vmem>>, vector<400x128xf32>
    tpu.vector_store %arg7[%swap3A, %swap3A_30], %mul3A_29 {strides = array<i32>} : memref<400x128xf32, #tpu.memory_space<vmem>>, vector<400x128xf32>,
    return
  }
  func.func @transform_0(%arg0: i32) -> (i32, i32, i32) {
    %c0_i32 = arith.constant 0 : i32
    %c0_i32_0 = arith.constant 0 : i32
    %c0_i32_1 = arith.constant 0 : i32
    return %c0_i32, %arg0, %c0_i32_0 : i32, i32, i32
  }
  func.func @transform_1(%arg0: i32) -> (i32, i32, i32) {
    %c1_i32 = arith.constant 1 : i32
    %c0_i32 = arith.constant 0 : i32
    %c0_i32_0 = arith.constant 0 : i32
    return %c1_i32, %arg0, %c0_i32 : i32, i32, i32
  }
  func.func @transform_2(%arg0: i32) -> (i32, i32) {
    %c0_i32 = arith.constant 0 : i32
    %c0_i32_0 = arith.constant 0 : i32
    return %arg0, %c0_i32 : i32, i32
  }
  func.func @transform_3(%arg0: i32) -> (i32, i32) {
    %c0_i32 = arith.constant 0 : i32
    %c0_i32_0 = arith.constant 0 : i32
    return %arg0, %c0_i32 : i32, i32
  }
  func.func @transform_4(%arg0: i32) -> (i32, i32) {
    %c0_i32 = arith.constant 0 : i32
    %c0_i32_0 = arith.constant 0 : i32
    %c0_i32_1 = arith.constant 0 : i32
    return %c0_i32, %c0_i32_0 : i32, i32
  }
  func.func @transform_5(%arg0: i32) -> (i32, i32) {
    %c0_i32 = arith.constant 0 : i32
    %c0_i32_0 = arith.constant 0 : i32
    %c0_i32_1 = arith.constant 0 : i32
    return %c0_i32, %c0_i32_0 : i32, i32
  }
  func.func @transform_6(%arg0: i32) -> (i32, i32) {
    %c0_i32 = arith.constant 0 : i32
    %c0_i32_0 = arith.constant 0 : i32
    return %arg0, %c0_i32 : i32, i32
  }
}

module attributes {stable_mosaic.version = 14 : i64} {
  func.func @_final_body(%arg0: i32, %arg1: memref<1x400x128xf32, #tpu.memory_space<vmem>>, %arg2: memref<1x400x128xf32, #tpu.memory_space<vmem>>, %arg3: memref<400x128xf32, #tpu.memory_space<vmem>>, %arg4: memref<400x1xf32, #tpu.memory_space<vmem>>, %arg5: memref<1x128xf32, #tpu.memory_space<vmem>>, %arg6: memref<128x256xf32, #tpu.memory_space<vmem>>, %arg7: memref<1x256xf32, #tpu.memory_space<vmem>>, %arg8: memref<256x128xf32, #tpu.memory_space<vmem>>, %arg9: memref<1x128xf32, #tpu.memory_space<vmem>>, %arg10: memref<400x128xf32, #tpu.memory_space<vmem>>) attributes {dimension_semantics = [#tpu.dimension_semantics<arbitrary>], iteration_bounds = array<i64: 25>, scalar_prefetch = 0 : i64, scratch_operands = 0 : i64, tpu.core_type = #tpu.core_type<tc>, window_params = [{transform_indices = @transform_0, window_bounds = array<i64: 1, 400, 128>}, {transform_indices = @transform_1, window_bounds = array<i64: 1, 400, 128>}, {transform_indices = @transform_2, window_bounds = array<i64: 400, 128>}, {transform_indices = @transform_3, window_bounds = array<i64: 400, 1>}, {pipeline_mode = #tpu.pipeline_mode<synchronous>, transform_indices = @transform_4, window_bounds = array<i64: 1, 128>}, {pipeline_mode = #tpu.pipeline_mode<synchronous>, transform_indices = @transform_5, window_bounds = array<i64: 128, 256>}, {pipeline_mode = #tpu.pipeline_mode<synchronous>, transform_indices = @transform_6, window_bounds = array<i64: 1, 256>}, {pipeline_mode = #tpu.pipeline_mode<synchronous>, transform_indices = @transform_7, window_bounds = array<i64: 256, 128>}, {pipeline_mode = #tpu.pipeline_mode<synchronous>, transform_indices = @transform_8, window_bounds = array<i64: 1, 128>}, {transform_indices = @transform_9, window_bounds = array<i64: 400, 128>}]} {
    %get3A = arith.constant 0 : index
    %get3A_0 = arith.constant 0 : index
    %get3A_1 = vector.load %arg4[%get3A, %get3A_0] : memref<400x1xf32, #tpu.memory_space<vmem>>, vector<400x1xf32>
    %get3A_2 = arith.constant 0 : index
    %get3A_3 = arith.constant 0 : index
    %get3A_4 = arith.constant 0 : index
    %get3A_5 = vector.load %arg1[%get3A_2, %get3A_3, %get3A_4] : memref<1x400x128xf32, #tpu.memory_space<vmem>>, vector<1x400x128xf32>
    %get3A_6 = vector.shape_cast %get3A_5 : vector<1x400x128xf32> to vector<400x128xf32>
    %get3A_7 = arith.constant 0 : index
    %get3A_8 = arith.constant 0 : index
    %get3A_9 = arith.constant 0 : index
    %get3A_10 = vector.load %arg2[%get3A_7, %get3A_8, %get3A_9] : memref<1x400x128xf32, #tpu.memory_space<vmem>>, vector<1x400x128xf32>
    %get3A_11 = vector.shape_cast %get3A_10 : vector<1x400x128xf32> to vector<400x128xf32>
    %add3A = arith.addf %get3A_6, %get3A_11 : vector<400x128xf32>
    %get3A_12 = arith.constant 0 : index
    %get3A_13 = arith.constant 0 : index
    %get3A_14 = vector.load %arg3[%get3A_12, %get3A_13] : memref<400x128xf32, #tpu.memory_space<vmem>>, vector<400x128xf32>
    %add3A_15 = arith.addf %add3A, %get3A_14 : vector<400x128xf32>
    %mul3A = vector.broadcast %get3A_1 : vector<400x1xf32> to vector<400x128xf32>
    %mul3A_16 = arith.mulf %mul3A, %add3A_15 : vector<400x128xf32>
    %get3A_17 = arith.constant 0 : index
    %get3A_18 = arith.constant 0 : index
    %get3A_19 = vector.load %arg5[%get3A_17, %get3A_18] : memref<1x128xf32, #tpu.memory_space<vmem>>, vector<1x128xf32>
    %add3A_20 = vector.broadcast %get3A_19 : vector<1x128xf32> to vector<400x128xf32>
    %add3A_21 = arith.addf %mul3A_16, %add3A_20 : vector<400x128xf32>
    %max3A = arith.constant 0.000000e+00 : f32
    %max3A_22 = vector.broadcast %max3A : f32 to vector<400x128xf32>
    %max3A_23 = arith.maximumf %add3A_21, %max3A_22 : vector<400x128xf32>
    %get3A_24 = arith.constant 0 : index
    %get3A_25 = arith.constant 0 : index
    %get3A_26 = vector.load %arg6[%get3A_24, %get3A_25] : memref<128x256xf32, #tpu.memory_space<vmem>>, vector<128x256xf32>
    %dot_general3A = arith.constant dense<0.000000e+00> : vector<400x256xf32>
    %dot_general3A_27 = tpu.matmul %max3A_23, %get3A_26, %dot_general3A {dimension_numbers = #tpu.dot_dimension_numbers<[1], [0], [0], [1], [0, 0, 1, 1], [], []>, transpose_lhs_hint = false} : vector<400x128xf32>, vector<128x256xf32>, vector<400x256xf32> -> vector<400x256xf32>
    %get3A_28 = arith.constant 0 : index
    %get3A_29 = arith.constant 0 : index
    %get3A_30 = vector.load %arg7[%get3A_28, %get3A_29] : memref<1x256xf32, #tpu.memory_space<vmem>>, vector<1x256xf32>
    %add3A_31 = vector.broadcast %get3A_30 : vector<1x256xf32> to vector<400x256xf32>
    %add3A_32 = arith.addf %dot_general3A_27, %add3A_31 : vector<400x256xf32>
    %max3A_33 = arith.constant 0.000000e+00 : f32
    %max3A_34 = vector.broadcast %max3A_33 : f32 to vector<400x256xf32>
    %max3A_35 = arith.maximumf %add3A_32, %max3A_34 : vector<400x256xf32>
    %get3A_36 = arith.constant 0 : index
    %get3A_37 = arith.constant 0 : index
    %get3A_38 = vector.load %arg8[%get3A_36, %get3A_37] : memref<256x128xf32, #tpu.memory_space<vmem>>, vector<256x128xf32>
    %dot_general3A_39 = arith.constant dense<0.000000e+00> : vector<400x128xf32>
    %dot_general3A_40 = tpu.matmul %max3A_35, %get3A_38, %dot_general3A_39 {dimension_numbers = #tpu.dot_dimension_numbers<[1], [0], [0], [1], [0, 0, 1, 1], [], []>, transpose_lhs_hint = false} : vector<400x256xf32>, vector<256x128xf32>, vector<400x128xf32> -> vector<400x128xf32>
    %get3A_41 = arith.constant 0 : index
    %get3A_42 = arith.constant 0 : index
    %get3A_43 = vector.load %arg9[%get3A_41, %get3A_42] : memref<1x128xf32, #tpu.memory_space<vmem>>, vector<1x128xf32>
    %add3A_44 = vector.broadcast %get3A_43 : vector<1x128xf32> to vector<400x128xf32>
    %add3A_45 = arith.addf %dot_general3A_40, %add3A_44 : vector<400x128xf32>
    %swap3A = arith.constant 0 : index
    %swap3A_46 = arith.constant 0 : index
    %swap3A_47 = vector.load %arg10[%swap3A, %swap3A_46] : memref<400x128xf32, #tpu.memory_space<vmem>>, vector<400x128xf32>
    tpu.vector_store %arg10[%swap3A, %swap3A_46], %add3A_45 {strides = array<i32>} : memref<400x128xf32, #tpu.memory_space<vmem>>, vector<400x128xf32>,
    return
  }
  func.func @transform_0(%arg0: i32) -> (i32, i32, i32) {
    %c0_i32 = arith.constant 0 : i32
    %c0_i32_0 = arith.constant 0 : i32
    %c0_i32_1 = arith.constant 0 : i32
    return %c0_i32, %arg0, %c0_i32_0 : i32, i32, i32
  }
  func.func @transform_1(%arg0: i32) -> (i32, i32, i32) {
    %c1_i32 = arith.constant 1 : i32
    %c0_i32 = arith.constant 0 : i32
    %c0_i32_0 = arith.constant 0 : i32
    return %c1_i32, %arg0, %c0_i32 : i32, i32, i32
  }
  func.func @transform_2(%arg0: i32) -> (i32, i32) {
    %c0_i32 = arith.constant 0 : i32
    %c0_i32_0 = arith.constant 0 : i32
    return %arg0, %c0_i32 : i32, i32
  }
  func.func @transform_3(%arg0: i32) -> (i32, i32) {
    %c0_i32 = arith.constant 0 : i32
    %c0_i32_0 = arith.constant 0 : i32
    return %arg0, %c0_i32 : i32, i32
  }
  func.func @transform_4(%arg0: i32) -> (i32, i32) {
    %c0_i32 = arith.constant 0 : i32
    %c0_i32_0 = arith.constant 0 : i32
    %c0_i32_1 = arith.constant 0 : i32
    return %c0_i32, %c0_i32_0 : i32, i32
  }
  func.func @transform_5(%arg0: i32) -> (i32, i32) {
    %c0_i32 = arith.constant 0 : i32
    %c0_i32_0 = arith.constant 0 : i32
    %c0_i32_1 = arith.constant 0 : i32
    return %c0_i32, %c0_i32_0 : i32, i32
  }
  func.func @transform_6(%arg0: i32) -> (i32, i32) {
    %c0_i32 = arith.constant 0 : i32
    %c0_i32_0 = arith.constant 0 : i32
    %c0_i32_1 = arith.constant 0 : i32
    return %c0_i32, %c0_i32_0 : i32, i32
  }
  func.func @transform_7(%arg0: i32) -> (i32, i32) {
    %c0_i32 = arith.constant 0 : i32
    %c0_i32_0 = arith.constant 0 : i32
    %c0_i32_1 = arith.constant 0 : i32
    return %c0_i32, %c0_i32_0 : i32, i32
  }
  func.func @transform_8(%arg0: i32) -> (i32, i32) {
    %c0_i32 = arith.constant 0 : i32
    %c0_i32_0 = arith.constant 0 : i32
    %c0_i32_1 = arith.constant 0 : i32
    return %c0_i32, %c0_i32_0 : i32, i32
  }
  func.func @transform_9(%arg0: i32) -> (i32, i32) {
    %c0_i32 = arith.constant 0 : i32
    %c0_i32_0 = arith.constant 0 : i32
    return %arg0, %c0_i32 : i32, i32
  }
}

</mosaic_0001>

<sc_bundles>
// kernel: kernel.10.cloned.1.call-start
scs
__scs_entry_jumppad:
0x0: {  	(pc) =	sbr.rel $0x88, $3  }
0x1: {  	(tag) =	ssettag $0x0;
	lr =	simm.s32 $0x1  }
0x2: {  	[smem:$0x3F94] =	sst lr;
	_ =	strace $0xD0000000  }
0x3: {  	_ = 	snop  }
0x4: {  	_ = 	snop  }
0x5: {  	_ = 	snop  }
0x6: {  	_ = 	snop  }
0x7: {  	_ = 	snop  }
__scs_overlays_trampoline_lowered:
0x8: {  	[smem:$0x3FA3] =	sst s0  }
0x9: {  	[smem:$0x3FA4] =	sst s1  }
0xa: {  	[smem:$0x3FA5] =	sst s2  }
0xb: {  	[smem:$0x3FA6] =	sst s3  }
0xc: {  	[smem:$0x3FA7] =	sst s4  }
0xd: {  	[smem:$0x3FA8] =	sst s5  }
0xe: {  	[smem:$0x3FA9] =	sst s6  }
0xf: {  	[smem:$0x3FAA] =	sst s7  }
0x10: {  	[smem:$0x3FAB] =	sst s8  }
0x11: {  	[smem:$0x3FAC] =	sst s9;
	s0 =	simm.s32 @!p0 $0x0  }
0x12: {  	s1 =	sld [smem:$0x3F92];
	s0 =	simm.s32 @p0 $0x1  }
0x13: {  	[smem:$0x3FAD] =	sst s0;
	s0 =	simm.s32 @!p1 $0x0  }
0x14: {  	s2 =	sld [smem:$0x3F91];
	s0 =	simm.s32 @p1 $0x1  }
0x15: {  	[smem:$0x3FAE] =	sst s0;
	s0 =	simm.s32 @!p2 $0x0  }
0x16: {  	s3 =	sld [smem:$0x3FDB];
	s0 =	simm.s32 @p2 $0x1  }
0x17: {  	s4 =	simm.s32 $0x1BF5;
	[smem:$0x3FB0] =	sst s0  }
0x18: {  	s0 =	sld [smem:$0x3F93];
	_ =	swait.ge [sflag:s4], $0x0  }
0x19: {  	s7 =	sld [smem:$0x3F94]  }
0x1a: {  	s8 =	sadd.s32 $0xFFFFE003, lr  }
0x1b: {  	s9 =	sadd.s32 $0xFFFFFEF7, lr;
	s5 =	simm.s32 $0xFFFFFFFF;
	p2 =	slt.u32 s8, $0xFFFFF086  }
0x1c: {  	p1 =	slt.u32 s9, $0xF7A;
	s5 =	simm.s32 @!p2 $0x0  }
0x1d: {  	s5 =	simm.s32 @p1 $0x1;
	p0 =	seq.s32 s7, s2  }
0x1e: {  	s7 =	smul.u32 @!p0 $0xF7A, s2;
	p2 =	seq.s32 @!p0 s5, $0x0  }
0x1f: {  	s9 =	smul.u32 $0xF7A, s1;
	s8 =	simm.s32 @!p0 $0x1BF5;
	p2 =	por !p2, p0  }
0x20: {  	[sflag:s8] =	ssyncset.s32 @!p0 $0xFFFFF086;
	s6 =	sadd.s32 @!p0 s3, s7;
	s7 =	simm.s32 @!p0 $0x108  }
0x21: {  	s3 =	sadd.s32 s3, s9;
	s6 =	sadd.s32 @!p0 $0x88, s6;
	s7 =	simm.s32 @p2 $0x1082  }
0x22: {  	[simem:s7], [sflag:s8] =	dma.local @!p0 [hbm:s6], $0xF7A  }
0x23: {  	s9 =	sor.u32 $0xD0000000, s2;
	s6 =	simm.s32 $0x108;
	_ =	swait.ge @!p0 [sflag:s8], $0x0  }
0x24: {  	s3 =	sadd.s32 $0x88, s3;
	s6 =	simm.s32 @!p1 $0x1082;
	[sflag:s4] =	ssyncset.s32 $0xFFFFF086  }
0x25: {  	[simem:s6], [sflag:s4] =	dma.local [hbm:s3], $0xF7A  }
0x26: {  	[smem:$0x3F94] =	sst s1;
	(tag) =	ssettag s2;
	_ =	strace s9  }
0x27: {  	s1 =	sld [smem:$0x3FA4]  }
0x28: {  	s2 =	sld [smem:$0x3FA5]  }
0x29: {  	s4 =	sld [smem:$0x3FA7]  }
0x2a: {  	p0 =	seq.s32 s5, $0x0;
	s5 =	sld [smem:$0x3FA8]  }
0x2b: {  	s6 =	sld [smem:$0x3FA9]  }
0x2c: {  	s7 =	sld [smem:$0x3FAA]  }
0x2d: {  	s3 =	simm.s32 $0x108;
	s8 =	sld [smem:$0x3FAB]  }
0x2e: {  	s3 =	simm.s32 @!p0 $0x1082;
	s9 =	sld [smem:$0x3FAC]  }
0x2f: {  	lr =	sadd.s32 s0, s3;
	s0 =	sld [smem:$0x3FA3]  }
0x30: {  	s3 =	sld [smem:$0x3FA6]  }
0x31: {  	[smem:$0x3FAF] =	sst s10  }
0x32: {  	s10 =	sld [smem:$0x3FAD];
	_ =	sdelay $0x3  }
0x33: {  	p0 =	seq.s32 s10, $0x1;
	s10 =	sld [smem:$0x3FAF];
	_ =	sdelay $0x3  }
0x34: {  	[smem:$0x3FAF] =	sst s10  }
0x35: {  	s10 =	sld [smem:$0x3FAE];
	_ =	sdelay $0x3  }
0x36: {  	p1 =	seq.s32 s10, $0x1;
	s10 =	sld [smem:$0x3FAF];
	_ =	sdelay $0x3  }
0x37: {  	[smem:$0x3FAF] =	sst s10  }
0x38: {  	s10 =	sld [smem:$0x3FB0]  }
0x39: {  	_ = 	snop;
	(pc) =	sbr.ind lr, $3  }
0x3a: {  	_ = 	snop  }
0x3b: {  	_ = 	snop  }
0x3c: {  	p2 =	seq.s32 s10, $0x1;
	s10 =	sld [smem:$0x3FAF]  }
0x3d: {  	_ =	shalt  }
0x3e: {  	_ =	shalt  }
0x3f: {  	_ =	shalt  }
0x40: {  	_ =	shalt  }
0x41: {  	_ =	shalt  }
0x42: {  	_ =	shalt  }
0x43: {  	_ =	shalt  }
0x44: {  	_ =	shalt  }
0x45: {  	_ =	shalt  }
0x46: {  	_ =	shalt  }
0x47: {  	_ =	shalt  }
0x48: {  	_ =	shalt  }
0x49: {  	_ =	shalt  }
0x4a: {  	_ =	shalt  }
0x4b: {  	_ =	shalt  }
0x4c: {  	_ =	shalt  }
0x4d: {  	_ =	shalt  }
0x4e: {  	_ =	shalt  }
0x4f: {  	_ =	shalt  }
0x50: {  	_ =	shalt  }
0x51: {  	_ =	shalt  }
0x52: {  	_ =	shalt  }
0x53: {  	_ =	shalt  }
0x54: {  	_ =	shalt  }
0x55: {  	_ =	shalt  }
0x56: {  	_ =	shalt  }
0x57: {  	_ =	shalt  }
0x58: {  	_ =	shalt  }
0x59: {  	_ =	shalt  }
0x5a: {  	_ =	shalt  }
0x5b: {  	_ =	shalt  }
0x5c: {  	_ =	shalt  }
0x5d: {  	_ =	shalt  }
0x5e: {  	_ =	shalt  }
0x5f: {  	_ =	shalt  }
0x60: {  	_ =	shalt  }
0x61: {  	_ =	shalt  }
0x62: {  	_ =	shalt  }
0x63: {  	_ =	shalt  }
0x64: {  	_ =	shalt  }
0x65: {  	_ =	shalt  }
0x66: {  	_ =	shalt  }
0x67: {  	_ =	shalt  }
0x68: {  	_ =	shalt  }
0x69: {  	_ =	shalt  }
0x6a: {  	_ =	shalt  }
0x6b: {  	_ =	shalt  }
0x6c: {  	_ =	shalt  }
0x6d: {  	_ =	shalt  }
0x6e: {  	_ =	shalt  }
0x6f: {  	_ =	shalt  }
0x70: {  	_ =	shalt  }
0x71: {  	_ =	shalt  }
0x72: {  	_ =	shalt  }
0x73: {  	_ =	shalt  }
0x74: {  	_ =	shalt  }
0x75: {  	_ =	shalt  }
0x76: {  	_ =	shalt  }
0x77: {  	_ =	shalt  }
0x78: {  	_ =	shalt  }
0x79: {  	_ =	shalt  }
0x7a: {  	_ =	shalt  }
0x7b: {  	_ =	shalt  }
0x7c: {  	_ =	shalt  }
0x7d: {  	_ =	shalt  }
0x7e: {  	_ =	shalt  }
0x7f: {  	_ =	shalt  }
0x80: {  	_ =	shalt  }
0x81: {  	_ =	shalt  }
0x82: {  	_ =	shalt  }
0x83: {  	_ =	shalt  }
0x84: {  	_ =	shalt  }
0x85: {  	_ =	shalt  }
0x86: {  	_ =	shalt  }
0x87: {  	_ =	shalt  }
.Lfunc_end0:
.L_simem_size_0:
called_computation_lowered:
.L_overlay_start_0:
0x88: {  	s2 =	sld [smem:$0x3FD9]  }
0x89: {  	s3 =	sld [smem:$0x3FFE];
	_ =	sdelay $0x1  }
0x8a: {  	s1 =	srdreg.scid  }
0x8b: {  	s0 =	sand.u32 $0x1, s1  }
0x8c: {  	s17 =	sshll.u32 s0, $0xA;
	s2 =	sadd.s32 s3, s2  }
0x8d: {  	s2 =	sadd.s32 s2, s17  }
0x8e: {  	[smem:$0x3FBB] =	sst s2  }
0x8f: {  	_ = 	snop  }
0x90: {  	s2 =	sld [smem:$0x3FD0];
	(tm) =	ssettm $0x1  }
0x91: {  	s18 =	sld [smem:$0x3FFB];
	_ =	sdelay $0x3  }
0x92: {  	_ =	strace s18  }
0x93: {  	s3 =	sld [smem:$0x3FFC];
	_ =	sdelay $0x3  }
0x94: {  	_ =	strace s3  }
0x95: {  	s3 =	sld [smem:$0x3FFD];
	_ =	sdelay $0x3  }
0x96: {  	_ =	strace s3  }
0x97: {  	_ =	strace $0x8FFFFFFF  }
0x98: {  	s19 =	sld [smem:$0x3FDB];
	_ =	sdelay $0x1  }
0x99: {  	s4 =	simm.s32 $_scs_section_size  }
0x9a: {  	s5 =	simm.s32 $_size__tile_overlayer_lowered;
	s6 =	simm.s32 $_tile_overlayer_lowered  }
0x9b: {  	s22 =	simm.s32 $0x1BFF;
	s21 =	sshll.u32 s6, $0x1;
	s3 =	sadd.s32 s4, s19  }
0x9c: {  	s7 =	simm.s32 $0x0;
	s20 =	sshll.u32 s5, $0x1;
	s5 =	sadd.s32 s21, s3  }
0x9d: {  	[timem:s7], [sflag:s22] =	dma.local [hbm:s5], s20  }
0x9e: {  	_ =	swait.ge [sflag:s22], s20  }
0x9f: {  	s4 =	ssub.s32 $0x0, s20;
	[sflag:s22] =	ssyncset.done $0x0  }
0xa0: {  	[sflag:s22] =	ssyncadd.s32 s4;
	_ =	sdelay $0x1  }
0xa1: {  	s23 =	simm.s32 $0x1B8B  }
0xa2: {  	_ =	swait.ge [sflag:s23], $0x1  }
0xa3: {  	[sflag:s23] =	ssyncset.done $0x0  }
0xa4: {  	s25 =	simm.s32 $0x1B8E;
	s24 =	sld [smem:$0x3FFE];
	[sflag:s23] =	ssyncadd.s32 $0xFFFFFFFF  }
0xa5: {  	s26 =	simm.s32 $execute0_lowered;
	[smem:$0x3FD2] =	sst s25  }
0xa6: {  	s5 =	sshll.u32 s26, $0x1;
	_ =	strace $0x80000046;
	[dreg:$0x1] =	wrdreg $0xFFFFFFFF  }
0xa7: {  	s28 =	simm.s32 $_size_execute0_lowered;
	s3 =	sadd.s32 s3, s5;
	[dreg:$0x0] =	wrdreg $0x0  }
0xa8: {  	s5 =	sshll.u32 s28, $0x1;
	[dreg:$0x2] =	wrdreg s3  }
0xa9: {  	[dreg:$0x3] =	wrdreg s5  }
0xaa: {  	[dreg:$0x4] =	wrdreg $0xC0  }
0xab: {  	_ =	task [dreg:s7], $0x5FFFF  }
0xac: {  	[dreg:$0x1] =	wrdreg $0xFFFFFFFF  }
0xad: {  	[dreg:$0x0] =	wrdreg $0x60  }
0xae: {  	[dreg:$0x2] =	wrdreg s24  }
0xaf: {  	[dreg:$0x3] =	wrdreg s2  }
0xb0: {  	[dreg:$0x4] =	wrdreg $0x0  }
0xb1: {  	[dreg:$0x5] =	wrdreg $0x9  }
0xb2: {  	_ =	task.clear_ibuf [dreg:s7], $0x6FFFF;
	_ =	strace $0x90000046  }
0xb3: {  	s29 =	simm.s32 $0x9;
	_ =	strace $0x80000048  }
0xb4: {  	_ =	swait.ge [sflag:s29], $0x1  }
0xb5: {  	[sflag:s29] =	ssyncadd.s32 $0xFFFFFFFF  }
0xb6: {  	_ =	strace $0x90000048  }
0xb7: {  	_ =	sfence  }
0xb8: {  	s30 =	sld [smem:$0x0];
	_ =	sdelay $0x2  }
0xb9: {  	s31 =	sshll.u32 s1, $0xD;
	s1 =	sshrl.u32 s1, $0x2  }
0xba: {  	s3 =	sand.u32 $0x4000, s31;
	s1 =	sadd.s32 s1, s30  }
0xbb: {  	s0 =	sor.u32 s3, s0;
	s1 =	sshll.u32 s1, $0x11  }
0xbc: {  	s0 =	sor.u32 s1, s0  }
0xbd: {  	s0 =	sadd.s32 $0x8F2B, s0  }
0xbe: {  	[sflag:s0] =	ssyncadd.remote.s32 $0x1  }
0xbf: {  	_ =	sfence.sel $0xFFFF  }
0xc0: {  	[dreg:$0x0] =	wrdreg $0xFFFFFFFF;
	(pc) =	sbr.abs _section_cstart, $3  }
0xc1: {  	[dreg:$0x1] =	wrdreg $0xFFFFFFFF  }
0xc2: {  	_ =	task.clear_ibuf [dreg:s7], $0x2FFFF;
	_ =	strace $0x9FFFFFFF  }
0xc3: {  	(tm) =	ssettm $0x7FFFFFFF  }
tec
execute0_lowered:
.L_overlay_start_1:
0x0: {  	(tag) =	ssettag $0x1  }
0x1: {  	s4 =	rddreg [dreg:$0x0]  }
0x2: {  	s5 =	rddreg [dreg:$0x1]  }
0x3: {  	s2 =	rddreg [dreg:$0x2]  }
0x4: {  	s0 =	rddreg [dreg:$0x3];
	s3 =	simm.s32 $0x0;
	s1 =	stileid.u32  }
0x5: {  	s7 =	srdreg.scid;
	s12 =	simm.s32 $0x300;
	s13 =	simm.s32 $0x80  }
0x6: {  	s16 =	simm.s32 $0x20;
	s17 =	simm.s32 $0x10;
	s6 =	smul.u32 $0x9E0, s1  }
0x7: {  	s18 =	simm.s32 $0x0;
	[smem:$0x7FF] =	sst s3;
	s8 =	smul.u32 $0xA00, s1  }
0x8: {  	s7 =	sand.u32 $0x1, s7;
	s9 =	smul.u32 $0x500, s1;
	s14 =	sshll.u32 s1, $0x6  }
0x9: {  	_ =	strace $0x80000047;
	s28 =	ssub.s32 $0x2, s7;
	s11 =	sshll.u32 s7, $0x7  }
0xa: {  	s7 =	smul.u32 $0x4F0, s7;
	s14 =	sor.u32 $0x1C01, s14;
	s6 =	sadd.s32 s6, s4  }
0xb: {  	s10 =	sshrl.u32 s28, $0x1;
	s29 =	sshrl.u32 s8, $0x2;
	s30 =	sor.u32 s11, s9  }
0xc: {  	s9 =	simm.s32 $0x380;
	s11 =	simm.s32 $0x280;
	s10 =	ssub.s32 s28, s10  }
0xd: {  	s4 =	sadd.s32 s29, s2;
	s8 =	sshrl.u32 s30, $0x3;
	s31 =	sadd.s32 s7, s6  }
0xe: {  	s5 =	sadd.s32 s5, s8;
	s6 =	smax.u32 s10, $0x1;
	s7 =	sadd.s32 $0xDA00, s31  }
0xf: {  	v0 =	vimm.f32 $0.0e+00;
	s8 =	sadd.s32 $0x3C00, s31;
	s10 =	simm.s32 $0x1;
	s15 =	sshrl.u32 s4, $0x3  }
.LBB2_1:
0x10: {  	[tilespmem:$0x380] =	vst v0  }
0x11: {  	[tilespmem:$0x390] =	vst v0  }
0x12: {  	[tilespmem:$0x3A0] =	vst v0  }
0x13: {  	[tilespmem:$0x3B0] =	vst v0  }
0x14: {  	[tilespmem:$0x3C0] =	vst v0  }
0x15: {  	[tilespmem:$0x3D0] =	vst v0  }
0x16: {  	[tilespmem:$0x3E0] =	vst v0  }
0x17: {  	[tilespmem:$0x3F0] =	vst v0  }
0x18: {  	[tilespmem:$0x400] =	vst v0  }
0x19: {  	[tilespmem:$0x410] =	vst v0  }
0x1a: {  	[tilespmem:$0x420] =	vst v0  }
0x1b: {  	[tilespmem:$0x430] =	vst v0  }
0x1c: {  	[tilespmem:$0x440] =	vst v0  }
0x1d: {  	[tilespmem:$0x450] =	vst v0  }
0x1e: {  	[tilespmem:$0x460] =	vst v0  }
0x1f: {  	[tilespmem:$0x470] =	vst v0  }
0x20: {  	[tilespmem:$0x480] =	vst v0  }
0x21: {  	[tilespmem:$0x490] =	vst v0  }
0x22: {  	[tilespmem:$0x4A0] =	vst v0  }
0x23: {  	[tilespmem:$0x4B0] =	vst v0  }
0x24: {  	[tilespmem:$0x4C0] =	vst v0  }
0x25: {  	[tilespmem:$0x4D0] =	vst v0  }
0x26: {  	[tilespmem:$0x4E0] =	vst v0  }
0x27: {  	[tilespmem:$0x4F0] =	vst v0  }
0x28: {  	[tilespmem:$0x500] =	vst v0  }
0x29: {  	[tilespmem:$0x510] =	vst v0  }
0x2a: {  	[tilespmem:$0x520] =	vst v0  }
0x2b: {  	[tilespmem:$0x530] =	vst v0  }
0x2c: {  	[tilespmem:$0x540] =	vst v0  }
0x2d: {  	[tilespmem:$0x550] =	vst v0  }
0x2e: {  	[tilespmem:$0x560] =	vst v0  }
0x2f: {  	[tilespmem:$0x570] =	vst v0  }
0x30: {  	[tilespmem:$0x580] =	vst v0  }
0x31: {  	[tilespmem:$0x590] =	vst v0  }
0x32: {  	[tilespmem:$0x5A0] =	vst v0  }
0x33: {  	[tilespmem:$0x5B0] =	vst v0  }
0x34: {  	[tilespmem:$0x5C0] =	vst v0  }
0x35: {  	[tilespmem:$0x5D0] =	vst v0  }
0x36: {  	[tilespmem:$0x5E0] =	vst v0  }
0x37: {  	[tilespmem:$0x5F0] =	vst v0  }
0x38: {  	[spmem:s4] =	stream.linear.scatter [tilespmem:s9], [sflag:$0x1], $0x280, $0x38;
	[tilespmem:$0x600] =	vst v63  }
0x39: {  	_ =	swait.ge [sflag:s10], $0x280  }
0x3a: {  	[sflag:s10] =	ssyncset.done $0x0  }
0x3b: {  	[sflag:s10] =	ssyncadd.s32 $0xFFFFFD80  }
0x3c: {  	s19 =	sadd.s32 $0x0, s8;
	[bflag:$0x0] =	sbarrier.arrive $0xFFFF  }
0x3d: {  	[tilespmem:s11], [sflag:$0x1] =	stream.linear.gather [hbm4b:s19+s3], $0x80, $0x38;
	[tilespmem:$0x600] =	vst v63  }
0x3e: {  	_ =	swait.ge [sflag:s10], $0x80  }
0x3f: {  	[sflag:s10] =	ssyncset.done $0x0  }
0x40: {  	s31 =	sadd.s32 $0x0, s7;
	[sflag:s10] =	ssyncadd.s32 $0xFFFFFF80  }
0x41: {  	[tilespmem:s12], [sflag:$0x1] =	stream.linear.gather [hbm4b:s31+s3], $0x80, $0x38;
	[tilespmem:$0x600] =	vst v63  }
0x42: {  	_ =	swait.ge [sflag:s10], $0x80  }
0x43: {  	[sflag:s10] =	ssyncset.done $0x0  }
0x44: {  	[sflag:s10] =	ssyncadd.s32 $0xFFFFFF80  }
0x45: {  	[spmem:s2] =	stream.indirect.scatter.add.f32 [tilespmem:s12], [sflag:$0x1], $0x1, s11, s13, $0xb8;
	[tilespmem:$0x600] =	vst v63  }
0x46: {  	_ =	swait.ge [sflag:s10], $0x80  }
0x47: {  	s20 =	simm.s32 $0x20;
	s19 =	simm.s32 $0x10;
	[sflag:s10] =	ssyncset.done $0x0  }
.LBB2_2:
0x48: {  	s21 =	sadd.s32 s19, s8  }
0x49: {  	[sflag:s10] =	ssyncadd.s32 $0xFFFFFF80;
	s22 =	smov.u32 s20;
	s23 =	sadd.s32 $0x10, s20  }
0x4a: {  	[tilespmem:s11], [sflag:$0x1] =	stream.linear.gather [hbm4b:s21+s3], $0x80, $0x38;
	[tilespmem:$0x600] =	vst v63  }
0x4b: {  	p0 =	sne.s32 s20, $0x4E0;
	_ =	swait.ge [sflag:s10], $0x80  }
0x4c: {  	[sflag:s10] =	ssyncset.done $0x0  }
0x4d: {  	s20 =	sadd.s32 s19, s7;
	s19 =	smov.u32 s22;
	[sflag:s10] =	ssyncadd.s32 $0xFFFFFF80  }
0x4e: {  	[tilespmem:s12], [sflag:$0x1] =	stream.linear.gather [hbm4b:s20+s3], $0x80, $0x38;
	[tilespmem:$0x600] =	vst v63  }
0x4f: {  	_ =	swait.ge [sflag:s10], $0x80  }
.Ltmp0:
0x50: {  	[sflag:s10] =	ssyncset.done $0x0;
	(pc) =	sbr.rel @p0 .LBB2_2-.Ltmp0, $4  }
0x51: {  	[sflag:s10] =	ssyncadd.s32 $0xFFFFFF80  }
0x52: {  	[spmem:s2] =	stream.indirect.scatter.add.f32 [tilespmem:s12], [sflag:$0x1], $0x1, s11, s13, $0xb8;
	[tilespmem:$0x600] =	vst v63  }
0x53: {  	_ =	swait.ge [sflag:s10], $0x80  }
0x54: {  	s20 =	smov.u32 s23;
	[sflag:s10] =	ssyncset.done $0x0  }
0x55: {  	s20 =	sadd.s32 s19, s8;
	[sflag:s10] =	ssyncadd.s32 $0xFFFFFF80  }
0x56: {  	[tilespmem:s11], [sflag:$0x1] =	stream.linear.gather [hbm4b:s20+s3], $0x80, $0x38;
	[tilespmem:$0x600] =	vst v63  }
0x57: {  	_ =	swait.ge [sflag:s10], $0x80  }
0x58: {  	[sflag:s10] =	ssyncset.done $0x0  }
0x59: {  	s31 =	sadd.s32 s19, s7;
	[sflag:s10] =	ssyncadd.s32 $0xFFFFFF80  }
0x5a: {  	[tilespmem:s12], [sflag:$0x1] =	stream.linear.gather [hbm4b:s31+s3], $0x80, $0x38;
	[tilespmem:$0x600] =	vst v63  }
0x5b: {  	_ =	swait.ge [sflag:s10], $0x80  }
0x5c: {  	[sflag:s10] =	ssyncset.done $0x0  }
0x5d: {  	[sflag:s10] =	ssyncadd.s32 $0xFFFFFF80  }
0x5e: {  	[spmem:s2] =	stream.indirect.scatter.add.f32 [tilespmem:s12], [sflag:$0x1], $0x1, s11, s13, $0xb8;
	[tilespmem:$0x600] =	vst v63  }
0x5f: {  	_ =	swait.ge [sflag:s10], $0x80  }
0x60: {  	s18 =	sadd.s32 $0x1, s18;
	[sflag:s10] =	ssyncset.done $0x0  }
0x61: {  	p0 =	sne.s32 s18, s6;
	[sflag:s10] =	ssyncadd.s32 $0xFFFFFF80  }
.Ltmp1:
0x62: {  	[bflag:$0x0] =	sbarrier.arrive $0xFFFF;
	(pc) =	sbr.rel @p0 .LBB2_1-.Ltmp1, $4  }
0x63: {  	[hbm:s5@s16], [sflag:s14] =	dma.strided [spmem:s15@s17], $0x50, s10, $0x10   }
0x64: {  	_ =	swait.ge [sflag:s10], $0x50  }
0x65: {  	[sflag:s10] =	ssyncset.done $0x0  }
0x66: {  	[sflag:s10] =	ssyncadd.s32 $0xFFFFFFB0  }
0x67: {  	_ =	sfence.sel $0x180000  }
0x68: {  	[bflag:$0x0] =	sbarrier.arrive $0xFFFF  }
0x69: {  	p0 =	sne.s32 s1, $0x0;
	_ =	strace $0x90000047  }
0x6a: {  	s0 =	sadd.s32 @!p0 $0x100000, s0;
	[bflag:$0x2] =	sbarrier.arrive $0xFFFF  }
0x6b: {  	[sflag:s0] =	ssyncadd.tile.s32 @!p0 $0x1;
	_ =	shalt  }
.Lfunc_end2:
_tile_overlayer_lowered:
.L_overlay_start_2:
0x6c: {  	(tag) =	ssettag $0x2  }
0x6d: {  	s0 =	rddreg [dreg:$0x0];
	s2 =	stileid.u32  }
0x6e: {  	s1 =	rddreg [dreg:$0x1];
	p0 =	sne.s32 s2, $0x0  }
0x6f: {  	s3 =	rddreg [dreg:$0x2];
	[bflag:$0x3] =	sbarrier.arrive $0xFFFF;
	s2 =	simm.s32 @!p0 $0x1C01  }
0x70: {  	[timem:s3], [sflag:s2] =	dma.local @!p0 [hbm:s0], s1  }
0x71: {  	s0 =	simm.s32 @!p0 $0x1  }
0x72: {  	_ =	swait.ge @!p0 [sflag:s0], s1  }
0x73: {  	s1 =	ssub.s32 @!p0 $0x0, s1;
	[sflag:s0] =	ssyncset.done @!p0 $0x0  }
0x74: {  	[sflag:s0] =	ssyncadd.s32 @!p0 s1  }
0x75: {  	[bflag:$0x3] =	sbarrier.arrive $0xFFFF  }
0x76: {  	_ =	shalt  }

// kernel: kernel.13.cloned.1.call-start
scs
__scs_entry_jumppad:
0x0: {  	(pc) =	sbr.rel $0x88, $3  }
0x1: {  	(tag) =	ssettag $0x0;
	lr =	simm.s32 $0x1  }
0x2: {  	[smem:$0x3F94] =	sst lr;
	_ =	strace $0xD0000000  }
0x3: {  	_ = 	snop  }
0x4: {  	_ = 	snop  }
0x5: {  	_ = 	snop  }
0x6: {  	_ = 	snop  }
0x7: {  	_ = 	snop  }
__scs_overlays_trampoline_lowered:
0x8: {  	[smem:$0x3FA3] =	sst s0  }
0x9: {  	[smem:$0x3FA4] =	sst s1  }
0xa: {  	[smem:$0x3FA5] =	sst s2  }
0xb: {  	[smem:$0x3FA6] =	sst s3  }
0xc: {  	[smem:$0x3FA7] =	sst s4  }
0xd: {  	[smem:$0x3FA8] =	sst s5  }
0xe: {  	[smem:$0x3FA9] =	sst s6  }
0xf: {  	[smem:$0x3FAA] =	sst s7  }
0x10: {  	[smem:$0x3FAB] =	sst s8  }
0x11: {  	[smem:$0x3FAC] =	sst s9;
	s0 =	simm.s32 @!p0 $0x0  }
0x12: {  	s1 =	sld [smem:$0x3F92];
	s0 =	simm.s32 @p0 $0x1  }
0x13: {  	[smem:$0x3FAD] =	sst s0;
	s0 =	simm.s32 @!p1 $0x0  }
0x14: {  	s2 =	sld [smem:$0x3F91];
	s0 =	simm.s32 @p1 $0x1  }
0x15: {  	[smem:$0x3FAE] =	sst s0;
	s0 =	simm.s32 @!p2 $0x0  }
0x16: {  	s3 =	sld [smem:$0x3FDB];
	s0 =	simm.s32 @p2 $0x1  }
0x17: {  	s4 =	simm.s32 $0x1BF5;
	[smem:$0x3FB0] =	sst s0  }
0x18: {  	s0 =	sld [smem:$0x3F93];
	_ =	swait.ge [sflag:s4], $0x0  }
0x19: {  	s7 =	sld [smem:$0x3F94]  }
0x1a: {  	s8 =	sadd.s32 $0xFFFFE003, lr  }
0x1b: {  	s9 =	sadd.s32 $0xFFFFFEF7, lr;
	s5 =	simm.s32 $0xFFFFFFFF;
	p2 =	slt.u32 s8, $0xFFFFF086  }
0x1c: {  	p1 =	slt.u32 s9, $0xF7A;
	s5 =	simm.s32 @!p2 $0x0  }
0x1d: {  	s5 =	simm.s32 @p1 $0x1;
	p0 =	seq.s32 s7, s2  }
0x1e: {  	s7 =	smul.u32 @!p0 $0xF7A, s2;
	p2 =	seq.s32 @!p0 s5, $0x0  }
0x1f: {  	s9 =	smul.u32 $0xF7A, s1;
	s8 =	simm.s32 @!p0 $0x1BF5;
	p2 =	por !p2, p0  }
0x20: {  	[sflag:s8] =	ssyncset.s32 @!p0 $0xFFFFF086;
	s6 =	sadd.s32 @!p0 s3, s7;
	s7 =	simm.s32 @!p0 $0x108  }
0x21: {  	s3 =	sadd.s32 s3, s9;
	s6 =	sadd.s32 @!p0 $0x88, s6;
	s7 =	simm.s32 @p2 $0x1082  }
0x22: {  	[simem:s7], [sflag:s8] =	dma.local @!p0 [hbm:s6], $0xF7A  }
0x23: {  	s9 =	sor.u32 $0xD0000000, s2;
	s6 =	simm.s32 $0x108;
	_ =	swait.ge @!p0 [sflag:s8], $0x0  }
0x24: {  	s3 =	sadd.s32 $0x88, s3;
	s6 =	simm.s32 @!p1 $0x1082;
	[sflag:s4] =	ssyncset.s32 $0xFFFFF086  }
0x25: {  	[simem:s6], [sflag:s4] =	dma.local [hbm:s3], $0xF7A  }
0x26: {  	[smem:$0x3F94] =	sst s1;
	(tag) =	ssettag s2;
	_ =	strace s9  }
0x27: {  	s1 =	sld [smem:$0x3FA4]  }
0x28: {  	s2 =	sld [smem:$0x3FA5]  }
0x29: {  	s4 =	sld [smem:$0x3FA7]  }
0x2a: {  	p0 =	seq.s32 s5, $0x0;
	s5 =	sld [smem:$0x3FA8]  }
0x2b: {  	s6 =	sld [smem:$0x3FA9]  }
0x2c: {  	s7 =	sld [smem:$0x3FAA]  }
0x2d: {  	s3 =	simm.s32 $0x108;
	s8 =	sld [smem:$0x3FAB]  }
0x2e: {  	s3 =	simm.s32 @!p0 $0x1082;
	s9 =	sld [smem:$0x3FAC]  }
0x2f: {  	lr =	sadd.s32 s0, s3;
	s0 =	sld [smem:$0x3FA3]  }
0x30: {  	s3 =	sld [smem:$0x3FA6]  }
0x31: {  	[smem:$0x3FAF] =	sst s10  }
0x32: {  	s10 =	sld [smem:$0x3FAD];
	_ =	sdelay $0x3  }
0x33: {  	p0 =	seq.s32 s10, $0x1;
	s10 =	sld [smem:$0x3FAF];
	_ =	sdelay $0x3  }
0x34: {  	[smem:$0x3FAF] =	sst s10  }
0x35: {  	s10 =	sld [smem:$0x3FAE];
	_ =	sdelay $0x3  }
0x36: {  	p1 =	seq.s32 s10, $0x1;
	s10 =	sld [smem:$0x3FAF];
	_ =	sdelay $0x3  }
0x37: {  	[smem:$0x3FAF] =	sst s10  }
0x38: {  	s10 =	sld [smem:$0x3FB0]  }
0x39: {  	_ = 	snop;
	(pc) =	sbr.ind lr, $3  }
0x3a: {  	_ = 	snop  }
0x3b: {  	_ = 	snop  }
0x3c: {  	p2 =	seq.s32 s10, $0x1;
	s10 =	sld [smem:$0x3FAF]  }
0x3d: {  	_ =	shalt  }
0x3e: {  	_ =	shalt  }
0x3f: {  	_ =	shalt  }
0x40: {  	_ =	shalt  }
0x41: {  	_ =	shalt  }
0x42: {  	_ =	shalt  }
0x43: {  	_ =	shalt  }
0x44: {  	_ =	shalt  }
0x45: {  	_ =	shalt  }
0x46: {  	_ =	shalt  }
0x47: {  	_ =	shalt  }
0x48: {  	_ =	shalt  }
0x49: {  	_ =	shalt  }
0x4a: {  	_ =	shalt  }
0x4b: {  	_ =	shalt  }
0x4c: {  	_ =	shalt  }
0x4d: {  	_ =	shalt  }
0x4e: {  	_ =	shalt  }
0x4f: {  	_ =	shalt  }
0x50: {  	_ =	shalt  }
0x51: {  	_ =	shalt  }
0x52: {  	_ =	shalt  }
0x53: {  	_ =	shalt  }
0x54: {  	_ =	shalt  }
0x55: {  	_ =	shalt  }
0x56: {  	_ =	shalt  }
0x57: {  	_ =	shalt  }
0x58: {  	_ =	shalt  }
0x59: {  	_ =	shalt  }
0x5a: {  	_ =	shalt  }
0x5b: {  	_ =	shalt  }
0x5c: {  	_ =	shalt  }
0x5d: {  	_ =	shalt  }
0x5e: {  	_ =	shalt  }
0x5f: {  	_ =	shalt  }
0x60: {  	_ =	shalt  }
0x61: {  	_ =	shalt  }
0x62: {  	_ =	shalt  }
0x63: {  	_ =	shalt  }
0x64: {  	_ =	shalt  }
0x65: {  	_ =	shalt  }
0x66: {  	_ =	shalt  }
0x67: {  	_ =	shalt  }
0x68: {  	_ =	shalt  }
0x69: {  	_ =	shalt  }
0x6a: {  	_ =	shalt  }
0x6b: {  	_ =	shalt  }
0x6c: {  	_ =	shalt  }
0x6d: {  	_ =	shalt  }
0x6e: {  	_ =	shalt  }
0x6f: {  	_ =	shalt  }
0x70: {  	_ =	shalt  }
0x71: {  	_ =	shalt  }
0x72: {  	_ =	shalt  }
0x73: {  	_ =	shalt  }
0x74: {  	_ =	shalt  }
0x75: {  	_ =	shalt  }
0x76: {  	_ =	shalt  }
0x77: {  	_ =	shalt  }
0x78: {  	_ =	shalt  }
0x79: {  	_ =	shalt  }
0x7a: {  	_ =	shalt  }
0x7b: {  	_ =	shalt  }
0x7c: {  	_ =	shalt  }
0x7d: {  	_ =	shalt  }
0x7e: {  	_ =	shalt  }
0x7f: {  	_ =	shalt  }
0x80: {  	_ =	shalt  }
0x81: {  	_ =	shalt  }
0x82: {  	_ =	shalt  }
0x83: {  	_ =	shalt  }
0x84: {  	_ =	shalt  }
0x85: {  	_ =	shalt  }
0x86: {  	_ =	shalt  }
0x87: {  	_ =	shalt  }
.Lfunc_end0:
.L_simem_size_0:
called_computation.1_lowered:
.L_overlay_start_0:
0x88: {  	s2 =	sld [smem:$0x3FD9]  }
0x89: {  	s3 =	sld [smem:$0x3FFE];
	_ =	sdelay $0x1  }
0x8a: {  	s1 =	srdreg.scid  }
0x8b: {  	s0 =	sand.u32 $0x1, s1  }
0x8c: {  	s16 =	sshll.u32 s0, $0xA;
	s2 =	sadd.s32 s3, s2  }
0x8d: {  	s2 =	sadd.s32 s2, s16  }
0x8e: {  	[smem:$0x3FBB] =	sst s2  }
0x8f: {  	_ = 	snop  }
0x90: {  	(tm) =	ssettm $0x1  }
0x91: {  	s17 =	sld [smem:$0x3FFB];
	_ =	sdelay $0x3  }
0x92: {  	_ =	strace s17  }
0x93: {  	s2 =	sld [smem:$0x3FFC];
	_ =	sdelay $0x3  }
0x94: {  	_ =	strace s2  }
0x95: {  	s2 =	sld [smem:$0x3FFD];
	_ =	sdelay $0x3  }
0x96: {  	_ =	strace s2  }
0x97: {  	_ =	strace $0x8FFFFFFF  }
0x98: {  	s18 =	sld [smem:$0x3FDB];
	_ =	sdelay $0x1  }
0x99: {  	s19 =	simm.s32 $_scs_section_size  }
0x9a: {  	s4 =	simm.s32 $_size__tile_overlayer_lowered;
	s5 =	simm.s32 $_tile_overlayer_lowered  }
0x9b: {  	s22 =	simm.s32 $0x1BFF;
	s21 =	sshll.u32 s5, $0x1;
	s2 =	sadd.s32 s19, s18  }
0x9c: {  	s6 =	simm.s32 $0x0;
	s20 =	sshll.u32 s4, $0x1;
	s4 =	sadd.s32 s21, s2  }
0x9d: {  	[timem:s6], [sflag:s22] =	dma.local [hbm:s4], s20  }
0x9e: {  	_ =	swait.ge [sflag:s22], s20  }
0x9f: {  	s3 =	ssub.s32 $0x0, s20;
	[sflag:s22] =	ssyncset.done $0x0  }
0xa0: {  	[sflag:s22] =	ssyncadd.s32 s3;
	_ =	sdelay $0x1  }
0xa1: {  	s23 =	simm.s32 $0x1B8B  }
0xa2: {  	_ =	swait.ge [sflag:s23], $0x1  }
0xa3: {  	[sflag:s23] =	ssyncset.done $0x0  }
0xa4: {  	s25 =	simm.s32 $0x1B8E;
	s24 =	sld [smem:$0x3FFE];
	[sflag:s23] =	ssyncadd.s32 $0xFFFFFFFF  }
0xa5: {  	s26 =	simm.s32 $execute0_lowered;
	[smem:$0x3FD2] =	sst s25  }
0xa6: {  	s4 =	sshll.u32 s26, $0x1;
	_ =	strace $0x80000049;
	[dreg:$0x1] =	wrdreg $0xFFFFFFFF  }
0xa7: {  	s28 =	simm.s32 $_size_execute0_lowered;
	s2 =	sadd.s32 s2, s4;
	[dreg:$0x0] =	wrdreg $0x0  }
0xa8: {  	s4 =	sshll.u32 s28, $0x1;
	[dreg:$0x2] =	wrdreg s2  }
0xa9: {  	[dreg:$0x3] =	wrdreg s4  }
0xaa: {  	[dreg:$0x4] =	wrdreg $0xC0  }
0xab: {  	_ =	task [dreg:s6], $0x5FFFF  }
0xac: {  	[dreg:$0x1] =	wrdreg $0xFFFFFFFF  }
0xad: {  	[dreg:$0x0] =	wrdreg $0x60  }
0xae: {  	[dreg:$0x2] =	wrdreg s24  }
0xaf: {  	[dreg:$0x3] =	wrdreg $0x0  }
0xb0: {  	[dreg:$0x4] =	wrdreg $0x9  }
0xb1: {  	_ =	task.clear_ibuf [dreg:s6], $0x5FFFF;
	_ =	strace $0x90000049  }
0xb2: {  	s29 =	simm.s32 $0x9;
	_ =	strace $0x8000004B  }
0xb3: {  	_ =	swait.ge [sflag:s29], $0x1  }
0xb4: {  	[sflag:s29] =	ssyncadd.s32 $0xFFFFFFFF  }
0xb5: {  	_ =	strace $0x9000004B  }
0xb6: {  	_ =	sfence  }
0xb7: {  	s30 =	sld [smem:$0x0];
	_ =	sdelay $0x2  }
0xb8: {  	s31 =	sshll.u32 s1, $0xD;
	s1 =	sshrl.u32 s1, $0x2  }
0xb9: {  	s3 =	sand.u32 $0x4000, s31;
	s1 =	sadd.s32 s1, s30  }
0xba: {  	s0 =	sor.u32 s3, s0;
	s1 =	sshll.u32 s1, $0x11  }
0xbb: {  	s0 =	sor.u32 s1, s0  }
0xbc: {  	s0 =	sadd.s32 $0x8F2B, s0  }
0xbd: {  	[sflag:s0] =	ssyncadd.remote.s32 $0x1  }
0xbe: {  	_ =	sfence.sel $0xFFFF  }
0xbf: {  	[dreg:$0x0] =	wrdreg $0xFFFFFFFF;
	(pc) =	sbr.abs _section_cstart, $3  }
0xc0: {  	[dreg:$0x1] =	wrdreg $0xFFFFFFFF  }
0xc1: {  	_ =	task.clear_ibuf [dreg:s6], $0x2FFFF;
	_ =	strace $0x9FFFFFFF  }
0xc2: {  	(tm) =	ssettm $0x7FFFFFFF  }
0xc3: {  	_ =	shalt  }
tec
execute0_lowered:
.L_overlay_start_1:
0x0: {  	(tag) =	ssettag $0x1  }
0x1: {  	s0 =	rddreg [dreg:$0x0]  }
0x2: {  	s1 =	rddreg [dreg:$0x1];
	s2 =	simm.s32 $0x0  }
0x3: {  	s8 =	srdreg.scid;
	s4 =	stileid.u32;
	s21 =	simm.s32 $0x80  }
0x4: {  	s22 =	simm.s32 $0x14080;
	s23 =	simm.s32 $0x14100;
	[smem:$0x7FF] =	sst s2  }
0x5: {  	s3 =	sadd.s32 $0x21600, s0;
	s5 =	sadd.s32 $0x3C00, s0;
	s6 =	sadd.s32 $0x17800, s0  }
0x6: {  	s7 =	sadd.s32 $0xDA00, s0;
	s9 =	sand.u32 $0x1, s8;
	s10 =	smul.u32 $0x50000, s4  }
0x7: {  	s0 =	sadd.s32 $0x48800, s0;
	s12 =	sshll.u32 s4, $0x1;
	s14 =	smul.u32 $0x14000, s4  }
0x8: {  	_ =	strace $0x8000004A;
	s8 =	ssub.s32 $0x2, s9;
	s26 =	sor.u32 s9, s12  }
0x9: {  	s16 =	smul.u32 $0x140000, s9;
	s11 =	sshrl.u32 s8, $0x1;
	s28 =	sshrl.u32 s10, $0x2  }
0xa: {  	s15 =	sadd.s32 $0x8000, s14;
	s18 =	sadd.s32 $0x10000, s14;
	s19 =	sadd.s32 $0x4000, s14  }
0xb: {  	s20 =	sadd.s32 $0xC000, s14;
	s17 =	ssub.s32 s8, s11;
	s8 =	sadd.s32 s28, s1  }
0xc: {  	s9 =	sadd.s32 s15, s1;
	s10 =	sadd.s32 s18, s1;
	s29 =	sadd.s32 s14, s16  }
0xd: {  	s13 =	sadd.s32 s16, s19;
	s11 =	smul.u32 $0x4F, s26;
	s24 =	sadd.s32 s19, s1  }
0xe: {  	s30 =	sadd.s32 s16, s15;
	s31 =	sadd.s32 s16, s20;
	s16 =	sadd.s32 s16, s18  }
0xf: {  	s25 =	sadd.s32 s20, s1;
	s18 =	simm.s32 $0x14200;
	s19 =	simm.s32 $0x2  }
0x10: {  	s20 =	simm.s32 $0x14000;
	s26 =	simm.s32 $0x1;
	s12 =	sshrl.u32 s29, $0x3  }
0x11: {  	s13 =	sshrl.u32 s13, $0x3;
	s14 =	sshrl.u32 s30, $0x3;
	s15 =	sshrl.u32 s31, $0x3  }
0x12: {  	s16 =	sshrl.u32 s16, $0x3;
	s17 =	smax.u32 s17, $0x1;
	s24 =	sshrl.u32 s24, $0x3  }
0x13: {  	s25 =	sshrl.u32 s25, $0x3;
	s12 =	sadd.s32 s0, s12;
	s13 =	sadd.s32 s0, s13  }
0x14: {  	v0 =	vimm.f32 $0.0e+00;
	s14 =	sadd.s32 s0, s14;
	s15 =	sadd.s32 s0, s15;
	s16 =	sadd.s32 s0, s16  }
.LBB2_1:
0x15: {  	s0 =	simm.s32 $0x0;
	s28 =	simm.s32 $0x200  }
.LBB2_2:
0x16: {  	p0 =	sne.s32 s28, $0x1FE00;
	[tilespmem:s0+$0x14270] =	vst v0  }
0x17: {  	[tilespmem:s0+$0x14200] =	vst v0  }
0x18: {  	[tilespmem:s0+$0x14210] =	vst v0  }
.Ltmp0:
0x19: {  	[tilespmem:s0+$0x14220] =	vst v0;
	(pc) =	sbr.rel @p0 .LBB2_2-.Ltmp0, $4  }
0x1a: {  	[tilespmem:s0+$0x14230] =	vst v0  }
0x1b: {  	[tilespmem:s0+$0x14240] =	vst v0  }
0x1c: {  	[tilespmem:s0+$0x14250] =	vst v0  }
0x1d: {  	[tilespmem:s0+$0x14260] =	vst v0;
	s0 =	sshra.s32 s28, $0x2;
	s28 =	sadd.s32 $0x200, s28  }
0x1e: {  	[tilespmem:s0+$0x14270] =	vst v0  }
0x1f: {  	[tilespmem:s0+$0x14200] =	vst v0  }
0x20: {  	[tilespmem:s0+$0x14210] =	vst v0  }
0x21: {  	[tilespmem:s0+$0x14220] =	vst v0  }
0x22: {  	[tilespmem:s0+$0x14230] =	vst v0  }
0x23: {  	[tilespmem:s0+$0x14240] =	vst v0  }
0x24: {  	[tilespmem:s0+$0x14250] =	vst v0  }
0x25: {  	[tilespmem:s0+$0x14260] =	vst v0  }
0x26: {  	[spmem:s8] =	stream.linear.scatter [tilespmem:s18], [sflag:$0x2], $0x8000, $0x38;
	[tilespmem:$0x1C200] =	vst v63  }
0x27: {  	_ =	swait.ge [sflag:s19], $0x8000  }
0x28: {  	[sflag:s19] =	ssyncset.done $0x0  }
0x29: {  	[sflag:s19] =	ssyncadd.s32 $0xFFFF8000  }
0x2a: {  	[spmem:s9] =	stream.linear.scatter [tilespmem:s18], [sflag:$0x2], $0x8000, $0x38;
	[tilespmem:$0x1C200] =	vst v63  }
0x2b: {  	_ =	swait.ge [sflag:s19], $0x8000  }
0x2c: {  	[sflag:s19] =	ssyncset.done $0x0  }
0x2d: {  	[sflag:s19] =	ssyncadd.s32 $0xFFFF8000  }
0x2e: {  	[spmem:s10] =	stream.linear.scatter [tilespmem:s18], [sflag:$0x2], $0x4000, $0x38;
	[tilespmem:$0x1C200] =	vst v63  }
0x2f: {  	_ =	swait.ge [sflag:s19], $0x4000  }
0x30: {  	[sflag:s19] =	ssyncset.done $0x0  }
0x31: {  	[sflag:s19] =	ssyncadd.s32 $0xFFFFC000  }
0x32: {  	s28 =	simm.s32 $0x0;
	s29 =	simm.s32 $0x0;
	[bflag:$0x0] =	sbarrier.arrive $0xFFFF  }
.LBB2_4:
0x33: {  	s0 =	sadd.s32 s11, s29  }
0x34: {  	s0 =	sshll.u32 s0, $0x4  }
0x35: {  	s30 =	sadd.s32 s6, s0  }
0x36: {  	[tilespmem:s20], [sflag:$0x2] =	stream.linear.gather [hbm4b:s30+s28], $0x80, $0x38;
	[tilespmem:$0x1C200] =	vst v63  }
0x37: {  	_ =	swait.ge [sflag:s19], $0x80  }
0x38: {  	[sflag:s19] =	ssyncset.done $0x0  }
0x39: {  	[sflag:s19] =	ssyncadd.s32 $0xFFFFFF80  }
0x3a: {  	[tilespmem:s18], [sflag:$0x1] =	stream.indirect.gather [hbm4b:s3+s21], $0x80, s20, s21, $0xb8;
	[tilespmem:$0x1C200] =	vst v63  }
0x3b: {  	s30 =	sadd.s32 s5, s0  }
0x3c: {  	[tilespmem:s22], [sflag:$0x2] =	stream.linear.gather [hbm4b:s30+s28], $0x80, $0x38;
	[tilespmem:$0x1C200] =	vst v63  }
0x3d: {  	_ =	swait.ge [sflag:s19], $0x80  }
0x3e: {  	[sflag:s19] =	ssyncset.done $0x0  }
0x3f: {  	s0 =	sadd.s32 s7, s0;
	[sflag:s19] =	ssyncadd.s32 $0xFFFFFF80  }
0x40: {  	[tilespmem:s23], [sflag:$0x2] =	stream.linear.gather [hbm4b:s0+s28], $0x80, $0x38;
	[tilespmem:$0x1C200] =	vst v63  }
0x41: {  	_ =	swait.ge [sflag:s19], $0x80  }
0x42: {  	[sflag:s19] =	ssyncset.done $0x0  }
0x43: {  	[sflag:s19] =	ssyncadd.s32 $0xFFFFFF80  }
0x44: {  	_ =	swait.ge [sflag:s26], $0x4000  }
0x45: {  	[sflag:s26] =	ssyncset.done $0x0  }
0x46: {  	s30 =	simm.s32 $0x14240;
	[sflag:s26] =	ssyncadd.s32 $0xFFFFC000  }
0x47: {  	v5 =	vld [tilespmem:s30+$0x30]  }
0x48: {  	v8 =	vld [tilespmem:s30+$0x10]  }
0x49: {  	s4 =	simm.s32 $0x0;
	v6 =	vld [tilespmem:s30+$0xFFFFFFC0]  }
0x4a: {  	v2 =	vld.msk [tilespmem:s4+$0x14100 ss:$0x0], $0xffff  }
0x4b: {  	v10 =	vld [tilespmem:s30+$0xFFFFFFE0]  }
0x4c: {  	v1 =	vld [tilespmem:s30+$0xFFFFFFF0]  }
0x4d: {  	v3 =	vld [tilespmem:s30+$0x20]  }
0x4e: {  	v4 =	vld [tilespmem:s30+$0xFFFFFFD0]  }
0x4f: {  	v9 =	vmul.f32 v5, v2;
	v5 =	vld [tilespmem:s30+$0x0]  }
0x50: {  	v7 =	vmul.f32 v2, v6  }
0x51: {  	s31 =	simm.s32 $0x4;
	s0 =	simm.s32 $0x14240;
	v6 =	vmul.f32 v10, v2;
	v8 =	vmul.f32 v8, v2  }
.LBB2_5:
0x52: {  	p0 =	sne.s32 s31, $0x1FC  }
0x53: {  	v4 =	vmul.f32 v4, v2;
	v3 =	vmul.f32 v3, v2;
	[tilespmem:s30+$0x30] =	vst v9;
	s0 =	sadd.s32 $0x80, s0;
	s4 =	smov.u32 s31;
	s31 =	sadd.s32 $0x4, s31  }
0x54: {  	[tilespmem:s30+$0xFFFFFFC0] =	vst v7;
	v7 =	vmul.f32 v1, v2;
	v2 =	vmul.f32 v5, v2  }
0x55: {  	[tilespmem:s30+$0x10] =	vst v8  }
0x56: {  	[tilespmem:s30+$0xFFFFFFE0] =	vst v6  }
0x57: {  	v1 =	vld [tilespmem:s0+$0xFFFFFFF0];
	[tilespmem:s30+$0xFFFFFFF0] =	vst v7  }
0x58: {  	v6 =	vld [tilespmem:s0+$0x30];
	[tilespmem:s30+$0x0] =	vst v2  }
0x59: {  	v8 =	vld [tilespmem:s0+$0x10];
	[tilespmem:s30+$0x20] =	vst v3  }
0x5a: {  	s4 =	sshra.s32 s4, $0x2;
	v7 =	vld [tilespmem:s0+$0xFFFFFFC0];
	[tilespmem:s30+$0xFFFFFFD0] =	vst v4;
	s30 =	smov.u32 s0  }
0x5b: {  	v2 =	vld.msk [tilespmem:s4+$0x14100 ss:$0x0], $0xffff  }
0x5c: {  	v10 =	vld [tilespmem:s0+$0xFFFFFFE0]  }
0x5d: {  	v3 =	vld [tilespmem:s0+$0x20]  }
.Ltmp1:
0x5e: {  	v4 =	vld [tilespmem:s0+$0xFFFFFFD0];
	(pc) =	sbr.rel @p0 .LBB2_5-.Ltmp1, $3  }
0x5f: {  	v5 =	vld [tilespmem:s0+$0x0];
	_ =	sdelay $0x1  }
0x60: {  	v7 =	vmul.f32 v2, v7;
	v9 =	vmul.f32 v6, v2  }
0x61: {  	v8 =	vmul.f32 v8, v2;
	v6 =	vmul.f32 v10, v2  }
0x62: {  	[tilespmem:s30+$0x30] =	vst v9  }
0x63: {  	[tilespmem:s30+$0xFFFFFFC0] =	vst v7  }
0x64: {  	v1 =	vmul.f32 v1, v2;
	[tilespmem:s30+$0x10] =	vst v8  }
0x65: {  	v3 =	vmul.f32 v3, v2;
	[tilespmem:s30+$0xFFFFFFE0] =	vst v6  }
0x66: {  	v5 =	vmul.f32 v5, v2;
	[tilespmem:s30+$0xFFFFFFF0] =	vst v1  }
0x67: {  	s29 =	sadd.s32 $0x1, s29;
	v1 =	vmul.f32 v4, v2;
	[tilespmem:s30+$0x20] =	vst v3  }
0x68: {  	p0 =	sne.s32 s29, $0x4F;
	[tilespmem:s30+$0x0] =	vst v5  }
.Ltmp2:
0x69: {  	[tilespmem:s30+$0xFFFFFFD0] =	vst v1;
	(pc) =	sbr.rel @p0 .LBB2_4-.Ltmp2, $4  }
0x6a: {  	[spmem:s1] =	stream.indirect.scatter.add.f32 [tilespmem:s18], [sflag:$0x2], $0x80, s22, s21, $0xb8;
	[tilespmem:$0x1C200] =	vst v63  }
0x6b: {  	_ =	swait.ge [sflag:s19], $0x4000  }
0x6c: {  	[sflag:s19] =	ssyncset.done $0x0  }
0x6d: {  	[sflag:s19] =	ssyncadd.s32 $0xFFFFC000  }
0x6e: {  	s0 =	stileid.u32  }
0x6f: {  	s0 =	sshll.u32 s0, $0x6  }
0x70: {  	[bflag:$0x0] =	sbarrier.arrive $0xFFFF;
	s4 =	sshrl.u32 s8, $0x3;
	s0 =	sor.u32 $0x1C02, s0  }
0x71: {  	[hbm:s12], [sflag:s0] =	dma.local [spmem:s4], $0x800  }
0x72: {  	_ =	swait.ge [sflag:s19], $0x800  }
0x73: {  	[sflag:s19] =	ssyncset.done $0x0  }
0x74: {  	[sflag:s19] =	ssyncadd.s32 $0xFFFFF800  }
0x75: {  	[hbm:s13], [sflag:s0] =	dma.local [spmem:s24], $0x800  }
0x76: {  	_ =	swait.ge [sflag:s19], $0x800  }
0x77: {  	[sflag:s19] =	ssyncset.done $0x0  }
0x78: {  	s30 =	sshrl.u32 s9, $0x3;
	[sflag:s19] =	ssyncadd.s32 $0xFFFFF800  }
0x79: {  	[hbm:s14], [sflag:s0] =	dma.local [spmem:s30], $0x800  }
0x7a: {  	_ =	swait.ge [sflag:s19], $0x800  }
0x7b: {  	[sflag:s19] =	ssyncset.done $0x0  }
0x7c: {  	[sflag:s19] =	ssyncadd.s32 $0xFFFFF800  }
0x7d: {  	[hbm:s15], [sflag:s0] =	dma.local [spmem:s25], $0x800  }
0x7e: {  	s2 =	sadd.s32 $0x1, s2;
	_ =	swait.ge [sflag:s19], $0x800  }
0x7f: {  	p0 =	sne.s32 s2, s17;
	[sflag:s19] =	ssyncset.done $0x0  }
.Ltmp3:
0x80: {  	s31 =	sshrl.u32 s10, $0x3;
	[sflag:s19] =	ssyncadd.s32 $0xFFFFF800;
	(pc) =	sbr.rel @p0 .LBB2_1-.Ltmp3, $4  }
0x81: {  	[hbm:s16], [sflag:s0] =	dma.local [spmem:s31], $0x800  }
0x82: {  	_ =	swait.ge [sflag:s19], $0x800  }
0x83: {  	[sflag:s19] =	ssyncset.done $0x0  }
0x84: {  	[sflag:s19] =	ssyncadd.s32 $0xFFFFF800  }
0x85: {  	_ =	sfence.sel $0x180000  }
0x86: {  	[bflag:$0x0] =	sbarrier.arrive $0xFFFF  }
0x87: {  	_ =	strace $0x9000004A  }
0x88: {  	s0 =	stileid.u32;
	[bflag:$0x2] =	sbarrier.arrive $0xFFFF  }
0x89: {  	p0 =	sne.s32 s0, $0x0;
	s0 =	rddreg [dreg:$0x2]  }
0x8a: {  	s0 =	sadd.s32 @!p0 $0x100000, s0  }
0x8b: {  	[sflag:s0] =	ssyncadd.tile.s32 @!p0 $0x1;
	_ =	shalt  }
.Lfunc_end2:
_tile_overlayer_lowered:
.L_overlay_start_2:
0x8c: {  	(tag) =	ssettag $0x2  }
0x8d: {  	s0 =	rddreg [dreg:$0x0];
	s2 =	stileid.u32  }
0x8e: {  	s1 =	rddreg [dreg:$0x1];
	p0 =	sne.s32 s2, $0x0  }
0x8f: {  	s3 =	rddreg [dreg:$0x2];
	[bflag:$0x3] =	sbarrier.arrive $0xFFFF;
	s2 =	simm.s32 @!p0 $0x1C02  }
0x90: {  	[timem:s3], [sflag:s2] =	dma.local @!p0 [hbm:s0], s1  }
0x91: {  	s0 =	simm.s32 @!p0 $0x2  }
0x92: {  	_ =	swait.ge @!p0 [sflag:s0], s1  }
0x93: {  	s1 =	ssub.s32 @!p0 $0x0, s1;
	[sflag:s0] =	ssyncset.done @!p0 $0x0  }
0x94: {  	[sflag:s0] =	ssyncadd.s32 @!p0 s1  }
0x95: {  	[bflag:$0x3] =	sbarrier.arrive $0xFFFF  }
0x96: {  	_ =	shalt  }

// kernel: kernel.16.cloned.1.call-start
scs
__scs_entry_jumppad:
0x0: {  	(pc) =	sbr.rel $0x88, $3  }
0x1: {  	(tag) =	ssettag $0x0;
	lr =	simm.s32 $0x1  }
0x2: {  	[smem:$0x3F94] =	sst lr;
	_ =	strace $0xD0000000  }
0x3: {  	_ = 	snop  }
0x4: {  	_ = 	snop  }
0x5: {  	_ = 	snop  }
0x6: {  	_ = 	snop  }
0x7: {  	_ = 	snop  }
__scs_overlays_trampoline_lowered:
0x8: {  	[smem:$0x3FA3] =	sst s0  }
0x9: {  	[smem:$0x3FA4] =	sst s1  }
0xa: {  	[smem:$0x3FA5] =	sst s2  }
0xb: {  	[smem:$0x3FA6] =	sst s3  }
0xc: {  	[smem:$0x3FA7] =	sst s4  }
0xd: {  	[smem:$0x3FA8] =	sst s5  }
0xe: {  	[smem:$0x3FA9] =	sst s6  }
0xf: {  	[smem:$0x3FAA] =	sst s7  }
0x10: {  	[smem:$0x3FAB] =	sst s8  }
0x11: {  	[smem:$0x3FAC] =	sst s9;
	s0 =	simm.s32 @!p0 $0x0  }
0x12: {  	s1 =	sld [smem:$0x3F92];
	s0 =	simm.s32 @p0 $0x1  }
0x13: {  	[smem:$0x3FAD] =	sst s0;
	s0 =	simm.s32 @!p1 $0x0  }
0x14: {  	s2 =	sld [smem:$0x3F91];
	s0 =	simm.s32 @p1 $0x1  }
0x15: {  	[smem:$0x3FAE] =	sst s0;
	s0 =	simm.s32 @!p2 $0x0  }
0x16: {  	s3 =	sld [smem:$0x3FDB];
	s0 =	simm.s32 @p2 $0x1  }
0x17: {  	s4 =	simm.s32 $0x1BF5;
	[smem:$0x3FB0] =	sst s0  }
0x18: {  	s0 =	sld [smem:$0x3F93];
	_ =	swait.ge [sflag:s4], $0x0  }
0x19: {  	s7 =	sld [smem:$0x3F94]  }
0x1a: {  	s8 =	sadd.s32 $0xFFFFE003, lr  }
0x1b: {  	s9 =	sadd.s32 $0xFFFFFEF7, lr;
	s5 =	simm.s32 $0xFFFFFFFF;
	p2 =	slt.u32 s8, $0xFFFFF086  }
0x1c: {  	p1 =	slt.u32 s9, $0xF7A;
	s5 =	simm.s32 @!p2 $0x0  }
0x1d: {  	s5 =	simm.s32 @p1 $0x1;
	p0 =	seq.s32 s7, s2  }
0x1e: {  	s7 =	smul.u32 @!p0 $0xF7A, s2;
	p2 =	seq.s32 @!p0 s5, $0x0  }
0x1f: {  	s9 =	smul.u32 $0xF7A, s1;
	s8 =	simm.s32 @!p0 $0x1BF5;
	p2 =	por !p2, p0  }
0x20: {  	[sflag:s8] =	ssyncset.s32 @!p0 $0xFFFFF086;
	s6 =	sadd.s32 @!p0 s3, s7;
	s7 =	simm.s32 @!p0 $0x108  }
0x21: {  	s3 =	sadd.s32 s3, s9;
	s6 =	sadd.s32 @!p0 $0x88, s6;
	s7 =	simm.s32 @p2 $0x1082  }
0x22: {  	[simem:s7], [sflag:s8] =	dma.local @!p0 [hbm:s6], $0xF7A  }
0x23: {  	s9 =	sor.u32 $0xD0000000, s2;
	s6 =	simm.s32 $0x108;
	_ =	swait.ge @!p0 [sflag:s8], $0x0  }
0x24: {  	s3 =	sadd.s32 $0x88, s3;
	s6 =	simm.s32 @!p1 $0x1082;
	[sflag:s4] =	ssyncset.s32 $0xFFFFF086  }
0x25: {  	[simem:s6], [sflag:s4] =	dma.local [hbm:s3], $0xF7A  }
0x26: {  	[smem:$0x3F94] =	sst s1;
	(tag) =	ssettag s2;
	_ =	strace s9  }
0x27: {  	s1 =	sld [smem:$0x3FA4]  }
0x28: {  	s2 =	sld [smem:$0x3FA5]  }
0x29: {  	s4 =	sld [smem:$0x3FA7]  }
0x2a: {  	p0 =	seq.s32 s5, $0x0;
	s5 =	sld [smem:$0x3FA8]  }
0x2b: {  	s6 =	sld [smem:$0x3FA9]  }
0x2c: {  	s7 =	sld [smem:$0x3FAA]  }
0x2d: {  	s3 =	simm.s32 $0x108;
	s8 =	sld [smem:$0x3FAB]  }
0x2e: {  	s3 =	simm.s32 @!p0 $0x1082;
	s9 =	sld [smem:$0x3FAC]  }
0x2f: {  	lr =	sadd.s32 s0, s3;
	s0 =	sld [smem:$0x3FA3]  }
0x30: {  	s3 =	sld [smem:$0x3FA6]  }
0x31: {  	[smem:$0x3FAF] =	sst s10  }
0x32: {  	s10 =	sld [smem:$0x3FAD];
	_ =	sdelay $0x3  }
0x33: {  	p0 =	seq.s32 s10, $0x1;
	s10 =	sld [smem:$0x3FAF];
	_ =	sdelay $0x3  }
0x34: {  	[smem:$0x3FAF] =	sst s10  }
0x35: {  	s10 =	sld [smem:$0x3FAE];
	_ =	sdelay $0x3  }
0x36: {  	p1 =	seq.s32 s10, $0x1;
	s10 =	sld [smem:$0x3FAF];
	_ =	sdelay $0x3  }
0x37: {  	[smem:$0x3FAF] =	sst s10  }
0x38: {  	s10 =	sld [smem:$0x3FB0]  }
0x39: {  	_ = 	snop;
	(pc) =	sbr.ind lr, $3  }
0x3a: {  	_ = 	snop  }
0x3b: {  	_ = 	snop  }
0x3c: {  	p2 =	seq.s32 s10, $0x1;
	s10 =	sld [smem:$0x3FAF]  }
0x3d: {  	_ =	shalt  }
0x3e: {  	_ =	shalt  }
0x3f: {  	_ =	shalt  }
0x40: {  	_ =	shalt  }
0x41: {  	_ =	shalt  }
0x42: {  	_ =	shalt  }
0x43: {  	_ =	shalt  }
0x44: {  	_ =	shalt  }
0x45: {  	_ =	shalt  }
0x46: {  	_ =	shalt  }
0x47: {  	_ =	shalt  }
0x48: {  	_ =	shalt  }
0x49: {  	_ =	shalt  }
0x4a: {  	_ =	shalt  }
0x4b: {  	_ =	shalt  }
0x4c: {  	_ =	shalt  }
0x4d: {  	_ =	shalt  }
0x4e: {  	_ =	shalt  }
0x4f: {  	_ =	shalt  }
0x50: {  	_ =	shalt  }
0x51: {  	_ =	shalt  }
0x52: {  	_ =	shalt  }
0x53: {  	_ =	shalt  }
0x54: {  	_ =	shalt  }
0x55: {  	_ =	shalt  }
0x56: {  	_ =	shalt  }
0x57: {  	_ =	shalt  }
0x58: {  	_ =	shalt  }
0x59: {  	_ =	shalt  }
0x5a: {  	_ =	shalt  }
0x5b: {  	_ =	shalt  }
0x5c: {  	_ =	shalt  }
0x5d: {  	_ =	shalt  }
0x5e: {  	_ =	shalt  }
0x5f: {  	_ =	shalt  }
0x60: {  	_ =	shalt  }
0x61: {  	_ =	shalt  }
0x62: {  	_ =	shalt  }
0x63: {  	_ =	shalt  }
0x64: {  	_ =	shalt  }
0x65: {  	_ =	shalt  }
0x66: {  	_ =	shalt  }
0x67: {  	_ =	shalt  }
0x68: {  	_ =	shalt  }
0x69: {  	_ =	shalt  }
0x6a: {  	_ =	shalt  }
0x6b: {  	_ =	shalt  }
0x6c: {  	_ =	shalt  }
0x6d: {  	_ =	shalt  }
0x6e: {  	_ =	shalt  }
0x6f: {  	_ =	shalt  }
0x70: {  	_ =	shalt  }
0x71: {  	_ =	shalt  }
0x72: {  	_ =	shalt  }
0x73: {  	_ =	shalt  }
0x74: {  	_ =	shalt  }
0x75: {  	_ =	shalt  }
0x76: {  	_ =	shalt  }
0x77: {  	_ =	shalt  }
0x78: {  	_ =	shalt  }
0x79: {  	_ =	shalt  }
0x7a: {  	_ =	shalt  }
0x7b: {  	_ =	shalt  }
0x7c: {  	_ =	shalt  }
0x7d: {  	_ =	shalt  }
0x7e: {  	_ =	shalt  }
0x7f: {  	_ =	shalt  }
0x80: {  	_ =	shalt  }
0x81: {  	_ =	shalt  }
0x82: {  	_ =	shalt  }
0x83: {  	_ =	shalt  }
0x84: {  	_ =	shalt  }
0x85: {  	_ =	shalt  }
0x86: {  	_ =	shalt  }
0x87: {  	_ =	shalt  }
.Lfunc_end0:
.L_simem_size_0:
called_computation.2_lowered:
.L_overlay_start_0:
0x88: {  	s2 =	sld [smem:$0x3FD9]  }
0x89: {  	s3 =	sld [smem:$0x3FFE];
	_ =	sdelay $0x1  }
0x8a: {  	s1 =	srdreg.scid  }
0x8b: {  	s0 =	sand.u32 $0x1, s1  }
0x8c: {  	s16 =	sshll.u32 s0, $0xA;
	s2 =	sadd.s32 s3, s2  }
0x8d: {  	s2 =	sadd.s32 s2, s16  }
0x8e: {  	[smem:$0x3FBB] =	sst s2  }
0x8f: {  	_ = 	snop  }
0x90: {  	(tm) =	ssettm $0x1  }
0x91: {  	s17 =	sld [smem:$0x3FFB];
	_ =	sdelay $0x3  }
0x92: {  	_ =	strace s17  }
0x93: {  	s2 =	sld [smem:$0x3FFC];
	_ =	sdelay $0x3  }
0x94: {  	_ =	strace s2  }
0x95: {  	s2 =	sld [smem:$0x3FFD];
	_ =	sdelay $0x3  }
0x96: {  	_ =	strace s2  }
0x97: {  	_ =	strace $0x8FFFFFFF  }
0x98: {  	s18 =	sld [smem:$0x3FDB];
	_ =	sdelay $0x1  }
0x99: {  	s19 =	simm.s32 $_scs_section_size  }
0x9a: {  	s4 =	simm.s32 $_size__tile_overlayer_lowered;
	s5 =	simm.s32 $_tile_overlayer_lowered  }
0x9b: {  	s22 =	simm.s32 $0x1BFF;
	s21 =	sshll.u32 s5, $0x1;
	s2 =	sadd.s32 s19, s18  }
0x9c: {  	s6 =	simm.s32 $0x0;
	s20 =	sshll.u32 s4, $0x1;
	s4 =	sadd.s32 s21, s2  }
0x9d: {  	[timem:s6], [sflag:s22] =	dma.local [hbm:s4], s20  }
0x9e: {  	_ =	swait.ge [sflag:s22], s20  }
0x9f: {  	s3 =	ssub.s32 $0x0, s20;
	[sflag:s22] =	ssyncset.done $0x0  }
0xa0: {  	[sflag:s22] =	ssyncadd.s32 s3;
	_ =	sdelay $0x1  }
0xa1: {  	s23 =	simm.s32 $0x1B8B  }
0xa2: {  	_ =	swait.ge [sflag:s23], $0x1  }
0xa3: {  	[sflag:s23] =	ssyncset.done $0x0  }
0xa4: {  	s25 =	simm.s32 $0x1B8E;
	s24 =	sld [smem:$0x3FFE];
	[sflag:s23] =	ssyncadd.s32 $0xFFFFFFFF  }
0xa5: {  	s26 =	simm.s32 $execute0_lowered;
	[smem:$0x3FD2] =	sst s25  }
0xa6: {  	s4 =	sshll.u32 s26, $0x1;
	_ =	strace $0x8000004C;
	[dreg:$0x1] =	wrdreg $0xFFFFFFFF  }
0xa7: {  	s28 =	simm.s32 $_size_execute0_lowered;
	s2 =	sadd.s32 s2, s4;
	[dreg:$0x0] =	wrdreg $0x0  }
0xa8: {  	s4 =	sshll.u32 s28, $0x1;
	[dreg:$0x2] =	wrdreg s2  }
0xa9: {  	[dreg:$0x3] =	wrdreg s4  }
0xaa: {  	[dreg:$0x4] =	wrdreg $0xC0  }
0xab: {  	_ =	task [dreg:s6], $0x5FFFF  }
0xac: {  	[dreg:$0x1] =	wrdreg $0xFFFFFFFF  }
0xad: {  	[dreg:$0x0] =	wrdreg $0x60  }
0xae: {  	[dreg:$0x2] =	wrdreg s24  }
0xaf: {  	[dreg:$0x3] =	wrdreg $0x0  }
0xb0: {  	[dreg:$0x4] =	wrdreg $0x9  }
0xb1: {  	_ =	task.clear_ibuf [dreg:s6], $0x5FFFF;
	_ =	strace $0x9000004C  }
0xb2: {  	s29 =	simm.s32 $0x9;
	_ =	strace $0x8000004E  }
0xb3: {  	_ =	swait.ge [sflag:s29], $0x1  }
0xb4: {  	[sflag:s29] =	ssyncadd.s32 $0xFFFFFFFF  }
0xb5: {  	_ =	strace $0x9000004E  }
0xb6: {  	_ =	sfence  }
0xb7: {  	s30 =	sld [smem:$0x0];
	_ =	sdelay $0x2  }
0xb8: {  	s31 =	sshll.u32 s1, $0xD;
	s1 =	sshrl.u32 s1, $0x2  }
0xb9: {  	s3 =	sand.u32 $0x4000, s31;
	s1 =	sadd.s32 s1, s30  }
0xba: {  	s0 =	sor.u32 s3, s0;
	s1 =	sshll.u32 s1, $0x11  }
0xbb: {  	s0 =	sor.u32 s1, s0  }
0xbc: {  	s0 =	sadd.s32 $0x8F2B, s0  }
0xbd: {  	[sflag:s0] =	ssyncadd.remote.s32 $0x1  }
0xbe: {  	_ =	sfence.sel $0xFFFF  }
0xbf: {  	[dreg:$0x0] =	wrdreg $0xFFFFFFFF;
	(pc) =	sbr.abs _section_cstart, $3  }
0xc0: {  	[dreg:$0x1] =	wrdreg $0xFFFFFFFF  }
0xc1: {  	_ =	task.clear_ibuf [dreg:s6], $0x2FFFF;
	_ =	strace $0x9FFFFFFF  }
0xc2: {  	(tm) =	ssettm $0x7FFFFFFF  }
0xc3: {  	_ =	shalt  }
tec
execute0_lowered:
.L_overlay_start_1:
0x0: {  	(tag) =	ssettag $0x1  }
0x1: {  	s0 =	rddreg [dreg:$0x0]  }
0x2: {  	s1 =	rddreg [dreg:$0x1];
	s2 =	simm.s32 $0x0  }
0x3: {  	s8 =	srdreg.scid;
	s4 =	stileid.u32;
	s21 =	simm.s32 $0x80  }
0x4: {  	s22 =	simm.s32 $0x14080;
	s23 =	simm.s32 $0x14100;
	[smem:$0x7FF] =	sst s2  }
0x5: {  	s3 =	sadd.s32 $0x21600, s0;
	s5 =	sadd.s32 $0x3C00, s0;
	s6 =	sadd.s32 $0x17800, s0  }
0x6: {  	s7 =	sadd.s32 $0xDA00, s0;
	s9 =	sand.u32 $0x1, s8;
	s10 =	smul.u32 $0x50000, s4  }
0x7: {  	s0 =	sadd.s32 $0x48800, s0;
	s12 =	sshll.u32 s4, $0x1;
	s14 =	smul.u32 $0x14000, s4  }
0x8: {  	_ =	strace $0x8000004D;
	s8 =	ssub.s32 $0x2, s9;
	s26 =	sor.u32 s9, s12  }
0x9: {  	s16 =	smul.u32 $0x140000, s9;
	s11 =	sshrl.u32 s8, $0x1;
	s28 =	sshrl.u32 s10, $0x2  }
0xa: {  	s15 =	sadd.s32 $0x8000, s14;
	s18 =	sadd.s32 $0x10000, s14;
	s19 =	sadd.s32 $0x4000, s14  }
0xb: {  	s20 =	sadd.s32 $0xC000, s14;
	s17 =	ssub.s32 s8, s11;
	s8 =	sadd.s32 s28, s1  }
0xc: {  	s9 =	sadd.s32 s15, s1;
	s10 =	sadd.s32 s18, s1;
	s29 =	sadd.s32 s14, s16  }
0xd: {  	s13 =	sadd.s32 s16, s19;
	s11 =	smul.u32 $0x4F, s26;
	s24 =	sadd.s32 s19, s1  }
0xe: {  	s30 =	sadd.s32 s16, s15;
	s31 =	sadd.s32 s16, s20;
	s16 =	sadd.s32 s16, s18  }
0xf: {  	s25 =	sadd.s32 s20, s1;
	s18 =	simm.s32 $0x14200;
	s19 =	simm.s32 $0x2  }
0x10: {  	s20 =	simm.s32 $0x14000;
	s26 =	simm.s32 $0x1;
	s12 =	sshrl.u32 s29, $0x3  }
0x11: {  	s13 =	sshrl.u32 s13, $0x3;
	s14 =	sshrl.u32 s30, $0x3;
	s15 =	sshrl.u32 s31, $0x3  }
0x12: {  	s16 =	sshrl.u32 s16, $0x3;
	s17 =	smax.u32 s17, $0x1;
	s24 =	sshrl.u32 s24, $0x3  }
0x13: {  	s25 =	sshrl.u32 s25, $0x3;
	s12 =	sadd.s32 s0, s12;
	s13 =	sadd.s32 s0, s13  }
0x14: {  	v0 =	vimm.f32 $0.0e+00;
	s14 =	sadd.s32 s0, s14;
	s15 =	sadd.s32 s0, s15;
	s16 =	sadd.s32 s0, s16  }
.LBB2_1:
0x15: {  	s0 =	simm.s32 $0x0;
	s28 =	simm.s32 $0x200  }
.LBB2_2:
0x16: {  	p0 =	sne.s32 s28, $0x1FE00;
	[tilespmem:s0+$0x14270] =	vst v0  }
0x17: {  	[tilespmem:s0+$0x14200] =	vst v0  }
0x18: {  	[tilespmem:s0+$0x14210] =	vst v0  }
.Ltmp0:
0x19: {  	[tilespmem:s0+$0x14220] =	vst v0;
	(pc) =	sbr.rel @p0 .LBB2_2-.Ltmp0, $4  }
0x1a: {  	[tilespmem:s0+$0x14230] =	vst v0  }
0x1b: {  	[tilespmem:s0+$0x14240] =	vst v0  }
0x1c: {  	[tilespmem:s0+$0x14250] =	vst v0  }
0x1d: {  	[tilespmem:s0+$0x14260] =	vst v0;
	s0 =	sshra.s32 s28, $0x2;
	s28 =	sadd.s32 $0x200, s28  }
0x1e: {  	[tilespmem:s0+$0x14270] =	vst v0  }
0x1f: {  	[tilespmem:s0+$0x14200] =	vst v0  }
0x20: {  	[tilespmem:s0+$0x14210] =	vst v0  }
0x21: {  	[tilespmem:s0+$0x14220] =	vst v0  }
0x22: {  	[tilespmem:s0+$0x14230] =	vst v0  }
0x23: {  	[tilespmem:s0+$0x14240] =	vst v0  }
0x24: {  	[tilespmem:s0+$0x14250] =	vst v0  }
0x25: {  	[tilespmem:s0+$0x14260] =	vst v0  }
0x26: {  	[spmem:s8] =	stream.linear.scatter [tilespmem:s18], [sflag:$0x2], $0x8000, $0x38;
	[tilespmem:$0x1C200] =	vst v63  }
0x27: {  	_ =	swait.ge [sflag:s19], $0x8000  }
0x28: {  	[sflag:s19] =	ssyncset.done $0x0  }
0x29: {  	[sflag:s19] =	ssyncadd.s32 $0xFFFF8000  }
0x2a: {  	[spmem:s9] =	stream.linear.scatter [tilespmem:s18], [sflag:$0x2], $0x8000, $0x38;
	[tilespmem:$0x1C200] =	vst v63  }
0x2b: {  	_ =	swait.ge [sflag:s19], $0x8000  }
0x2c: {  	[sflag:s19] =	ssyncset.done $0x0  }
0x2d: {  	[sflag:s19] =	ssyncadd.s32 $0xFFFF8000  }
0x2e: {  	[spmem:s10] =	stream.linear.scatter [tilespmem:s18], [sflag:$0x2], $0x4000, $0x38;
	[tilespmem:$0x1C200] =	vst v63  }
0x2f: {  	_ =	swait.ge [sflag:s19], $0x4000  }
0x30: {  	[sflag:s19] =	ssyncset.done $0x0  }
0x31: {  	[sflag:s19] =	ssyncadd.s32 $0xFFFFC000  }
0x32: {  	s28 =	simm.s32 $0x0;
	s29 =	simm.s32 $0x0;
	[bflag:$0x0] =	sbarrier.arrive $0xFFFF  }
.LBB2_4:
0x33: {  	s0 =	sadd.s32 s11, s29  }
0x34: {  	s0 =	sshll.u32 s0, $0x4  }
0x35: {  	s30 =	sadd.s32 s6, s0  }
0x36: {  	[tilespmem:s20], [sflag:$0x2] =	stream.linear.gather [hbm4b:s30+s28], $0x80, $0x38;
	[tilespmem:$0x1C200] =	vst v63  }
0x37: {  	_ =	swait.ge [sflag:s19], $0x80  }
0x38: {  	[sflag:s19] =	ssyncset.done $0x0  }
0x39: {  	[sflag:s19] =	ssyncadd.s32 $0xFFFFFF80  }
0x3a: {  	[tilespmem:s18], [sflag:$0x1] =	stream.indirect.gather [hbm4b:s3+s21], $0x80, s20, s21, $0xb8;
	[tilespmem:$0x1C200] =	vst v63  }
0x3b: {  	s30 =	sadd.s32 s5, s0  }
0x3c: {  	[tilespmem:s22], [sflag:$0x2] =	stream.linear.gather [hbm4b:s30+s28], $0x80, $0x38;
	[tilespmem:$0x1C200] =	vst v63  }
0x3d: {  	_ =	swait.ge [sflag:s19], $0x80  }
0x3e: {  	[sflag:s19] =	ssyncset.done $0x0  }
0x3f: {  	s0 =	sadd.s32 s7, s0;
	[sflag:s19] =	ssyncadd.s32 $0xFFFFFF80  }
0x40: {  	[tilespmem:s23], [sflag:$0x2] =	stream.linear.gather [hbm4b:s0+s28], $0x80, $0x38;
	[tilespmem:$0x1C200] =	vst v63  }
0x41: {  	_ =	swait.ge [sflag:s19], $0x80  }
0x42: {  	[sflag:s19] =	ssyncset.done $0x0  }
0x43: {  	[sflag:s19] =	ssyncadd.s32 $0xFFFFFF80  }
0x44: {  	_ =	swait.ge [sflag:s26], $0x4000  }
0x45: {  	[sflag:s26] =	ssyncset.done $0x0  }
0x46: {  	s30 =	simm.s32 $0x14240;
	[sflag:s26] =	ssyncadd.s32 $0xFFFFC000  }
0x47: {  	v5 =	vld [tilespmem:s30+$0x30]  }
0x48: {  	v8 =	vld [tilespmem:s30+$0x10]  }
0x49: {  	s4 =	simm.s32 $0x0;
	v6 =	vld [tilespmem:s30+$0xFFFFFFC0]  }
0x4a: {  	v2 =	vld.msk [tilespmem:s4+$0x14100 ss:$0x0], $0xffff  }
0x4b: {  	v10 =	vld [tilespmem:s30+$0xFFFFFFE0]  }
0x4c: {  	v1 =	vld [tilespmem:s30+$0xFFFFFFF0]  }
0x4d: {  	v3 =	vld [tilespmem:s30+$0x20]  }
0x4e: {  	v4 =	vld [tilespmem:s30+$0xFFFFFFD0]  }
0x4f: {  	v9 =	vmul.f32 v5, v2;
	v5 =	vld [tilespmem:s30+$0x0]  }
0x50: {  	v7 =	vmul.f32 v2, v6  }
0x51: {  	s31 =	simm.s32 $0x4;
	s0 =	simm.s32 $0x14240;
	v6 =	vmul.f32 v10, v2;
	v8 =	vmul.f32 v8, v2  }
.LBB2_5:
0x52: {  	p0 =	sne.s32 s31, $0x1FC  }
0x53: {  	v4 =	vmul.f32 v4, v2;
	v3 =	vmul.f32 v3, v2;
	[tilespmem:s30+$0x30] =	vst v9;
	s0 =	sadd.s32 $0x80, s0;
	s4 =	smov.u32 s31;
	s31 =	sadd.s32 $0x4, s31  }
0x54: {  	[tilespmem:s30+$0xFFFFFFC0] =	vst v7;
	v7 =	vmul.f32 v1, v2;
	v2 =	vmul.f32 v5, v2  }
0x55: {  	[tilespmem:s30+$0x10] =	vst v8  }
0x56: {  	[tilespmem:s30+$0xFFFFFFE0] =	vst v6  }
0x57: {  	v1 =	vld [tilespmem:s0+$0xFFFFFFF0];
	[tilespmem:s30+$0xFFFFFFF0] =	vst v7  }
0x58: {  	v6 =	vld [tilespmem:s0+$0x30];
	[tilespmem:s30+$0x0] =	vst v2  }
0x59: {  	v8 =	vld [tilespmem:s0+$0x10];
	[tilespmem:s30+$0x20] =	vst v3  }
0x5a: {  	s4 =	sshra.s32 s4, $0x2;
	v7 =	vld [tilespmem:s0+$0xFFFFFFC0];
	[tilespmem:s30+$0xFFFFFFD0] =	vst v4;
	s30 =	smov.u32 s0  }
0x5b: {  	v2 =	vld.msk [tilespmem:s4+$0x14100 ss:$0x0], $0xffff  }
0x5c: {  	v10 =	vld [tilespmem:s0+$0xFFFFFFE0]  }
0x5d: {  	v3 =	vld [tilespmem:s0+$0x20]  }
.Ltmp1:
0x5e: {  	v4 =	vld [tilespmem:s0+$0xFFFFFFD0];
	(pc) =	sbr.rel @p0 .LBB2_5-.Ltmp1, $3  }
0x5f: {  	v5 =	vld [tilespmem:s0+$0x0];
	_ =	sdelay $0x1  }
0x60: {  	v7 =	vmul.f32 v2, v7;
	v9 =	vmul.f32 v6, v2  }
0x61: {  	v8 =	vmul.f32 v8, v2;
	v6 =	vmul.f32 v10, v2  }
0x62: {  	[tilespmem:s30+$0x30] =	vst v9  }
0x63: {  	[tilespmem:s30+$0xFFFFFFC0] =	vst v7  }
0x64: {  	v1 =	vmul.f32 v1, v2;
	[tilespmem:s30+$0x10] =	vst v8  }
0x65: {  	v3 =	vmul.f32 v3, v2;
	[tilespmem:s30+$0xFFFFFFE0] =	vst v6  }
0x66: {  	v5 =	vmul.f32 v5, v2;
	[tilespmem:s30+$0xFFFFFFF0] =	vst v1  }
0x67: {  	s29 =	sadd.s32 $0x1, s29;
	v1 =	vmul.f32 v4, v2;
	[tilespmem:s30+$0x20] =	vst v3  }
0x68: {  	p0 =	sne.s32 s29, $0x4F;
	[tilespmem:s30+$0x0] =	vst v5  }
.Ltmp2:
0x69: {  	[tilespmem:s30+$0xFFFFFFD0] =	vst v1;
	(pc) =	sbr.rel @p0 .LBB2_4-.Ltmp2, $4  }
0x6a: {  	[spmem:s1] =	stream.indirect.scatter.add.f32 [tilespmem:s18], [sflag:$0x2], $0x80, s22, s21, $0xb8;
	[tilespmem:$0x1C200] =	vst v63  }
0x6b: {  	_ =	swait.ge [sflag:s19], $0x4000  }
0x6c: {  	[sflag:s19] =	ssyncset.done $0x0  }
0x6d: {  	[sflag:s19] =	ssyncadd.s32 $0xFFFFC000  }
0x6e: {  	s0 =	stileid.u32  }
0x6f: {  	s0 =	sshll.u32 s0, $0x6  }
0x70: {  	[bflag:$0x0] =	sbarrier.arrive $0xFFFF;
	s4 =	sshrl.u32 s8, $0x3;
	s0 =	sor.u32 $0x1C02, s0  }
0x71: {  	[hbm:s12], [sflag:s0] =	dma.local [spmem:s4], $0x800  }
0x72: {  	_ =	swait.ge [sflag:s19], $0x800  }
0x73: {  	[sflag:s19] =	ssyncset.done $0x0  }
0x74: {  	[sflag:s19] =	ssyncadd.s32 $0xFFFFF800  }
0x75: {  	[hbm:s13], [sflag:s0] =	dma.local [spmem:s24], $0x800  }
0x76: {  	_ =	swait.ge [sflag:s19], $0x800  }
0x77: {  	[sflag:s19] =	ssyncset.done $0x0  }
0x78: {  	s30 =	sshrl.u32 s9, $0x3;
	[sflag:s19] =	ssyncadd.s32 $0xFFFFF800  }
0x79: {  	[hbm:s14], [sflag:s0] =	dma.local [spmem:s30], $0x800  }
0x7a: {  	_ =	swait.ge [sflag:s19], $0x800  }
0x7b: {  	[sflag:s19] =	ssyncset.done $0x0  }
0x7c: {  	[sflag:s19] =	ssyncadd.s32 $0xFFFFF800  }
0x7d: {  	[hbm:s15], [sflag:s0] =	dma.local [spmem:s25], $0x800  }
0x7e: {  	s2 =	sadd.s32 $0x1, s2;
	_ =	swait.ge [sflag:s19], $0x800  }
0x7f: {  	p0 =	sne.s32 s2, s17;
	[sflag:s19] =	ssyncset.done $0x0  }
.Ltmp3:
0x80: {  	s31 =	sshrl.u32 s10, $0x3;
	[sflag:s19] =	ssyncadd.s32 $0xFFFFF800;
	(pc) =	sbr.rel @p0 .LBB2_1-.Ltmp3, $4  }
0x81: {  	[hbm:s16], [sflag:s0] =	dma.local [spmem:s31], $0x800  }
0x82: {  	_ =	swait.ge [sflag:s19], $0x800  }
0x83: {  	[sflag:s19] =	ssyncset.done $0x0  }
0x84: {  	[sflag:s19] =	ssyncadd.s32 $0xFFFFF800  }
0x85: {  	_ =	sfence.sel $0x180000  }
0x86: {  	[bflag:$0x0] =	sbarrier.arrive $0xFFFF  }
0x87: {  	_ =	strace $0x9000004D  }
0x88: {  	s0 =	stileid.u32;
	[bflag:$0x2] =	sbarrier.arrive $0xFFFF  }
0x89: {  	p0 =	sne.s32 s0, $0x0;
	s0 =	rddreg [dreg:$0x2]  }
0x8a: {  	s0 =	sadd.s32 @!p0 $0x100000, s0  }
0x8b: {  	[sflag:s0] =	ssyncadd.tile.s32 @!p0 $0x1;
	_ =	shalt  }
.Lfunc_end2:
_tile_overlayer_lowered:
.L_overlay_start_2:
0x8c: {  	(tag) =	ssettag $0x2  }
0x8d: {  	s0 =	rddreg [dreg:$0x0];
	s2 =	stileid.u32  }
0x8e: {  	s1 =	rddreg [dreg:$0x1];
	p0 =	sne.s32 s2, $0x0  }
0x8f: {  	s3 =	rddreg [dreg:$0x2];
	[bflag:$0x3] =	sbarrier.arrive $0xFFFF;
	s2 =	simm.s32 @!p0 $0x1C02  }
0x90: {  	[timem:s3], [sflag:s2] =	dma.local @!p0 [hbm:s0], s1  }
0x91: {  	s0 =	simm.s32 @!p0 $0x2  }
0x92: {  	_ =	swait.ge @!p0 [sflag:s0], s1  }
0x93: {  	s1 =	ssub.s32 @!p0 $0x0, s1;
	[sflag:s0] =	ssyncset.done @!p0 $0x0  }
0x94: {  	[sflag:s0] =	ssyncadd.s32 @!p0 s1  }
0x95: {  	[bflag:$0x3] =	sbarrier.arrive $0xFFFF  }
0x96: {  	_ =	shalt  }

// kernel: kernel.19.cloned.1.call-start
scs
__scs_entry_jumppad:
0x0: {  	(pc) =	sbr.rel $0x88, $3  }
0x1: {  	(tag) =	ssettag $0x0;
	lr =	simm.s32 $0x1  }
0x2: {  	[smem:$0x3F94] =	sst lr;
	_ =	strace $0xD0000000  }
0x3: {  	_ = 	snop  }
0x4: {  	_ = 	snop  }
0x5: {  	_ = 	snop  }
0x6: {  	_ = 	snop  }
0x7: {  	_ = 	snop  }
__scs_overlays_trampoline_lowered:
0x8: {  	[smem:$0x3FA3] =	sst s0  }
0x9: {  	[smem:$0x3FA4] =	sst s1  }
0xa: {  	[smem:$0x3FA5] =	sst s2  }
0xb: {  	[smem:$0x3FA6] =	sst s3  }
0xc: {  	[smem:$0x3FA7] =	sst s4  }
0xd: {  	[smem:$0x3FA8] =	sst s5  }
0xe: {  	[smem:$0x3FA9] =	sst s6  }
0xf: {  	[smem:$0x3FAA] =	sst s7  }
0x10: {  	[smem:$0x3FAB] =	sst s8  }
0x11: {  	[smem:$0x3FAC] =	sst s9;
	s0 =	simm.s32 @!p0 $0x0  }
0x12: {  	s1 =	sld [smem:$0x3F92];
	s0 =	simm.s32 @p0 $0x1  }
0x13: {  	[smem:$0x3FAD] =	sst s0;
	s0 =	simm.s32 @!p1 $0x0  }
0x14: {  	s2 =	sld [smem:$0x3F91];
	s0 =	simm.s32 @p1 $0x1  }
0x15: {  	[smem:$0x3FAE] =	sst s0;
	s0 =	simm.s32 @!p2 $0x0  }
0x16: {  	s3 =	sld [smem:$0x3FDB];
	s0 =	simm.s32 @p2 $0x1  }
0x17: {  	s4 =	simm.s32 $0x1BF5;
	[smem:$0x3FB0] =	sst s0  }
0x18: {  	s0 =	sld [smem:$0x3F93];
	_ =	swait.ge [sflag:s4], $0x0  }
0x19: {  	s7 =	sld [smem:$0x3F94]  }
0x1a: {  	s8 =	sadd.s32 $0xFFFFE003, lr  }
0x1b: {  	s9 =	sadd.s32 $0xFFFFFEF7, lr;
	s5 =	simm.s32 $0xFFFFFFFF;
	p2 =	slt.u32 s8, $0xFFFFF086  }
0x1c: {  	p1 =	slt.u32 s9, $0xF7A;
	s5 =	simm.s32 @!p2 $0x0  }
0x1d: {  	s5 =	simm.s32 @p1 $0x1;
	p0 =	seq.s32 s7, s2  }
0x1e: {  	s7 =	smul.u32 @!p0 $0xF7A, s2;
	p2 =	seq.s32 @!p0 s5, $0x0  }
0x1f: {  	s9 =	smul.u32 $0xF7A, s1;
	s8 =	simm.s32 @!p0 $0x1BF5;
	p2 =	por !p2, p0  }
0x20: {  	[sflag:s8] =	ssyncset.s32 @!p0 $0xFFFFF086;
	s6 =	sadd.s32 @!p0 s3, s7;
	s7 =	simm.s32 @!p0 $0x108  }
0x21: {  	s3 =	sadd.s32 s3, s9;
	s6 =	sadd.s32 @!p0 $0x88, s6;
	s7 =	simm.s32 @p2 $0x1082  }
0x22: {  	[simem:s7], [sflag:s8] =	dma.local @!p0 [hbm:s6], $0xF7A  }
0x23: {  	s9 =	sor.u32 $0xD0000000, s2;
	s6 =	simm.s32 $0x108;
	_ =	swait.ge @!p0 [sflag:s8], $0x0  }
0x24: {  	s3 =	sadd.s32 $0x88, s3;
	s6 =	simm.s32 @!p1 $0x1082;
	[sflag:s4] =	ssyncset.s32 $0xFFFFF086  }
0x25: {  	[simem:s6], [sflag:s4] =	dma.local [hbm:s3], $0xF7A  }
0x26: {  	[smem:$0x3F94] =	sst s1;
	(tag) =	ssettag s2;
	_ =	strace s9  }
0x27: {  	s1 =	sld [smem:$0x3FA4]  }
0x28: {  	s2 =	sld [smem:$0x3FA5]  }
0x29: {  	s4 =	sld [smem:$0x3FA7]  }
0x2a: {  	p0 =	seq.s32 s5, $0x0;
	s5 =	sld [smem:$0x3FA8]  }
0x2b: {  	s6 =	sld [smem:$0x3FA9]  }
0x2c: {  	s7 =	sld [smem:$0x3FAA]  }
0x2d: {  	s3 =	simm.s32 $0x108;
	s8 =	sld [smem:$0x3FAB]  }
0x2e: {  	s3 =	simm.s32 @!p0 $0x1082;
	s9 =	sld [smem:$0x3FAC]  }
0x2f: {  	lr =	sadd.s32 s0, s3;
	s0 =	sld [smem:$0x3FA3]  }
0x30: {  	s3 =	sld [smem:$0x3FA6]  }
0x31: {  	[smem:$0x3FAF] =	sst s10  }
0x32: {  	s10 =	sld [smem:$0x3FAD];
	_ =	sdelay $0x3  }
0x33: {  	p0 =	seq.s32 s10, $0x1;
	s10 =	sld [smem:$0x3FAF];
	_ =	sdelay $0x3  }
0x34: {  	[smem:$0x3FAF] =	sst s10  }
0x35: {  	s10 =	sld [smem:$0x3FAE];
	_ =	sdelay $0x3  }
0x36: {  	p1 =	seq.s32 s10, $0x1;
	s10 =	sld [smem:$0x3FAF];
	_ =	sdelay $0x3  }
0x37: {  	[smem:$0x3FAF] =	sst s10  }
0x38: {  	s10 =	sld [smem:$0x3FB0]  }
0x39: {  	_ = 	snop;
	(pc) =	sbr.ind lr, $3  }
0x3a: {  	_ = 	snop  }
0x3b: {  	_ = 	snop  }
0x3c: {  	p2 =	seq.s32 s10, $0x1;
	s10 =	sld [smem:$0x3FAF]  }
0x3d: {  	_ =	shalt  }
0x3e: {  	_ =	shalt  }
0x3f: {  	_ =	shalt  }
0x40: {  	_ =	shalt  }
0x41: {  	_ =	shalt  }
0x42: {  	_ =	shalt  }
0x43: {  	_ =	shalt  }
0x44: {  	_ =	shalt  }
0x45: {  	_ =	shalt  }
0x46: {  	_ =	shalt  }
0x47: {  	_ =	shalt  }
0x48: {  	_ =	shalt  }
0x49: {  	_ =	shalt  }
0x4a: {  	_ =	shalt  }
0x4b: {  	_ =	shalt  }
0x4c: {  	_ =	shalt  }
0x4d: {  	_ =	shalt  }
0x4e: {  	_ =	shalt  }
0x4f: {  	_ =	shalt  }
0x50: {  	_ =	shalt  }
0x51: {  	_ =	shalt  }
0x52: {  	_ =	shalt  }
0x53: {  	_ =	shalt  }
0x54: {  	_ =	shalt  }
0x55: {  	_ =	shalt  }
0x56: {  	_ =	shalt  }
0x57: {  	_ =	shalt  }
0x58: {  	_ =	shalt  }
0x59: {  	_ =	shalt  }
0x5a: {  	_ =	shalt  }
0x5b: {  	_ =	shalt  }
0x5c: {  	_ =	shalt  }
0x5d: {  	_ =	shalt  }
0x5e: {  	_ =	shalt  }
0x5f: {  	_ =	shalt  }
0x60: {  	_ =	shalt  }
0x61: {  	_ =	shalt  }
0x62: {  	_ =	shalt  }
0x63: {  	_ =	shalt  }
0x64: {  	_ =	shalt  }
0x65: {  	_ =	shalt  }
0x66: {  	_ =	shalt  }
0x67: {  	_ =	shalt  }
0x68: {  	_ =	shalt  }
0x69: {  	_ =	shalt  }
0x6a: {  	_ =	shalt  }
0x6b: {  	_ =	shalt  }
0x6c: {  	_ =	shalt  }
0x6d: {  	_ =	shalt  }
0x6e: {  	_ =	shalt  }
0x6f: {  	_ =	shalt  }
0x70: {  	_ =	shalt  }
0x71: {  	_ =	shalt  }
0x72: {  	_ =	shalt  }
0x73: {  	_ =	shalt  }
0x74: {  	_ =	shalt  }
0x75: {  	_ =	shalt  }
0x76: {  	_ =	shalt  }
0x77: {  	_ =	shalt  }
0x78: {  	_ =	shalt  }
0x79: {  	_ =	shalt  }
0x7a: {  	_ =	shalt  }
0x7b: {  	_ =	shalt  }
0x7c: {  	_ =	shalt  }
0x7d: {  	_ =	shalt  }
0x7e: {  	_ =	shalt  }
0x7f: {  	_ =	shalt  }
0x80: {  	_ =	shalt  }
0x81: {  	_ =	shalt  }
0x82: {  	_ =	shalt  }
0x83: {  	_ =	shalt  }
0x84: {  	_ =	shalt  }
0x85: {  	_ =	shalt  }
0x86: {  	_ =	shalt  }
0x87: {  	_ =	shalt  }
.Lfunc_end0:
.L_simem_size_0:
called_computation.3_lowered:
.L_overlay_start_0:
0x88: {  	s2 =	sld [smem:$0x3FD9]  }
0x89: {  	s3 =	sld [smem:$0x3FFE];
	_ =	sdelay $0x1  }
0x8a: {  	s1 =	srdreg.scid  }
0x8b: {  	s0 =	sand.u32 $0x1, s1  }
0x8c: {  	s16 =	sshll.u32 s0, $0xA;
	s2 =	sadd.s32 s3, s2  }
0x8d: {  	s2 =	sadd.s32 s2, s16  }
0x8e: {  	[smem:$0x3FBB] =	sst s2  }
0x8f: {  	_ = 	snop  }
0x90: {  	(tm) =	ssettm $0x1  }
0x91: {  	s17 =	sld [smem:$0x3FFB];
	_ =	sdelay $0x3  }
0x92: {  	_ =	strace s17  }
0x93: {  	s2 =	sld [smem:$0x3FFC];
	_ =	sdelay $0x3  }
0x94: {  	_ =	strace s2  }
0x95: {  	s2 =	sld [smem:$0x3FFD];
	_ =	sdelay $0x3  }
0x96: {  	_ =	strace s2  }
0x97: {  	_ =	strace $0x8FFFFFFF  }
0x98: {  	s18 =	sld [smem:$0x3FDB];
	_ =	sdelay $0x1  }
0x99: {  	s19 =	simm.s32 $_scs_section_size  }
0x9a: {  	s4 =	simm.s32 $_size__tile_overlayer_lowered;
	s5 =	simm.s32 $_tile_overlayer_lowered  }
0x9b: {  	s22 =	simm.s32 $0x1BFF;
	s21 =	sshll.u32 s5, $0x1;
	s2 =	sadd.s32 s19, s18  }
0x9c: {  	s6 =	simm.s32 $0x0;
	s20 =	sshll.u32 s4, $0x1;
	s4 =	sadd.s32 s21, s2  }
0x9d: {  	[timem:s6], [sflag:s22] =	dma.local [hbm:s4], s20  }
0x9e: {  	_ =	swait.ge [sflag:s22], s20  }
0x9f: {  	s3 =	ssub.s32 $0x0, s20;
	[sflag:s22] =	ssyncset.done $0x0  }
0xa0: {  	[sflag:s22] =	ssyncadd.s32 s3;
	_ =	sdelay $0x1  }
0xa1: {  	s23 =	simm.s32 $0x1B8B  }
0xa2: {  	_ =	swait.ge [sflag:s23], $0x1  }
0xa3: {  	[sflag:s23] =	ssyncset.done $0x0  }
0xa4: {  	s25 =	simm.s32 $0x1B8E;
	s24 =	sld [smem:$0x3FFE];
	[sflag:s23] =	ssyncadd.s32 $0xFFFFFFFF  }
0xa5: {  	s26 =	simm.s32 $execute0_lowered;
	[smem:$0x3FD2] =	sst s25  }
0xa6: {  	s4 =	sshll.u32 s26, $0x1;
	_ =	strace $0x8000004F;
	[dreg:$0x1] =	wrdreg $0xFFFFFFFF  }
0xa7: {  	s28 =	simm.s32 $_size_execute0_lowered;
	s2 =	sadd.s32 s2, s4;
	[dreg:$0x0] =	wrdreg $0x0  }
0xa8: {  	s4 =	sshll.u32 s28, $0x1;
	[dreg:$0x2] =	wrdreg s2  }
0xa9: {  	[dreg:$0x3] =	wrdreg s4  }
0xaa: {  	[dreg:$0x4] =	wrdreg $0xC0  }
0xab: {  	_ =	task [dreg:s6], $0x5FFFF  }
0xac: {  	[dreg:$0x1] =	wrdreg $0xFFFFFFFF  }
0xad: {  	[dreg:$0x0] =	wrdreg $0x60  }
0xae: {  	[dreg:$0x2] =	wrdreg s24  }
0xaf: {  	[dreg:$0x3] =	wrdreg $0x0  }
0xb0: {  	[dreg:$0x4] =	wrdreg $0x9  }
0xb1: {  	_ =	task.clear_ibuf [dreg:s6], $0x5FFFF;
	_ =	strace $0x9000004F  }
0xb2: {  	s29 =	simm.s32 $0x9;
	_ =	strace $0x80000051  }
0xb3: {  	_ =	swait.ge [sflag:s29], $0x1  }
0xb4: {  	[sflag:s29] =	ssyncadd.s32 $0xFFFFFFFF  }
0xb5: {  	_ =	strace $0x90000051  }
0xb6: {  	_ =	sfence  }
0xb7: {  	s30 =	sld [smem:$0x0];
	_ =	sdelay $0x2  }
0xb8: {  	s31 =	sshll.u32 s1, $0xD;
	s1 =	sshrl.u32 s1, $0x2  }
0xb9: {  	s3 =	sand.u32 $0x4000, s31;
	s1 =	sadd.s32 s1, s30  }
0xba: {  	s0 =	sor.u32 s3, s0;
	s1 =	sshll.u32 s1, $0x11  }
0xbb: {  	s0 =	sor.u32 s1, s0  }
0xbc: {  	s0 =	sadd.s32 $0x8F2B, s0  }
0xbd: {  	[sflag:s0] =	ssyncadd.remote.s32 $0x1  }
0xbe: {  	_ =	sfence.sel $0xFFFF  }
0xbf: {  	[dreg:$0x0] =	wrdreg $0xFFFFFFFF;
	(pc) =	sbr.abs _section_cstart, $3  }
0xc0: {  	[dreg:$0x1] =	wrdreg $0xFFFFFFFF  }
0xc1: {  	_ =	task.clear_ibuf [dreg:s6], $0x2FFFF;
	_ =	strace $0x9FFFFFFF  }
0xc2: {  	(tm) =	ssettm $0x7FFFFFFF  }
0xc3: {  	_ =	shalt  }
tec
execute0_lowered:
.L_overlay_start_1:
0x0: {  	(tag) =	ssettag $0x1  }
0x1: {  	s0 =	rddreg [dreg:$0x0]  }
0x2: {  	s1 =	rddreg [dreg:$0x1];
	s2 =	simm.s32 $0x0  }
0x3: {  	s8 =	srdreg.scid;
	s4 =	stileid.u32;
	s21 =	simm.s32 $0x80  }
0x4: {  	s22 =	simm.s32 $0x14080;
	s23 =	simm.s32 $0x14100;
	[smem:$0x7FF] =	sst s2  }
0x5: {  	s3 =	sadd.s32 $0x21600, s0;
	s5 =	sadd.s32 $0x3C00, s0;
	s6 =	sadd.s32 $0x17800, s0  }
0x6: {  	s7 =	sadd.s32 $0xDA00, s0;
	s9 =	sand.u32 $0x1, s8;
	s10 =	smul.u32 $0x50000, s4  }
0x7: {  	s0 =	sadd.s32 $0x48800, s0;
	s12 =	sshll.u32 s4, $0x1;
	s14 =	smul.u32 $0x14000, s4  }
0x8: {  	_ =	strace $0x80000050;
	s8 =	ssub.s32 $0x2, s9;
	s26 =	sor.u32 s9, s12  }
0x9: {  	s16 =	smul.u32 $0x140000, s9;
	s11 =	sshrl.u32 s8, $0x1;
	s28 =	sshrl.u32 s10, $0x2  }
0xa: {  	s15 =	sadd.s32 $0x8000, s14;
	s18 =	sadd.s32 $0x10000, s14;
	s19 =	sadd.s32 $0x4000, s14  }
0xb: {  	s20 =	sadd.s32 $0xC000, s14;
	s17 =	ssub.s32 s8, s11;
	s8 =	sadd.s32 s28, s1  }
0xc: {  	s9 =	sadd.s32 s15, s1;
	s10 =	sadd.s32 s18, s1;
	s29 =	sadd.s32 s14, s16  }
0xd: {  	s13 =	sadd.s32 s16, s19;
	s11 =	smul.u32 $0x4F, s26;
	s24 =	sadd.s32 s19, s1  }
0xe: {  	s30 =	sadd.s32 s16, s15;
	s31 =	sadd.s32 s16, s20;
	s16 =	sadd.s32 s16, s18  }
0xf: {  	s25 =	sadd.s32 s20, s1;
	s18 =	simm.s32 $0x14200;
	s19 =	simm.s32 $0x2  }
0x10: {  	s20 =	simm.s32 $0x14000;
	s26 =	simm.s32 $0x1;
	s12 =	sshrl.u32 s29, $0x3  }
0x11: {  	s13 =	sshrl.u32 s13, $0x3;
	s14 =	sshrl.u32 s30, $0x3;
	s15 =	sshrl.u32 s31, $0x3  }
0x12: {  	s16 =	sshrl.u32 s16, $0x3;
	s17 =	smax.u32 s17, $0x1;
	s24 =	sshrl.u32 s24, $0x3  }
0x13: {  	s25 =	sshrl.u32 s25, $0x3;
	s12 =	sadd.s32 s0, s12;
	s13 =	sadd.s32 s0, s13  }
0x14: {  	v0 =	vimm.f32 $0.0e+00;
	s14 =	sadd.s32 s0, s14;
	s15 =	sadd.s32 s0, s15;
	s16 =	sadd.s32 s0, s16  }
.LBB2_1:
0x15: {  	s0 =	simm.s32 $0x0;
	s28 =	simm.s32 $0x200  }
.LBB2_2:
0x16: {  	p0 =	sne.s32 s28, $0x1FE00;
	[tilespmem:s0+$0x14270] =	vst v0  }
0x17: {  	[tilespmem:s0+$0x14200] =	vst v0  }
0x18: {  	[tilespmem:s0+$0x14210] =	vst v0  }
.Ltmp0:
0x19: {  	[tilespmem:s0+$0x14220] =	vst v0;
	(pc) =	sbr.rel @p0 .LBB2_2-.Ltmp0, $4  }
0x1a: {  	[tilespmem:s0+$0x14230] =	vst v0  }
0x1b: {  	[tilespmem:s0+$0x14240] =	vst v0  }
0x1c: {  	[tilespmem:s0+$0x14250] =	vst v0  }
0x1d: {  	[tilespmem:s0+$0x14260] =	vst v0;
	s0 =	sshra.s32 s28, $0x2;
	s28 =	sadd.s32 $0x200, s28  }
0x1e: {  	[tilespmem:s0+$0x14270] =	vst v0  }
0x1f: {  	[tilespmem:s0+$0x14200] =	vst v0  }
0x20: {  	[tilespmem:s0+$0x14210] =	vst v0  }
0x21: {  	[tilespmem:s0+$0x14220] =	vst v0  }
0x22: {  	[tilespmem:s0+$0x14230] =	vst v0  }
0x23: {  	[tilespmem:s0+$0x14240] =	vst v0  }
0x24: {  	[tilespmem:s0+$0x14250] =	vst v0  }
0x25: {  	[tilespmem:s0+$0x14260] =	vst v0  }
0x26: {  	[spmem:s8] =	stream.linear.scatter [tilespmem:s18], [sflag:$0x2], $0x8000, $0x38;
	[tilespmem:$0x1C200] =	vst v63  }
0x27: {  	_ =	swait.ge [sflag:s19], $0x8000  }
0x28: {  	[sflag:s19] =	ssyncset.done $0x0  }
0x29: {  	[sflag:s19] =	ssyncadd.s32 $0xFFFF8000  }
0x2a: {  	[spmem:s9] =	stream.linear.scatter [tilespmem:s18], [sflag:$0x2], $0x8000, $0x38;
	[tilespmem:$0x1C200] =	vst v63  }
0x2b: {  	_ =	swait.ge [sflag:s19], $0x8000  }
0x2c: {  	[sflag:s19] =	ssyncset.done $0x0  }
0x2d: {  	[sflag:s19] =	ssyncadd.s32 $0xFFFF8000  }
0x2e: {  	[spmem:s10] =	stream.linear.scatter [tilespmem:s18], [sflag:$0x2], $0x4000, $0x38;
	[tilespmem:$0x1C200] =	vst v63  }
0x2f: {  	_ =	swait.ge [sflag:s19], $0x4000  }
0x30: {  	[sflag:s19] =	ssyncset.done $0x0  }
0x31: {  	[sflag:s19] =	ssyncadd.s32 $0xFFFFC000  }
0x32: {  	s28 =	simm.s32 $0x0;
	s29 =	simm.s32 $0x0;
	[bflag:$0x0] =	sbarrier.arrive $0xFFFF  }
.LBB2_4:
0x33: {  	s0 =	sadd.s32 s11, s29  }
0x34: {  	s0 =	sshll.u32 s0, $0x4  }
0x35: {  	s30 =	sadd.s32 s6, s0  }
0x36: {  	[tilespmem:s20], [sflag:$0x2] =	stream.linear.gather [hbm4b:s30+s28], $0x80, $0x38;
	[tilespmem:$0x1C200] =	vst v63  }
0x37: {  	_ =	swait.ge [sflag:s19], $0x80  }
0x38: {  	[sflag:s19] =	ssyncset.done $0x0  }
0x39: {  	[sflag:s19] =	ssyncadd.s32 $0xFFFFFF80  }
0x3a: {  	[tilespmem:s18], [sflag:$0x1] =	stream.indirect.gather [hbm4b:s3+s21], $0x80, s20, s21, $0xb8;
	[tilespmem:$0x1C200] =	vst v63  }
0x3b: {  	s30 =	sadd.s32 s5, s0  }
0x3c: {  	[tilespmem:s22], [sflag:$0x2] =	stream.linear.gather [hbm4b:s30+s28], $0x80, $0x38;
	[tilespmem:$0x1C200] =	vst v63  }
0x3d: {  	_ =	swait.ge [sflag:s19], $0x80  }
0x3e: {  	[sflag:s19] =	ssyncset.done $0x0  }
0x3f: {  	s0 =	sadd.s32 s7, s0;
	[sflag:s19] =	ssyncadd.s32 $0xFFFFFF80  }
0x40: {  	[tilespmem:s23], [sflag:$0x2] =	stream.linear.gather [hbm4b:s0+s28], $0x80, $0x38;
	[tilespmem:$0x1C200] =	vst v63  }
0x41: {  	_ =	swait.ge [sflag:s19], $0x80  }
0x42: {  	[sflag:s19] =	ssyncset.done $0x0  }
0x43: {  	[sflag:s19] =	ssyncadd.s32 $0xFFFFFF80  }
0x44: {  	_ =	swait.ge [sflag:s26], $0x4000  }
0x45: {  	[sflag:s26] =	ssyncset.done $0x0  }
0x46: {  	s30 =	simm.s32 $0x14240;
	[sflag:s26] =	ssyncadd.s32 $0xFFFFC000  }
0x47: {  	v5 =	vld [tilespmem:s30+$0x30]  }
0x48: {  	v8 =	vld [tilespmem:s30+$0x10]  }
0x49: {  	s4 =	simm.s32 $0x0;
	v6 =	vld [tilespmem:s30+$0xFFFFFFC0]  }
0x4a: {  	v2 =	vld.msk [tilespmem:s4+$0x14100 ss:$0x0], $0xffff  }
0x4b: {  	v10 =	vld [tilespmem:s30+$0xFFFFFFE0]  }
0x4c: {  	v1 =	vld [tilespmem:s30+$0xFFFFFFF0]  }
0x4d: {  	v3 =	vld [tilespmem:s30+$0x20]  }
0x4e: {  	v4 =	vld [tilespmem:s30+$0xFFFFFFD0]  }
0x4f: {  	v9 =	vmul.f32 v5, v2;
	v5 =	vld [tilespmem:s30+$0x0]  }
0x50: {  	v7 =	vmul.f32 v2, v6  }
0x51: {  	s31 =	simm.s32 $0x4;
	s0 =	simm.s32 $0x14240;
	v6 =	vmul.f32 v10, v2;
	v8 =	vmul.f32 v8, v2  }
.LBB2_5:
0x52: {  	p0 =	sne.s32 s31, $0x1FC  }
0x53: {  	v4 =	vmul.f32 v4, v2;
	v3 =	vmul.f32 v3, v2;
	[tilespmem:s30+$0x30] =	vst v9;
	s0 =	sadd.s32 $0x80, s0;
	s4 =	smov.u32 s31;
	s31 =	sadd.s32 $0x4, s31  }
0x54: {  	[tilespmem:s30+$0xFFFFFFC0] =	vst v7;
	v7 =	vmul.f32 v1, v2;
	v2 =	vmul.f32 v5, v2  }
0x55: {  	[tilespmem:s30+$0x10] =	vst v8  }
0x56: {  	[tilespmem:s30+$0xFFFFFFE0] =	vst v6  }
0x57: {  	v1 =	vld [tilespmem:s0+$0xFFFFFFF0];
	[tilespmem:s30+$0xFFFFFFF0] =	vst v7  }
0x58: {  	v6 =	vld [tilespmem:s0+$0x30];
	[tilespmem:s30+$0x0] =	vst v2  }
0x59: {  	v8 =	vld [tilespmem:s0+$0x10];
	[tilespmem:s30+$0x20] =	vst v3  }
0x5a: {  	s4 =	sshra.s32 s4, $0x2;
	v7 =	vld [tilespmem:s0+$0xFFFFFFC0];
	[tilespmem:s30+$0xFFFFFFD0] =	vst v4;
	s30 =	smov.u32 s0  }
0x5b: {  	v2 =	vld.msk [tilespmem:s4+$0x14100 ss:$0x0], $0xffff  }
0x5c: {  	v10 =	vld [tilespmem:s0+$0xFFFFFFE0]  }
0x5d: {  	v3 =	vld [tilespmem:s0+$0x20]  }
.Ltmp1:
0x5e: {  	v4 =	vld [tilespmem:s0+$0xFFFFFFD0];
	(pc) =	sbr.rel @p0 .LBB2_5-.Ltmp1, $3  }
0x5f: {  	v5 =	vld [tilespmem:s0+$0x0];
	_ =	sdelay $0x1  }
0x60: {  	v7 =	vmul.f32 v2, v7;
	v9 =	vmul.f32 v6, v2  }
0x61: {  	v8 =	vmul.f32 v8, v2;
	v6 =	vmul.f32 v10, v2  }
0x62: {  	[tilespmem:s30+$0x30] =	vst v9  }
0x63: {  	[tilespmem:s30+$0xFFFFFFC0] =	vst v7  }
0x64: {  	v1 =	vmul.f32 v1, v2;
	[tilespmem:s30+$0x10] =	vst v8  }
0x65: {  	v3 =	vmul.f32 v3, v2;
	[tilespmem:s30+$0xFFFFFFE0] =	vst v6  }
0x66: {  	v5 =	vmul.f32 v5, v2;
	[tilespmem:s30+$0xFFFFFFF0] =	vst v1  }
0x67: {  	s29 =	sadd.s32 $0x1, s29;
	v1 =	vmul.f32 v4, v2;
	[tilespmem:s30+$0x20] =	vst v3  }
0x68: {  	p0 =	sne.s32 s29, $0x4F;
	[tilespmem:s30+$0x0] =	vst v5  }
.Ltmp2:
0x69: {  	[tilespmem:s30+$0xFFFFFFD0] =	vst v1;
	(pc) =	sbr.rel @p0 .LBB2_4-.Ltmp2, $4  }
0x6a: {  	[spmem:s1] =	stream.indirect.scatter.add.f32 [tilespmem:s18], [sflag:$0x2], $0x80, s22, s21, $0xb8;
	[tilespmem:$0x1C200] =	vst v63  }
0x6b: {  	_ =	swait.ge [sflag:s19], $0x4000  }
0x6c: {  	[sflag:s19] =	ssyncset.done $0x0  }
0x6d: {  	[sflag:s19] =	ssyncadd.s32 $0xFFFFC000  }
0x6e: {  	s0 =	stileid.u32  }
0x6f: {  	s0 =	sshll.u32 s0, $0x6  }
0x70: {  	[bflag:$0x0] =	sbarrier.arrive $0xFFFF;
	s4 =	sshrl.u32 s8, $0x3;
	s0 =	sor.u32 $0x1C02, s0  }
0x71: {  	[hbm:s12], [sflag:s0] =	dma.local [spmem:s4], $0x800  }
0x72: {  	_ =	swait.ge [sflag:s19], $0x800  }
0x73: {  	[sflag:s19] =	ssyncset.done $0x0  }
0x74: {  	[sflag:s19] =	ssyncadd.s32 $0xFFFFF800  }
0x75: {  	[hbm:s13], [sflag:s0] =	dma.local [spmem:s24], $0x800  }
0x76: {  	_ =	swait.ge [sflag:s19], $0x800  }
0x77: {  	[sflag:s19] =	ssyncset.done $0x0  }
0x78: {  	s30 =	sshrl.u32 s9, $0x3;
	[sflag:s19] =	ssyncadd.s32 $0xFFFFF800  }
0x79: {  	[hbm:s14], [sflag:s0] =	dma.local [spmem:s30], $0x800  }
0x7a: {  	_ =	swait.ge [sflag:s19], $0x800  }
0x7b: {  	[sflag:s19] =	ssyncset.done $0x0  }
0x7c: {  	[sflag:s19] =	ssyncadd.s32 $0xFFFFF800  }
0x7d: {  	[hbm:s15], [sflag:s0] =	dma.local [spmem:s25], $0x800  }
0x7e: {  	s2 =	sadd.s32 $0x1, s2;
	_ =	swait.ge [sflag:s19], $0x800  }
0x7f: {  	p0 =	sne.s32 s2, s17;
	[sflag:s19] =	ssyncset.done $0x0  }
.Ltmp3:
0x80: {  	s31 =	sshrl.u32 s10, $0x3;
	[sflag:s19] =	ssyncadd.s32 $0xFFFFF800;
	(pc) =	sbr.rel @p0 .LBB2_1-.Ltmp3, $4  }
0x81: {  	[hbm:s16], [sflag:s0] =	dma.local [spmem:s31], $0x800  }
0x82: {  	_ =	swait.ge [sflag:s19], $0x800  }
0x83: {  	[sflag:s19] =	ssyncset.done $0x0  }
0x84: {  	[sflag:s19] =	ssyncadd.s32 $0xFFFFF800  }
0x85: {  	_ =	sfence.sel $0x180000  }
0x86: {  	[bflag:$0x0] =	sbarrier.arrive $0xFFFF  }
0x87: {  	_ =	strace $0x90000050  }
0x88: {  	s0 =	stileid.u32;
	[bflag:$0x2] =	sbarrier.arrive $0xFFFF  }
0x89: {  	p0 =	sne.s32 s0, $0x0;
	s0 =	rddreg [dreg:$0x2]  }
0x8a: {  	s0 =	sadd.s32 @!p0 $0x100000, s0  }
0x8b: {  	[sflag:s0] =	ssyncadd.tile.s32 @!p0 $0x1;
	_ =	shalt  }
.Lfunc_end2:
_tile_overlayer_lowered:
.L_overlay_start_2:
0x8c: {  	(tag) =	ssettag $0x2  }
0x8d: {  	s0 =	rddreg [dreg:$0x0];
	s2 =	stileid.u32  }
0x8e: {  	s1 =	rddreg [dreg:$0x1];
	p0 =	sne.s32 s2, $0x0  }
0x8f: {  	s3 =	rddreg [dreg:$0x2];
	[bflag:$0x3] =	sbarrier.arrive $0xFFFF;
	s2 =	simm.s32 @!p0 $0x1C02  }
0x90: {  	[timem:s3], [sflag:s2] =	dma.local @!p0 [hbm:s0], s1  }
0x91: {  	s0 =	simm.s32 @!p0 $0x2  }
0x92: {  	_ =	swait.ge @!p0 [sflag:s0], s1  }
0x93: {  	s1 =	ssub.s32 @!p0 $0x0, s1;
	[sflag:s0] =	ssyncset.done @!p0 $0x0  }
0x94: {  	[sflag:s0] =	ssyncadd.s32 @!p0 s1  }
0x95: {  	[bflag:$0x3] =	sbarrier.arrive $0xFFFF  }
0x96: {  	_ =	shalt  }

</sc_bundles>
